<compile_context>
chip_gen: v7x
topology: tpu7x:2x2x1
jax: 0.10.2.dev20260603
libtpu: 0.0.44.dev20260713+nightly
codegen_flags: <defaults>
</compile_context>

<pallas_src>
import functools

import jax
import jax.numpy as jnp
from jax import lax
from jax.experimental import pallas as pl
from jax.experimental.pallas import tpu as pltpu
from jax.experimental.pallas import tpu_sc as plsc

NC = 2
NS = 16
NW = NC * NS


def _chunk_size(epw):
    for k in (128, 80, 64, 40, 16, 8):
        if epw % k == 0:
            return k
    raise ValueError(f"edges-per-worker {epw} not divisible by a valid chunk")


@functools.lru_cache(maxsize=None)
def _deg_pass(n_pad, e, d):
    epw = e // NW
    k = _chunk_size(epw)
    nchunk = epw // k
    rpt = n_pad // NS

    mesh = plsc.VectorSubcoreMesh(core_axis_name="c", subcore_axis_name="s")

    @functools.partial(
        pl.kernel,
        out_type=jax.ShapeDtypeStruct((NC, n_pad, d), jnp.float32),
        mesh=mesh,
        scratch_types=[
            pltpu.VMEM((nchunk, k), jnp.int32),
            pltpu.VMEM((k, d), jnp.float32),
            pltpu.VMEM_SHARED((n_pad, d), jnp.float32),
            pltpu.SemaphoreType.DMA,
        ],
    )
    def deg_kernel(
        dst_hbm, ones_hbm, zeros_hbm, out_hbm, dst_v, ones_v, acc_sh, ssem
    ):
        cid = lax.axis_index("c")
        sid = lax.axis_index("s")
        wid = cid * NS + sid

        pltpu.sync_copy(ones_hbm, ones_v)

        r0 = sid * rpt
        pltpu.sync_copy(dst_hbm.at[wid], dst_v)
        pltpu.sync_copy(zeros_hbm.at[pl.ds(r0, rpt)], acc_sh.at[pl.ds(r0, rpt)])
        plsc.subcore_barrier()

        grp = 16

        @pl.loop(0, nchunk // grp)
        def _body(j):
            for t in range(grp):
                pltpu.async_copy(
                    ones_v, acc_sh.at[dst_v.at[j * grp + t]], ssem, add=True
                )
            for t in range(grp):
                pltpu.make_async_copy(
                    ones_v, acc_sh.at[dst_v.at[j * grp + t]], ssem
                ).wait()

        for ci in range(nchunk - nchunk % grp, nchunk):
            pltpu.sync_copy(ones_v, acc_sh.at[dst_v.at[ci]], add=True)

        plsc.subcore_barrier()
        pltpu.sync_copy(
            acc_sh.at[pl.ds(r0, rpt)], out_hbm.at[cid, pl.ds(r0, rpt)]
        )

    return deg_kernel


@functools.lru_cache(maxsize=None)
def _edge_pass(n_pad, e, d):
    epw = e // NW
    k = _chunk_size(epw)
    nchunk = epw // k
    rpt = n_pad // NS

    mesh = plsc.VectorSubcoreMesh(core_axis_name="c", subcore_axis_name="s")

    @functools.partial(
        pl.kernel,
        out_type=jax.ShapeDtypeStruct((NC, n_pad, d), jnp.float32),
        mesh=mesh,
        scratch_types=[
            pltpu.VMEM((epw,), jnp.int32),
            pltpu.VMEM((nchunk, k), jnp.int32),
            pltpu.VMEM((k, d), jnp.float32),
            pltpu.VMEM((k, d), jnp.float32),
            pltpu.VMEM_SHARED((n_pad, d), jnp.float32),
            pltpu.SemaphoreType.DMA,
            pltpu.SemaphoreType.DMA,
        ],
    )
    def pass_kernel(
        y_hbm, src_hbm, dst_hbm, zeros_hbm, out_hbm,
        src_v, dst_v, rows0, rows1, acc_sh, sem0, sem1,
    ):
        cid = lax.axis_index("c")
        sid = lax.axis_index("s")
        wid = cid * NS + sid

        r0 = sid * rpt
        base = pl.multiple_of(wid * epw, 8)
        pltpu.sync_copy(src_hbm.at[pl.ds(base, epw)], src_v)
        pltpu.sync_copy(dst_hbm.at[wid], dst_v)
        pltpu.sync_copy(zeros_hbm.at[pl.ds(r0, rpt)], acc_sh.at[pl.ds(r0, rpt)])
        plsc.subcore_barrier()

        def start_gather(ci, buf, sem):
            pltpu.async_copy(y_hbm.at[src_v.at[pl.ds(ci * k, k)]], buf, sem)

        def wait_gather(ci, buf, sem):
            pltpu.make_async_copy(
                y_hbm.at[src_v.at[pl.ds(ci * k, k)]], buf, sem
            ).wait()

        def finish(ci, buf, sem):
            wait_gather(ci, buf, sem)
            pltpu.sync_copy(buf, acc_sh.at[dst_v.at[ci]], add=True)

        start_gather(0, rows0, sem0)

        @pl.loop(0, nchunk // 2)
        def _body(j):
            ci = 2 * j
            start_gather(ci + 1, rows1, sem1)
            finish(ci, rows0, sem0)

            @pl.when(ci + 2 < nchunk)
            def _():
                start_gather(ci + 2, rows0, sem0)

            finish(ci + 1, rows1, sem1)

        if nchunk % 2 == 1:
            finish(nchunk - 1, rows0, sem0)

        plsc.subcore_barrier()
        pltpu.sync_copy(
            acc_sh.at[pl.ds(r0, rpt)], out_hbm.at[cid, pl.ds(r0, rpt)]
        )

    return pass_kernel


def _dinv_block(deg_a, deg_b):
    return lax.rsqrt(deg_a[0, :, 0:1] + deg_b[0, :, 0:1] + 1.0)


def _scale_body(deg_a, deg_b, x_ref, o_ref):
    o_ref[...] = _dinv_block(deg_a[...], deg_b[...]) * x_ref[...]


def _fused1_body(deg_a, deg_b, s_a, s_b, y_ref, w_ref, b_ref, o_ref):
    dinv = _dinv_block(deg_a[...], deg_b[...])
    agg = dinv * (s_a[0] + s_b[0] + y_ref[...])
    h = (
        jnp.dot(
            agg,
            w_ref[...],
            precision=lax.Precision.HIGHEST,
            preferred_element_type=jnp.float32,
        )
        + b_ref[...]
    )
    o_ref[...] = dinv * jnp.maximum(h, 0.0)


def _fused2_body(deg_a, deg_b, s_a, s_b, y_ref, w_ref, b_ref, o1_ref, o2_ref):
    dinv = _dinv_block(deg_a[...], deg_b[...])
    agg = dinv * (s_a[0] + s_b[0] + y_ref[...])
    out = (
        jnp.dot(
            agg,
            w_ref[...],
            precision=lax.Precision.HIGHEST,
            preferred_element_type=jnp.float32,
        )
        + b_ref[...]
    )
    half = o1_ref.shape[1]
    o1_ref[...] = out[:, :half]
    o2_ref[...] = out[:, half:]


def _core_blocks(r, width):
    top = pl.BlockSpec((1, r, width), lambda i: (0, i, 0))
    bot = pl.BlockSpec((1, r, width), lambda i: (1, i, 0))
    return top, bot


def _scale_call(n, din, r, deg2, x):
    dtop, dbot = _core_blocks(r, din)
    return pl.pallas_call(
        _scale_body,
        out_shape=jax.ShapeDtypeStruct((n, din), jnp.float32),
        grid=(n // r,),
        in_specs=[
            dtop,
            dbot,
            pl.BlockSpec((r, din), lambda i: (i, 0)),
        ],
        out_specs=pl.BlockSpec((r, din), lambda i: (i, 0)),
    )(deg2, deg2, x)


def _fused_call(body, n, din, dout, r, deg2, s2, y, w, b, n_out=1):
    dtop, dbot = _core_blocks(r, din)
    stop, sbot = _core_blocks(r, din)
    if n_out == 1:
        out_shape = jax.ShapeDtypeStruct((n, dout), jnp.float32)
        out_specs = pl.BlockSpec((r, dout), lambda i: (i, 0))
    else:
        half = dout // 2
        out_shape = [
            jax.ShapeDtypeStruct((n, half), jnp.float32),
            jax.ShapeDtypeStruct((n, half), jnp.float32),
        ]
        out_specs = [
            pl.BlockSpec((r, half), lambda i: (i, 0)),
            pl.BlockSpec((r, half), lambda i: (i, 0)),
        ]
    return pl.pallas_call(
        body,
        out_shape=out_shape,
        grid=(n // r,),
        in_specs=[
            dtop,
            dbot,
            stop,
            sbot,
            pl.BlockSpec((r, din), lambda i: (i, 0)),
            pl.BlockSpec((din, dout), lambda i: (0, 0)),
            pl.BlockSpec((1, dout), lambda i: (0, 0)),
        ],
        out_specs=out_specs,
    )(deg2, deg2, s2, s2, y, w, b)


def kernel(x, edge_index, W1, b1, W_mu, b_mu, W_ls, b_ls):
    n, din = x.shape
    e = edge_index.shape[1]
    dout = W_mu.shape[1]
    n_pad = ((n + 127) // 128) * 128
    r = 2000 if n % 2000 == 0 else (1000 if n % 1000 == 0 else 500)

    epw = e // NW
    k3 = _chunk_size(epw)
    src = edge_index[0]
    dst = edge_index[1].reshape(NW, epw // k3, k3)
    row_zeros = jnp.zeros((n_pad, din), jnp.float32)
    ones_pat = jnp.zeros((k3, din), jnp.float32).at[:, 0].set(1.0)

    deg2 = _deg_pass(n_pad, e, din)(dst, ones_pat, row_zeros)

    y1 = _scale_call(n, din, r, deg2, x)
    s1 = _edge_pass(n_pad, e, din)(y1, src, dst, row_zeros)
    y2 = _fused_call(
        _fused1_body, n, din, din, r, deg2, s1, y1, W1, b1.reshape(1, -1)
    )
    s2 = _edge_pass(n_pad, e, din)(y2, src, dst, row_zeros)

    wc = jnp.concatenate([W_mu, W_ls], axis=1)
    bc = jnp.concatenate([b_mu, b_ls]).reshape(1, -1)
    mu, ls = _fused_call(
        _fused2_body, n, din, 2 * dout, r, deg2, s2, y2, wc, bc, n_out=2
    )
    return mu, ls

# --- scband reference (transcript-rebuilt; emitter-appended) ---
"""Pipeline reference for scband-variational-gcnencoder-68186900791376 (READ-ONLY COPY).

The authoritative reference and input builder live on the scoring server;
editing this copy changes nothing except your own understanding.
"""

import jax, jax.numpy as jnp
import numpy as np

N = 10000
E = 320000
D_IN = 128
D_OUT = 64
D_HID = 2 * D_OUT


def setup_inputs(seed: int = 0) -> dict:
    key = jax.random.key(seed)
    ks = jax.random.split(key, 8)
    x = jax.random.normal(ks[0], (N, D_IN), dtype=jnp.float32)
    edge_index = jax.random.randint(ks[1], (2, E), 0, N, dtype=jnp.int32)
    def glorot(k, fan_in, fan_out):
        limit = jnp.sqrt(6.0 / (fan_in + fan_out))
        return jax.random.uniform(k, (fan_in, fan_out), dtype=jnp.float32, minval=-limit, maxval=limit)
    W1 = glorot(ks[2], D_IN, D_HID)
    b1 = jnp.zeros((D_HID,), dtype=jnp.float32)
    W_mu = glorot(ks[3], D_HID, D_OUT)
    b_mu = jnp.zeros((D_OUT,), dtype=jnp.float32)
    W_ls = glorot(ks[4], D_HID, D_OUT)
    b_ls = jnp.zeros((D_OUT,), dtype=jnp.float32)
    return {"x": x, "edge_index": edge_index, "W1": W1, "b1": b1, "W_mu": W_mu, "b_mu": b_mu, "W_ls": W_ls, "b_ls": b_ls}


def gcn_conv(x, edge_index, W, b):
    # PyG GCNConv: x' = D^{-1/2} (A + I) D^{-1/2} (x @ W) + b
    n = x.shape[0]
    h = x @ W
    loop = jnp.arange(n, dtype=edge_index.dtype)
    src = jnp.concatenate([edge_index[0], loop])
    dst = jnp.concatenate([edge_index[1], loop])
    deg = jax.ops.segment_sum(jnp.ones_like(src, dtype=h.dtype), dst, num_segments=n)
    dinv = jnp.where(deg > 0, jax.lax.rsqrt(deg), 0.0)
    norm = dinv[src] * dinv[dst]
    msg = h[src] * norm[:, None]
    out = jax.ops.segment_sum(msg, dst, num_segments=n)
    return out + b


def reference(x, edge_index, W1, b1, W_mu, b_mu, W_ls, b_ls):
    h = jax.nn.relu(gcn_conv(x, edge_index, W1, b1))
    mu = gcn_conv(h, edge_index, W_mu, b_mu)
    logstd = gcn_conv(h, edge_index, W_ls, b_ls)
    return (mu, logstd)

if __name__ == "__main__":
    import jax
    _d = setup_inputs()
    print(jax.jit(kernel)(*tuple(_d.values())))

</pallas_src>

<mosaic_0001>
#map = affine_map<(d0, d1) -> (0, 0, 0)>
#map1 = affine_map<(d0, d1) -> (0, 0)>
module attributes {stable_mosaic.version = 14 : i64} {
  func.func @deg_kernel(%arg0: i32, %arg1: i32, %arg2: memref<32x125x80xi32, #tpu.memory_space<hbm>>, %arg3: memref<80x128xf32, #tpu.memory_space<hbm>>, %arg4: memref<10112x128xf32, #tpu.memory_space<hbm>>, %arg5: memref<2x10112x128xf32, #tpu.memory_space<hbm>>, %arg6: memref<125x80xi32, #tpu.memory_space<vmem>>, %arg7: memref<80x128xf32, #tpu.memory_space<vmem>>, %arg8: memref<10112x128xf32, #tpu.memory_space<vmem_shared>>, %arg9: memref<!tpu.dma_semaphore, #tpu.memory_space<semaphore_mem>>) attributes {dimension_semantics = [#tpu.dimension_semantics<core_parallel>, #tpu.dimension_semantics<subcore_parallel>], iteration_bounds = array<i64: 2, 16>, scalar_prefetch = 0 : i64, scratch_operands = 4 : i64, tpu.core_type = #tpu.core_type<sc_vector_subcore>, window_params = [{transform_indices = #map}, {transform_indices = #map1}, {transform_indices = #map1}, {transform_indices = #map}]} {
    %mul3A = arith.constant 16 : i32
    %mul3A_0 = arith.muli %arg0, %mul3A : i32
    %add3A = arith.addi %mul3A_0, %arg1 : i32
    "tpu.region"() ({
      %run_scoped3A_20 = tpu.sem_alloc : memref<!tpu.dma_semaphore, #tpu.memory_space<semaphore_mem>>
      tpu.enqueue_dma source(%arg3 : memref<80x128xf32, #tpu.memory_space<hbm>>) target(%arg7 : memref<80x128xf32, #tpu.memory_space<vmem>>) target_semaphore(%run_scoped3A_20 : memref<!tpu.dma_semaphore, #tpu.memory_space<semaphore_mem>>)
      tpu.wait_dma2 semaphore(%run_scoped3A_20 : memref<!tpu.dma_semaphore, #tpu.memory_space<semaphore_mem>>) src(%arg3 : memref<80x128xf32, #tpu.memory_space<hbm>>) dst(%arg7 : memref<80x128xf32, #tpu.memory_space<vmem>>)
      tpu.yield
    }) : () -> ()
    %mul3A_1 = arith.constant 632 : i32
    %mul3A_2 = arith.muli %arg1, %mul3A_1 : i32
    "tpu.region"() ({
      %run_scoped3A_20 = tpu.sem_alloc : memref<!tpu.dma_semaphore, #tpu.memory_space<semaphore_mem>>
      %dma_start3A = arith.constant 0 : i32
      %dma_start3A_21 = arith.constant 0 : i32
      %dma_start3A_22 = tpu.memref_slice %arg2[%add3A, %dma_start3A, %dma_start3A_21] : memref<32x125x80xi32, #tpu.memory_space<hbm>> -> memref<1x125x80xi32, #tpu.memory_space<hbm>>
      %dma_start3A_23 = tpu.memref_squeeze %dma_start3A_22 : memref<1x125x80xi32, #tpu.memory_space<hbm>> -> memref<125x80xi32, #tpu.memory_space<hbm>>
      %dma_start3A_24 = arith.constant 0 : i32
      %dma_start3A_25 = arith.constant 0 : i32
      %dma_start3A_26 = tpu.memref_slice %arg2[%add3A, %dma_start3A_24, %dma_start3A_25] : memref<32x125x80xi32, #tpu.memory_space<hbm>> -> memref<1x125x80xi32, #tpu.memory_space<hbm>>
      %dma_start3A_27 = tpu.memref_squeeze %dma_start3A_26 : memref<1x125x80xi32, #tpu.memory_space<hbm>> -> memref<125x80xi32, #tpu.memory_space<hbm>>
      tpu.enqueue_dma source(%dma_start3A_27 : memref<125x80xi32, #tpu.memory_space<hbm>>) target(%arg6 : memref<125x80xi32, #tpu.memory_space<vmem>>) target_semaphore(%run_scoped3A_20 : memref<!tpu.dma_semaphore, #tpu.memory_space<semaphore_mem>>)
      %dma_wait3A = arith.constant 0 : i32
      %dma_wait3A_28 = arith.constant 0 : i32
      %dma_wait3A_29 = tpu.memref_slice %arg2[%add3A, %dma_wait3A, %dma_wait3A_28] : memref<32x125x80xi32, #tpu.memory_space<hbm>> -> memref<1x125x80xi32, #tpu.memory_space<hbm>>
      %dma_wait3A_30 = tpu.memref_squeeze %dma_wait3A_29 : memref<1x125x80xi32, #tpu.memory_space<hbm>> -> memref<125x80xi32, #tpu.memory_space<hbm>>
      %dma_wait3A_31 = arith.constant 0 : i32
      %dma_wait3A_32 = arith.constant 0 : i32
      %dma_wait3A_33 = tpu.memref_slice %arg2[%add3A, %dma_wait3A_31, %dma_wait3A_32] : memref<32x125x80xi32, #tpu.memory_space<hbm>> -> memref<1x125x80xi32, #tpu.memory_space<hbm>>
      %dma_wait3A_34 = tpu.memref_squeeze %dma_wait3A_33 : memref<1x125x80xi32, #tpu.memory_space<hbm>> -> memref<125x80xi32, #tpu.memory_space<hbm>>
      tpu.wait_dma2 semaphore(%run_scoped3A_20 : memref<!tpu.dma_semaphore, #tpu.memory_space<semaphore_mem>>) src(%dma_wait3A_34 : memref<125x80xi32, #tpu.memory_space<hbm>>) dst(%arg6 : memref<125x80xi32, #tpu.memory_space<vmem>>)
      tpu.yield
    }) : () -> ()
    "tpu.region"() ({
      %run_scoped3A_20 = tpu.sem_alloc : memref<!tpu.dma_semaphore, #tpu.memory_space<semaphore_mem>>
      %dma_start3A = arith.constant 0 : i32
      %dma_start3A_21 = tpu.memref_slice %arg8[%mul3A_2, %dma_start3A] : memref<10112x128xf32, #tpu.memory_space<vmem_shared>> -> memref<632x128xf32, #tpu.memory_space<vmem_shared>>
      %dma_start3A_22 = arith.constant 0 : i32
      %dma_start3A_23 = tpu.memref_slice %arg4[%mul3A_2, %dma_start3A_22] : memref<10112x128xf32, #tpu.memory_space<hbm>> -> memref<632x128xf32, #tpu.memory_space<hbm>>
      tpu.enqueue_dma source(%dma_start3A_23 : memref<632x128xf32, #tpu.memory_space<hbm>>) target(%dma_start3A_21 : memref<632x128xf32, #tpu.memory_space<vmem_shared>>) target_semaphore(%run_scoped3A_20 : memref<!tpu.dma_semaphore, #tpu.memory_space<semaphore_mem>>)
      %dma_wait3A = arith.constant 0 : i32
      %dma_wait3A_24 = tpu.memref_slice %arg8[%mul3A_2, %dma_wait3A] : memref<10112x128xf32, #tpu.memory_space<vmem_shared>> -> memref<632x128xf32, #tpu.memory_space<vmem_shared>>
      %dma_wait3A_25 = arith.constant 0 : i32
      %dma_wait3A_26 = tpu.memref_slice %arg4[%mul3A_2, %dma_wait3A_25] : memref<10112x128xf32, #tpu.memory_space<hbm>> -> memref<632x128xf32, #tpu.memory_space<hbm>>
      tpu.wait_dma2 semaphore(%run_scoped3A_20 : memref<!tpu.dma_semaphore, #tpu.memory_space<semaphore_mem>>) src(%dma_wait3A_26 : memref<632x128xf32, #tpu.memory_space<hbm>>) dst(%dma_wait3A_24 : memref<632x128xf32, #tpu.memory_space<vmem_shared>>)
      tpu.yield
    }) : () -> ()
    %barrier3A = arith.constant 0 : index
    tpu.barrier barrier_id(%barrier3A)
    %scan3A = arith.constant 0 : i32
    %scan3A_3 = arith.constant 7 : i32
    %scan3A_4 = arith.addi %scan3A, %scan3A_3 : i32
    %scan3A_5 = arith.constant 1 : i32
    scf.for %scan3A_20 = %scan3A to %scan3A_4 step %scan3A_5  : i32 {
      %mul3A_21 = arith.constant 1 : i32
      %mul3A_22 = arith.muli %scan3A_20, %mul3A_21 : i32
      %add3A_23 = arith.constant 0 : i32
      %add3A_24 = arith.addi %add3A_23, %mul3A_22 : i32
      %mul3A_25 = arith.constant 16 : i32
      %mul3A_26 = arith.muli %add3A_24, %mul3A_25 : i32
      %add3A_27 = arith.constant 0 : i32
      %add3A_28 = arith.addi %mul3A_26, %add3A_27 : i32
      %dma_start3A = arith.constant 0 : i32
      %dma_start3A_29 = tpu.memref_slice %arg6[%add3A_28, %dma_start3A] : memref<125x80xi32, #tpu.memory_space<vmem>> -> memref<1x80xi32, #tpu.memory_space<vmem>>
      %dma_start3A_30 = tpu.memref_squeeze %dma_start3A_29 : memref<1x80xi32, #tpu.memory_space<vmem>> -> memref<80xi32, #tpu.memory_space<vmem>>
      %dma_start3A_31 = arith.constant 0 : i32
      %dma_start3A_32 = arith.constant 0 : i32
      %dma_start3A_33 = tpu.memref_slice %arg8[%dma_start3A_31, %dma_start3A_32] : memref<10112x128xf32, #tpu.memory_space<vmem_shared>> -> memref<10112x128xf32, #tpu.memory_space<vmem_shared>>
      tpu.enqueue_indirect_dma source(%arg7 : memref<80x128xf32, #tpu.memory_space<vmem>>) target(%dma_start3A_33 : memref<10112x128xf32, #tpu.memory_space<vmem_shared>>) offsets(%dma_start3A_30 : memref<80xi32, #tpu.memory_space<vmem>>) semaphore(%arg9 : memref<!tpu.dma_semaphore, #tpu.memory_space<semaphore_mem>>) {add = true}
      %mul3A_34 = arith.constant 16 : i32
      %mul3A_35 = arith.muli %add3A_24, %mul3A_34 : i32
      %add3A_36 = arith.constant 1 : i32
      %add3A_37 = arith.addi %mul3A_35, %add3A_36 : i32
      %dma_start3A_38 = arith.constant 0 : i32
      %dma_start3A_39 = tpu.memref_slice %arg6[%add3A_37, %dma_start3A_38] : memref<125x80xi32, #tpu.memory_space<vmem>> -> memref<1x80xi32, #tpu.memory_space<vmem>>
      %dma_start3A_40 = tpu.memref_squeeze %dma_start3A_39 : memref<1x80xi32, #tpu.memory_space<vmem>> -> memref<80xi32, #tpu.memory_space<vmem>>
      %dma_start3A_41 = arith.constant 0 : i32
      %dma_start3A_42 = arith.constant 0 : i32
      %dma_start3A_43 = tpu.memref_slice %arg8[%dma_start3A_41, %dma_start3A_42] : memref<10112x128xf32, #tpu.memory_space<vmem_shared>> -> memref<10112x128xf32, #tpu.memory_space<vmem_shared>>
      tpu.enqueue_indirect_dma source(%arg7 : memref<80x128xf32, #tpu.memory_space<vmem>>) target(%dma_start3A_43 : memref<10112x128xf32, #tpu.memory_space<vmem_shared>>) offsets(%dma_start3A_40 : memref<80xi32, #tpu.memory_space<vmem>>) semaphore(%arg9 : memref<!tpu.dma_semaphore, #tpu.memory_space<semaphore_mem>>) {add = true}
      %mul3A_44 = arith.constant 16 : i32
      %mul3A_45 = arith.muli %add3A_24, %mul3A_44 : i32
      %add3A_46 = arith.constant 2 : i32
      %add3A_47 = arith.addi %mul3A_45, %add3A_46 : i32
      %dma_start3A_48 = arith.constant 0 : i32
      %dma_start3A_49 = tpu.memref_slice %arg6[%add3A_47, %dma_start3A_48] : memref<125x80xi32, #tpu.memory_space<vmem>> -> memref<1x80xi32, #tpu.memory_space<vmem>>
      %dma_start3A_50 = tpu.memref_squeeze %dma_start3A_49 : memref<1x80xi32, #tpu.memory_space<vmem>> -> memref<80xi32, #tpu.memory_space<vmem>>
      %dma_start3A_51 = arith.constant 0 : i32
      %dma_start3A_52 = arith.constant 0 : i32
      %dma_start3A_53 = tpu.memref_slice %arg8[%dma_start3A_51, %dma_start3A_52] : memref<10112x128xf32, #tpu.memory_space<vmem_shared>> -> memref<10112x128xf32, #tpu.memory_space<vmem_shared>>
      tpu.enqueue_indirect_dma source(%arg7 : memref<80x128xf32, #tpu.memory_space<vmem>>) target(%dma_start3A_53 : memref<10112x128xf32, #tpu.memory_space<vmem_shared>>) offsets(%dma_start3A_50 : memref<80xi32, #tpu.memory_space<vmem>>) semaphore(%arg9 : memref<!tpu.dma_semaphore, #tpu.memory_space<semaphore_mem>>) {add = true}
      %mul3A_54 = arith.constant 16 : i32
      %mul3A_55 = arith.muli %add3A_24, %mul3A_54 : i32
      %add3A_56 = arith.constant 3 : i32
      %add3A_57 = arith.addi %mul3A_55, %add3A_56 : i32
      %dma_start3A_58 = arith.constant 0 : i32
      %dma_start3A_59 = tpu.memref_slice %arg6[%add3A_57, %dma_start3A_58] : memref<125x80xi32, #tpu.memory_space<vmem>> -> memref<1x80xi32, #tpu.memory_space<vmem>>
      %dma_start3A_60 = tpu.memref_squeeze %dma_start3A_59 : memref<1x80xi32, #tpu.memory_space<vmem>> -> memref<80xi32, #tpu.memory_space<vmem>>
      %dma_start3A_61 = arith.constant 0 : i32
      %dma_start3A_62 = arith.constant 0 : i32
      %dma_start3A_63 = tpu.memref_slice %arg8[%dma_start3A_61, %dma_start3A_62] : memref<10112x128xf32, #tpu.memory_space<vmem_shared>> -> memref<10112x128xf32, #tpu.memory_space<vmem_shared>>
      tpu.enqueue_indirect_dma source(%arg7 : memref<80x128xf32, #tpu.memory_space<vmem>>) target(%dma_start3A_63 : memref<10112x128xf32, #tpu.memory_space<vmem_shared>>) offsets(%dma_start3A_60 : memref<80xi32, #tpu.memory_space<vmem>>) semaphore(%arg9 : memref<!tpu.dma_semaphore, #tpu.memory_space<semaphore_mem>>) {add = true}
      %mul3A_64 = arith.constant 16 : i32
      %mul3A_65 = arith.muli %add3A_24, %mul3A_64 : i32
      %add3A_66 = arith.constant 4 : i32
      %add3A_67 = arith.addi %mul3A_65, %add3A_66 : i32
      %dma_start3A_68 = arith.constant 0 : i32
      %dma_start3A_69 = tpu.memref_slice %arg6[%add3A_67, %dma_start3A_68] : memref<125x80xi32, #tpu.memory_space<vmem>> -> memref<1x80xi32, #tpu.memory_space<vmem>>
      %dma_start3A_70 = tpu.memref_squeeze %dma_start3A_69 : memref<1x80xi32, #tpu.memory_space<vmem>> -> memref<80xi32, #tpu.memory_space<vmem>>
      %dma_start3A_71 = arith.constant 0 : i32
      %dma_start3A_72 = arith.constant 0 : i32
      %dma_start3A_73 = tpu.memref_slice %arg8[%dma_start3A_71, %dma_start3A_72] : memref<10112x128xf32, #tpu.memory_space<vmem_shared>> -> memref<10112x128xf32, #tpu.memory_space<vmem_shared>>
      tpu.enqueue_indirect_dma source(%arg7 : memref<80x128xf32, #tpu.memory_space<vmem>>) target(%dma_start3A_73 : memref<10112x128xf32, #tpu.memory_space<vmem_shared>>) offsets(%dma_start3A_70 : memref<80xi32, #tpu.memory_space<vmem>>) semaphore(%arg9 : memref<!tpu.dma_semaphore, #tpu.memory_space<semaphore_mem>>) {add = true}
      %mul3A_74 = arith.constant 16 : i32
      %mul3A_75 = arith.muli %add3A_24, %mul3A_74 : i32
      %add3A_76 = arith.constant 5 : i32
      %add3A_77 = arith.addi %mul3A_75, %add3A_76 : i32
      %dma_start3A_78 = arith.constant 0 : i32
      %dma_start3A_79 = tpu.memref_slice %arg6[%add3A_77, %dma_start3A_78] : memref<125x80xi32, #tpu.memory_space<vmem>> -> memref<1x80xi32, #tpu.memory_space<vmem>>
      %dma_start3A_80 = tpu.memref_squeeze %dma_start3A_79 : memref<1x80xi32, #tpu.memory_space<vmem>> -> memref<80xi32, #tpu.memory_space<vmem>>
      %dma_start3A_81 = arith.constant 0 : i32
      %dma_start3A_82 = arith.constant 0 : i32
      %dma_start3A_83 = tpu.memref_slice %arg8[%dma_start3A_81, %dma_start3A_82] : memref<10112x128xf32, #tpu.memory_space<vmem_shared>> -> memref<10112x128xf32, #tpu.memory_space<vmem_shared>>
      tpu.enqueue_indirect_dma source(%arg7 : memref<80x128xf32, #tpu.memory_space<vmem>>) target(%dma_start3A_83 : memref<10112x128xf32, #tpu.memory_space<vmem_shared>>) offsets(%dma_start3A_80 : memref<80xi32, #tpu.memory_space<vmem>>) semaphore(%arg9 : memref<!tpu.dma_semaphore, #tpu.memory_space<semaphore_mem>>) {add = true}
      %mul3A_84 = arith.constant 16 : i32
      %mul3A_85 = arith.muli %add3A_24, %mul3A_84 : i32
      %add3A_86 = arith.constant 6 : i32
      %add3A_87 = arith.addi %mul3A_85, %add3A_86 : i32
      %dma_start3A_88 = arith.constant 0 : i32
      %dma_start3A_89 = tpu.memref_slice %arg6[%add3A_87, %dma_start3A_88] : memref<125x80xi32, #tpu.memory_space<vmem>> -> memref<1x80xi32, #tpu.memory_space<vmem>>
      %dma_start3A_90 = tpu.memref_squeeze %dma_start3A_89 : memref<1x80xi32, #tpu.memory_space<vmem>> -> memref<80xi32, #tpu.memory_space<vmem>>
      %dma_start3A_91 = arith.constant 0 : i32
      %dma_start3A_92 = arith.constant 0 : i32
      %dma_start3A_93 = tpu.memref_slice %arg8[%dma_start3A_91, %dma_start3A_92] : memref<10112x128xf32, #tpu.memory_space<vmem_shared>> -> memref<10112x128xf32, #tpu.memory_space<vmem_shared>>
      tpu.enqueue_indirect_dma source(%arg7 : memref<80x128xf32, #tpu.memory_space<vmem>>) target(%dma_start3A_93 : memref<10112x128xf32, #tpu.memory_space<vmem_shared>>) offsets(%dma_start3A_90 : memref<80xi32, #tpu.memory_space<vmem>>) semaphore(%arg9 : memref<!tpu.dma_semaphore, #tpu.memory_space<semaphore_mem>>) {add = true}
      %mul3A_94 = arith.constant 16 : i32
      %mul3A_95 = arith.muli %add3A_24, %mul3A_94 : i32
      %add3A_96 = arith.constant 7 : i32
      %add3A_97 = arith.addi %mul3A_95, %add3A_96 : i32
      %dma_start3A_98 = arith.constant 0 : i32
      %dma_start3A_99 = tpu.memref_slice %arg6[%add3A_97, %dma_start3A_98] : memref<125x80xi32, #tpu.memory_space<vmem>> -> memref<1x80xi32, #tpu.memory_space<vmem>>
      %dma_start3A_100 = tpu.memref_squeeze %dma_start3A_99 : memref<1x80xi32, #tpu.memory_space<vmem>> -> memref<80xi32, #tpu.memory_space<vmem>>
      %dma_start3A_101 = arith.constant 0 : i32
      %dma_start3A_102 = arith.constant 0 : i32
      %dma_start3A_103 = tpu.memref_slice %arg8[%dma_start3A_101, %dma_start3A_102] : memref<10112x128xf32, #tpu.memory_space<vmem_shared>> -> memref<10112x128xf32, #tpu.memory_space<vmem_shared>>
      tpu.enqueue_indirect_dma source(%arg7 : memref<80x128xf32, #tpu.memory_space<vmem>>) target(%dma_start3A_103 : memref<10112x128xf32, #tpu.memory_space<vmem_shared>>) offsets(%dma_start3A_100 : memref<80xi32, #tpu.memory_space<vmem>>) semaphore(%arg9 : memref<!tpu.dma_semaphore, #tpu.memory_space<semaphore_mem>>) {add = true}
      %mul3A_104 = arith.constant 16 : i32
      %mul3A_105 = arith.muli %add3A_24, %mul3A_104 : i32
      %add3A_106 = arith.constant 8 : i32
      %add3A_107 = arith.addi %mul3A_105, %add3A_106 : i32
      %dma_start3A_108 = arith.constant 0 : i32
      %dma_start3A_109 = tpu.memref_slice %arg6[%add3A_107, %dma_start3A_108] : memref<125x80xi32, #tpu.memory_space<vmem>> -> memref<1x80xi32, #tpu.memory_space<vmem>>
      %dma_start3A_110 = tpu.memref_squeeze %dma_start3A_109 : memref<1x80xi32, #tpu.memory_space<vmem>> -> memref<80xi32, #tpu.memory_space<vmem>>
      %dma_start3A_111 = arith.constant 0 : i32
      %dma_start3A_112 = arith.constant 0 : i32
      %dma_start3A_113 = tpu.memref_slice %arg8[%dma_start3A_111, %dma_start3A_112] : memref<10112x128xf32, #tpu.memory_space<vmem_shared>> -> memref<10112x128xf32, #tpu.memory_space<vmem_shared>>
      tpu.enqueue_indirect_dma source(%arg7 : memref<80x128xf32, #tpu.memory_space<vmem>>) target(%dma_start3A_113 : memref<10112x128xf32, #tpu.memory_space<vmem_shared>>) offsets(%dma_start3A_110 : memref<80xi32, #tpu.memory_space<vmem>>) semaphore(%arg9 : memref<!tpu.dma_semaphore, #tpu.memory_space<semaphore_mem>>) {add = true}
      %mul3A_114 = arith.constant 16 : i32
      %mul3A_115 = arith.muli %add3A_24, %mul3A_114 : i32
      %add3A_116 = arith.constant 9 : i32
      %add3A_117 = arith.addi %mul3A_115, %add3A_116 : i32
      %dma_start3A_118 = arith.constant 0 : i32
      %dma_start3A_119 = tpu.memref_slice %arg6[%add3A_117, %dma_start3A_118] : memref<125x80xi32, #tpu.memory_space<vmem>> -> memref<1x80xi32, #tpu.memory_space<vmem>>
      %dma_start3A_120 = tpu.memref_squeeze %dma_start3A_119 : memref<1x80xi32, #tpu.memory_space<vmem>> -> memref<80xi32, #tpu.memory_space<vmem>>
      %dma_start3A_121 = arith.constant 0 : i32
      %dma_start3A_122 = arith.constant 0 : i32
      %dma_start3A_123 = tpu.memref_slice %arg8[%dma_start3A_121, %dma_start3A_122] : memref<10112x128xf32, #tpu.memory_space<vmem_shared>> -> memref<10112x128xf32, #tpu.memory_space<vmem_shared>>
      tpu.enqueue_indirect_dma source(%arg7 : memref<80x128xf32, #tpu.memory_space<vmem>>) target(%dma_start3A_123 : memref<10112x128xf32, #tpu.memory_space<vmem_shared>>) offsets(%dma_start3A_120 : memref<80xi32, #tpu.memory_space<vmem>>) semaphore(%arg9 : memref<!tpu.dma_semaphore, #tpu.memory_space<semaphore_mem>>) {add = true}
      %mul3A_124 = arith.constant 16 : i32
      %mul3A_125 = arith.muli %add3A_24, %mul3A_124 : i32
      %add3A_126 = arith.constant 10 : i32
      %add3A_127 = arith.addi %mul3A_125, %add3A_126 : i32
      %dma_start3A_128 = arith.constant 0 : i32
      %dma_start3A_129 = tpu.memref_slice %arg6[%add3A_127, %dma_start3A_128] : memref<125x80xi32, #tpu.memory_space<vmem>> -> memref<1x80xi32, #tpu.memory_space<vmem>>
      %dma_start3A_130 = tpu.memref_squeeze %dma_start3A_129 : memref<1x80xi32, #tpu.memory_space<vmem>> -> memref<80xi32, #tpu.memory_space<vmem>>
      %dma_start3A_131 = arith.constant 0 : i32
      %dma_start3A_132 = arith.constant 0 : i32
      %dma_start3A_133 = tpu.memref_slice %arg8[%dma_start3A_131, %dma_start3A_132] : memref<10112x128xf32, #tpu.memory_space<vmem_shared>> -> memref<10112x128xf32, #tpu.memory_space<vmem_shared>>
      tpu.enqueue_indirect_dma source(%arg7 : memref<80x128xf32, #tpu.memory_space<vmem>>) target(%dma_start3A_133 : memref<10112x128xf32, #tpu.memory_space<vmem_shared>>) offsets(%dma_start3A_130 : memref<80xi32, #tpu.memory_space<vmem>>) semaphore(%arg9 : memref<!tpu.dma_semaphore, #tpu.memory_space<semaphore_mem>>) {add = true}
      %mul3A_134 = arith.constant 16 : i32
      %mul3A_135 = arith.muli %add3A_24, %mul3A_134 : i32
      %add3A_136 = arith.constant 11 : i32
      %add3A_137 = arith.addi %mul3A_135, %add3A_136 : i32
      %dma_start3A_138 = arith.constant 0 : i32
      %dma_start3A_139 = tpu.memref_slice %arg6[%add3A_137, %dma_start3A_138] : memref<125x80xi32, #tpu.memory_space<vmem>> -> memref<1x80xi32, #tpu.memory_space<vmem>>
      %dma_start3A_140 = tpu.memref_squeeze %dma_start3A_139 : memref<1x80xi32, #tpu.memory_space<vmem>> -> memref<80xi32, #tpu.memory_space<vmem>>
      %dma_start3A_141 = arith.constant 0 : i32
      %dma_start3A_142 = arith.constant 0 : i32
      %dma_start3A_143 = tpu.memref_slice %arg8[%dma_start3A_141, %dma_start3A_142] : memref<10112x128xf32, #tpu.memory_space<vmem_shared>> -> memref<10112x128xf32, #tpu.memory_space<vmem_shared>>
      tpu.enqueue_indirect_dma source(%arg7 : memref<80x128xf32, #tpu.memory_space<vmem>>) target(%dma_start3A_143 : memref<10112x128xf32, #tpu.memory_space<vmem_shared>>) offsets(%dma_start3A_140 : memref<80xi32, #tpu.memory_space<vmem>>) semaphore(%arg9 : memref<!tpu.dma_semaphore, #tpu.memory_space<semaphore_mem>>) {add = true}
      %mul3A_144 = arith.constant 16 : i32
      %mul3A_145 = arith.muli %add3A_24, %mul3A_144 : i32
      %add3A_146 = arith.constant 12 : i32
      %add3A_147 = arith.addi %mul3A_145, %add3A_146 : i32
      %dma_start3A_148 = arith.constant 0 : i32
      %dma_start3A_149 = tpu.memref_slice %arg6[%add3A_147, %dma_start3A_148] : memref<125x80xi32, #tpu.memory_space<vmem>> -> memref<1x80xi32, #tpu.memory_space<vmem>>
      %dma_start3A_150 = tpu.memref_squeeze %dma_start3A_149 : memref<1x80xi32, #tpu.memory_space<vmem>> -> memref<80xi32, #tpu.memory_space<vmem>>
      %dma_start3A_151 = arith.constant 0 : i32
      %dma_start3A_152 = arith.constant 0 : i32
      %dma_start3A_153 = tpu.memref_slice %arg8[%dma_start3A_151, %dma_start3A_152] : memref<10112x128xf32, #tpu.memory_space<vmem_shared>> -> memref<10112x128xf32, #tpu.memory_space<vmem_shared>>
      tpu.enqueue_indirect_dma source(%arg7 : memref<80x128xf32, #tpu.memory_space<vmem>>) target(%dma_start3A_153 : memref<10112x128xf32, #tpu.memory_space<vmem_shared>>) offsets(%dma_start3A_150 : memref<80xi32, #tpu.memory_space<vmem>>) semaphore(%arg9 : memref<!tpu.dma_semaphore, #tpu.memory_space<semaphore_mem>>) {add = true}
      %mul3A_154 = arith.constant 16 : i32
      %mul3A_155 = arith.muli %add3A_24, %mul3A_154 : i32
      %add3A_156 = arith.constant 13 : i32
      %add3A_157 = arith.addi %mul3A_155, %add3A_156 : i32
      %dma_start3A_158 = arith.constant 0 : i32
      %dma_start3A_159 = tpu.memref_slice %arg6[%add3A_157, %dma_start3A_158] : memref<125x80xi32, #tpu.memory_space<vmem>> -> memref<1x80xi32, #tpu.memory_space<vmem>>
      %dma_start3A_160 = tpu.memref_squeeze %dma_start3A_159 : memref<1x80xi32, #tpu.memory_space<vmem>> -> memref<80xi32, #tpu.memory_space<vmem>>
      %dma_start3A_161 = arith.constant 0 : i32
      %dma_start3A_162 = arith.constant 0 : i32
      %dma_start3A_163 = tpu.memref_slice %arg8[%dma_start3A_161, %dma_start3A_162] : memref<10112x128xf32, #tpu.memory_space<vmem_shared>> -> memref<10112x128xf32, #tpu.memory_space<vmem_shared>>
      tpu.enqueue_indirect_dma source(%arg7 : memref<80x128xf32, #tpu.memory_space<vmem>>) target(%dma_start3A_163 : memref<10112x128xf32, #tpu.memory_space<vmem_shared>>) offsets(%dma_start3A_160 : memref<80xi32, #tpu.memory_space<vmem>>) semaphore(%arg9 : memref<!tpu.dma_semaphore, #tpu.memory_space<semaphore_mem>>) {add = true}
      %mul3A_164 = arith.constant 16 : i32
      %mul3A_165 = arith.muli %add3A_24, %mul3A_164 : i32
      %add3A_166 = arith.constant 14 : i32
      %add3A_167 = arith.addi %mul3A_165, %add3A_166 : i32
      %dma_start3A_168 = arith.constant 0 : i32
      %dma_start3A_169 = tpu.memref_slice %arg6[%add3A_167, %dma_start3A_168] : memref<125x80xi32, #tpu.memory_space<vmem>> -> memref<1x80xi32, #tpu.memory_space<vmem>>
      %dma_start3A_170 = tpu.memref_squeeze %dma_start3A_169 : memref<1x80xi32, #tpu.memory_space<vmem>> -> memref<80xi32, #tpu.memory_space<vmem>>
      %dma_start3A_171 = arith.constant 0 : i32
      %dma_start3A_172 = arith.constant 0 : i32
      %dma_start3A_173 = tpu.memref_slice %arg8[%dma_start3A_171, %dma_start3A_172] : memref<10112x128xf32, #tpu.memory_space<vmem_shared>> -> memref<10112x128xf32, #tpu.memory_space<vmem_shared>>
      tpu.enqueue_indirect_dma source(%arg7 : memref<80x128xf32, #tpu.memory_space<vmem>>) target(%dma_start3A_173 : memref<10112x128xf32, #tpu.memory_space<vmem_shared>>) offsets(%dma_start3A_170 : memref<80xi32, #tpu.memory_space<vmem>>) semaphore(%arg9 : memref<!tpu.dma_semaphore, #tpu.memory_space<semaphore_mem>>) {add = true}
      %mul3A_174 = arith.constant 16 : i32
      %mul3A_175 = arith.muli %add3A_24, %mul3A_174 : i32
      %add3A_176 = arith.constant 15 : i32
      %add3A_177 = arith.addi %mul3A_175, %add3A_176 : i32
      %dma_start3A_178 = arith.constant 0 : i32
      %dma_start3A_179 = tpu.memref_slice %arg6[%add3A_177, %dma_start3A_178] : memref<125x80xi32, #tpu.memory_space<vmem>> -> memref<1x80xi32, #tpu.memory_space<vmem>>
      %dma_start3A_180 = tpu.memref_squeeze %dma_start3A_179 : memref<1x80xi32, #tpu.memory_space<vmem>> -> memref<80xi32, #tpu.memory_space<vmem>>
      %dma_start3A_181 = arith.constant 0 : i32
      %dma_start3A_182 = arith.constant 0 : i32
      %dma_start3A_183 = tpu.memref_slice %arg8[%dma_start3A_181, %dma_start3A_182] : memref<10112x128xf32, #tpu.memory_space<vmem_shared>> -> memref<10112x128xf32, #tpu.memory_space<vmem_shared>>
      tpu.enqueue_indirect_dma source(%arg7 : memref<80x128xf32, #tpu.memory_space<vmem>>) target(%dma_start3A_183 : memref<10112x128xf32, #tpu.memory_space<vmem_shared>>) offsets(%dma_start3A_180 : memref<80xi32, #tpu.memory_space<vmem>>) semaphore(%arg9 : memref<!tpu.dma_semaphore, #tpu.memory_space<semaphore_mem>>) {add = true}
      %mul3A_184 = arith.constant 16 : i32
      %mul3A_185 = arith.muli %add3A_24, %mul3A_184 : i32
      %add3A_186 = arith.constant 0 : i32
      %add3A_187 = arith.addi %mul3A_185, %add3A_186 : i32
      %dma_wait3A = arith.constant 0 : i32
      %dma_wait3A_188 = tpu.memref_slice %arg6[%add3A_187, %dma_wait3A] : memref<125x80xi32, #tpu.memory_space<vmem>> -> memref<1x80xi32, #tpu.memory_space<vmem>>
      %dma_wait3A_189 = tpu.memref_squeeze %dma_wait3A_188 : memref<1x80xi32, #tpu.memory_space<vmem>> -> memref<80xi32, #tpu.memory_space<vmem>>
      %dma_wait3A_190 = arith.constant 0 : i32
      %dma_wait3A_191 = arith.constant 0 : i32
      %dma_wait3A_192 = tpu.memref_slice %arg8[%dma_wait3A_190, %dma_wait3A_191] : memref<10112x128xf32, #tpu.memory_space<vmem_shared>> -> memref<10112x128xf32, #tpu.memory_space<vmem_shared>>
      tpu.wait_indirect_dma semaphore(%arg9 : memref<!tpu.dma_semaphore, #tpu.memory_space<semaphore_mem>>) src(%arg7 : memref<80x128xf32, #tpu.memory_space<vmem>>) dst(%dma_wait3A_192 : memref<10112x128xf32, #tpu.memory_space<vmem_shared>>)
      %mul3A_193 = arith.constant 16 : i32
      %mul3A_194 = arith.muli %add3A_24, %mul3A_193 : i32
      %add3A_195 = arith.constant 1 : i32
      %add3A_196 = arith.addi %mul3A_194, %add3A_195 : i32
      %dma_wait3A_197 = arith.constant 0 : i32
      %dma_wait3A_198 = tpu.memref_slice %arg6[%add3A_196, %dma_wait3A_197] : memref<125x80xi32, #tpu.memory_space<vmem>> -> memref<1x80xi32, #tpu.memory_space<vmem>>
      %dma_wait3A_199 = tpu.memref_squeeze %dma_wait3A_198 : memref<1x80xi32, #tpu.memory_space<vmem>> -> memref<80xi32, #tpu.memory_space<vmem>>
      %dma_wait3A_200 = arith.constant 0 : i32
      %dma_wait3A_201 = arith.constant 0 : i32
      %dma_wait3A_202 = tpu.memref_slice %arg8[%dma_wait3A_200, %dma_wait3A_201] : memref<10112x128xf32, #tpu.memory_space<vmem_shared>> -> memref<10112x128xf32, #tpu.memory_space<vmem_shared>>
      tpu.wait_indirect_dma semaphore(%arg9 : memref<!tpu.dma_semaphore, #tpu.memory_space<semaphore_mem>>) src(%arg7 : memref<80x128xf32, #tpu.memory_space<vmem>>) dst(%dma_wait3A_202 : memref<10112x128xf32, #tpu.memory_space<vmem_shared>>)
      %mul3A_203 = arith.constant 16 : i32
      %mul3A_204 = arith.muli %add3A_24, %mul3A_203 : i32
      %add3A_205 = arith.constant 2 : i32
      %add3A_206 = arith.addi %mul3A_204, %add3A_205 : i32
      %dma_wait3A_207 = arith.constant 0 : i32
      %dma_wait3A_208 = tpu.memref_slice %arg6[%add3A_206, %dma_wait3A_207] : memref<125x80xi32, #tpu.memory_space<vmem>> -> memref<1x80xi32, #tpu.memory_space<vmem>>
      %dma_wait3A_209 = tpu.memref_squeeze %dma_wait3A_208 : memref<1x80xi32, #tpu.memory_space<vmem>> -> memref<80xi32, #tpu.memory_space<vmem>>
      %dma_wait3A_210 = arith.constant 0 : i32
      %dma_wait3A_211 = arith.constant 0 : i32
      %dma_wait3A_212 = tpu.memref_slice %arg8[%dma_wait3A_210, %dma_wait3A_211] : memref<10112x128xf32, #tpu.memory_space<vmem_shared>> -> memref<10112x128xf32, #tpu.memory_space<vmem_shared>>
      tpu.wait_indirect_dma semaphore(%arg9 : memref<!tpu.dma_semaphore, #tpu.memory_space<semaphore_mem>>) src(%arg7 : memref<80x128xf32, #tpu.memory_space<vmem>>) dst(%dma_wait3A_212 : memref<10112x128xf32, #tpu.memory_space<vmem_shared>>)
      %mul3A_213 = arith.constant 16 : i32
      %mul3A_214 = arith.muli %add3A_24, %mul3A_213 : i32
      %add3A_215 = arith.constant 3 : i32
      %add3A_216 = arith.addi %mul3A_214, %add3A_215 : i32
      %dma_wait3A_217 = arith.constant 0 : i32
      %dma_wait3A_218 = tpu.memref_slice %arg6[%add3A_216, %dma_wait3A_217] : memref<125x80xi32, #tpu.memory_space<vmem>> -> memref<1x80xi32, #tpu.memory_space<vmem>>
      %dma_wait3A_219 = tpu.memref_squeeze %dma_wait3A_218 : memref<1x80xi32, #tpu.memory_space<vmem>> -> memref<80xi32, #tpu.memory_space<vmem>>
      %dma_wait3A_220 = arith.constant 0 : i32
      %dma_wait3A_221 = arith.constant 0 : i32
      %dma_wait3A_222 = tpu.memref_slice %arg8[%dma_wait3A_220, %dma_wait3A_221] : memref<10112x128xf32, #tpu.memory_space<vmem_shared>> -> memref<10112x128xf32, #tpu.memory_space<vmem_shared>>
      tpu.wait_indirect_dma semaphore(%arg9 : memref<!tpu.dma_semaphore, #tpu.memory_space<semaphore_mem>>) src(%arg7 : memref<80x128xf32, #tpu.memory_space<vmem>>) dst(%dma_wait3A_222 : memref<10112x128xf32, #tpu.memory_space<vmem_shared>>)
      %mul3A_223 = arith.constant 16 : i32
      %mul3A_224 = arith.muli %add3A_24, %mul3A_223 : i32
      %add3A_225 = arith.constant 4 : i32
      %add3A_226 = arith.addi %mul3A_224, %add3A_225 : i32
      %dma_wait3A_227 = arith.constant 0 : i32
      %dma_wait3A_228 = tpu.memref_slice %arg6[%add3A_226, %dma_wait3A_227] : memref<125x80xi32, #tpu.memory_space<vmem>> -> memref<1x80xi32, #tpu.memory_space<vmem>>
      %dma_wait3A_229 = tpu.memref_squeeze %dma_wait3A_228 : memref<1x80xi32, #tpu.memory_space<vmem>> -> memref<80xi32, #tpu.memory_space<vmem>>
      %dma_wait3A_230 = arith.constant 0 : i32
      %dma_wait3A_231 = arith.constant 0 : i32
      %dma_wait3A_232 = tpu.memref_slice %arg8[%dma_wait3A_230, %dma_wait3A_231] : memref<10112x128xf32, #tpu.memory_space<vmem_shared>> -> memref<10112x128xf32, #tpu.memory_space<vmem_shared>>
      tpu.wait_indirect_dma semaphore(%arg9 : memref<!tpu.dma_semaphore, #tpu.memory_space<semaphore_mem>>) src(%arg7 : memref<80x128xf32, #tpu.memory_space<vmem>>) dst(%dma_wait3A_232 : memref<10112x128xf32, #tpu.memory_space<vmem_shared>>)
      %mul3A_233 = arith.constant 16 : i32
      %mul3A_234 = arith.muli %add3A_24, %mul3A_233 : i32
      %add3A_235 = arith.constant 5 : i32
      %add3A_236 = arith.addi %mul3A_234, %add3A_235 : i32
      %dma_wait3A_237 = arith.constant 0 : i32
      %dma_wait3A_238 = tpu.memref_slice %arg6[%add3A_236, %dma_wait3A_237] : memref<125x80xi32, #tpu.memory_space<vmem>> -> memref<1x80xi32, #tpu.memory_space<vmem>>
      %dma_wait3A_239 = tpu.memref_squeeze %dma_wait3A_238 : memref<1x80xi32, #tpu.memory_space<vmem>> -> memref<80xi32, #tpu.memory_space<vmem>>
      %dma_wait3A_240 = arith.constant 0 : i32
      %dma_wait3A_241 = arith.constant 0 : i32
      %dma_wait3A_242 = tpu.memref_slice %arg8[%dma_wait3A_240, %dma_wait3A_241] : memref<10112x128xf32, #tpu.memory_space<vmem_shared>> -> memref<10112x128xf32, #tpu.memory_space<vmem_shared>>
      tpu.wait_indirect_dma semaphore(%arg9 : memref<!tpu.dma_semaphore, #tpu.memory_space<semaphore_mem>>) src(%arg7 : memref<80x128xf32, #tpu.memory_space<vmem>>) dst(%dma_wait3A_242 : memref<10112x128xf32, #tpu.memory_space<vmem_shared>>)
      %mul3A_243 = arith.constant 16 : i32
      %mul3A_244 = arith.muli %add3A_24, %mul3A_243 : i32
      %add3A_245 = arith.constant 6 : i32
      %add3A_246 = arith.addi %mul3A_244, %add3A_245 : i32
      %dma_wait3A_247 = arith.constant 0 : i32
      %dma_wait3A_248 = tpu.memref_slice %arg6[%add3A_246, %dma_wait3A_247] : memref<125x80xi32, #tpu.memory_space<vmem>> -> memref<1x80xi32, #tpu.memory_space<vmem>>
      %dma_wait3A_249 = tpu.memref_squeeze %dma_wait3A_248 : memref<1x80xi32, #tpu.memory_space<vmem>> -> memref<80xi32, #tpu.memory_space<vmem>>
      %dma_wait3A_250 = arith.constant 0 : i32
      %dma_wait3A_251 = arith.constant 0 : i32
      %dma_wait3A_252 = tpu.memref_slice %arg8[%dma_wait3A_250, %dma_wait3A_251] : memref<10112x128xf32, #tpu.memory_space<vmem_shared>> -> memref<10112x128xf32, #tpu.memory_space<vmem_shared>>
      tpu.wait_indirect_dma semaphore(%arg9 : memref<!tpu.dma_semaphore, #tpu.memory_space<semaphore_mem>>) src(%arg7 : memref<80x128xf32, #tpu.memory_space<vmem>>) dst(%dma_wait3A_252 : memref<10112x128xf32, #tpu.memory_space<vmem_shared>>)
      %mul3A_253 = arith.constant 16 : i32
      %mul3A_254 = arith.muli %add3A_24, %mul3A_253 : i32
      %add3A_255 = arith.constant 7 : i32
      %add3A_256 = arith.addi %mul3A_254, %add3A_255 : i32
      %dma_wait3A_257 = arith.constant 0 : i32
      %dma_wait3A_258 = tpu.memref_slice %arg6[%add3A_256, %dma_wait3A_257] : memref<125x80xi32, #tpu.memory_space<vmem>> -> memref<1x80xi32, #tpu.memory_space<vmem>>
      %dma_wait3A_259 = tpu.memref_squeeze %dma_wait3A_258 : memref<1x80xi32, #tpu.memory_space<vmem>> -> memref<80xi32, #tpu.memory_space<vmem>>
      %dma_wait3A_260 = arith.constant 0 : i32
      %dma_wait3A_261 = arith.constant 0 : i32
      %dma_wait3A_262 = tpu.memref_slice %arg8[%dma_wait3A_260, %dma_wait3A_261] : memref<10112x128xf32, #tpu.memory_space<vmem_shared>> -> memref<10112x128xf32, #tpu.memory_space<vmem_shared>>
      tpu.wait_indirect_dma semaphore(%arg9 : memref<!tpu.dma_semaphore, #tpu.memory_space<semaphore_mem>>) src(%arg7 : memref<80x128xf32, #tpu.memory_space<vmem>>) dst(%dma_wait3A_262 : memref<10112x128xf32, #tpu.memory_space<vmem_shared>>)
      %mul3A_263 = arith.constant 16 : i32
      %mul3A_264 = arith.muli %add3A_24, %mul3A_263 : i32
      %add3A_265 = arith.constant 8 : i32
      %add3A_266 = arith.addi %mul3A_264, %add3A_265 : i32
      %dma_wait3A_267 = arith.constant 0 : i32
      %dma_wait3A_268 = tpu.memref_slice %arg6[%add3A_266, %dma_wait3A_267] : memref<125x80xi32, #tpu.memory_space<vmem>> -> memref<1x80xi32, #tpu.memory_space<vmem>>
      %dma_wait3A_269 = tpu.memref_squeeze %dma_wait3A_268 : memref<1x80xi32, #tpu.memory_space<vmem>> -> memref<80xi32, #tpu.memory_space<vmem>>
      %dma_wait3A_270 = arith.constant 0 : i32
      %dma_wait3A_271 = arith.constant 0 : i32
      %dma_wait3A_272 = tpu.memref_slice %arg8[%dma_wait3A_270, %dma_wait3A_271] : memref<10112x128xf32, #tpu.memory_space<vmem_shared>> -> memref<10112x128xf32, #tpu.memory_space<vmem_shared>>
      tpu.wait_indirect_dma semaphore(%arg9 : memref<!tpu.dma_semaphore, #tpu.memory_space<semaphore_mem>>) src(%arg7 : memref<80x128xf32, #tpu.memory_space<vmem>>) dst(%dma_wait3A_272 : memref<10112x128xf32, #tpu.memory_space<vmem_shared>>)
      %mul3A_273 = arith.constant 16 : i32
      %mul3A_274 = arith.muli %add3A_24, %mul3A_273 : i32
      %add3A_275 = arith.constant 9 : i32
      %add3A_276 = arith.addi %mul3A_274, %add3A_275 : i32
      %dma_wait3A_277 = arith.constant 0 : i32
      %dma_wait3A_278 = tpu.memref_slice %arg6[%add3A_276, %dma_wait3A_277] : memref<125x80xi32, #tpu.memory_space<vmem>> -> memref<1x80xi32, #tpu.memory_space<vmem>>
      %dma_wait3A_279 = tpu.memref_squeeze %dma_wait3A_278 : memref<1x80xi32, #tpu.memory_space<vmem>> -> memref<80xi32, #tpu.memory_space<vmem>>
      %dma_wait3A_280 = arith.constant 0 : i32
      %dma_wait3A_281 = arith.constant 0 : i32
      %dma_wait3A_282 = tpu.memref_slice %arg8[%dma_wait3A_280, %dma_wait3A_281] : memref<10112x128xf32, #tpu.memory_space<vmem_shared>> -> memref<10112x128xf32, #tpu.memory_space<vmem_shared>>
      tpu.wait_indirect_dma semaphore(%arg9 : memref<!tpu.dma_semaphore, #tpu.memory_space<semaphore_mem>>) src(%arg7 : memref<80x128xf32, #tpu.memory_space<vmem>>) dst(%dma_wait3A_282 : memref<10112x128xf32, #tpu.memory_space<vmem_shared>>)
      %mul3A_283 = arith.constant 16 : i32
      %mul3A_284 = arith.muli %add3A_24, %mul3A_283 : i32
      %add3A_285 = arith.constant 10 : i32
      %add3A_286 = arith.addi %mul3A_284, %add3A_285 : i32
      %dma_wait3A_287 = arith.constant 0 : i32
      %dma_wait3A_288 = tpu.memref_slice %arg6[%add3A_286, %dma_wait3A_287] : memref<125x80xi32, #tpu.memory_space<vmem>> -> memref<1x80xi32, #tpu.memory_space<vmem>>
      %dma_wait3A_289 = tpu.memref_squeeze %dma_wait3A_288 : memref<1x80xi32, #tpu.memory_space<vmem>> -> memref<80xi32, #tpu.memory_space<vmem>>
      %dma_wait3A_290 = arith.constant 0 : i32
      %dma_wait3A_291 = arith.constant 0 : i32
      %dma_wait3A_292 = tpu.memref_slice %arg8[%dma_wait3A_290, %dma_wait3A_291] : memref<10112x128xf32, #tpu.memory_space<vmem_shared>> -> memref<10112x128xf32, #tpu.memory_space<vmem_shared>>
      tpu.wait_indirect_dma semaphore(%arg9 : memref<!tpu.dma_semaphore, #tpu.memory_space<semaphore_mem>>) src(%arg7 : memref<80x128xf32, #tpu.memory_space<vmem>>) dst(%dma_wait3A_292 : memref<10112x128xf32, #tpu.memory_space<vmem_shared>>)
      %mul3A_293 = arith.constant 16 : i32
      %mul3A_294 = arith.muli %add3A_24, %mul3A_293 : i32
      %add3A_295 = arith.constant 11 : i32
      %add3A_296 = arith.addi %mul3A_294, %add3A_295 : i32
      %dma_wait3A_297 = arith.constant 0 : i32
      %dma_wait3A_298 = tpu.memref_slice %arg6[%add3A_296, %dma_wait3A_297] : memref<125x80xi32, #tpu.memory_space<vmem>> -> memref<1x80xi32, #tpu.memory_space<vmem>>
      %dma_wait3A_299 = tpu.memref_squeeze %dma_wait3A_298 : memref<1x80xi32, #tpu.memory_space<vmem>> -> memref<80xi32, #tpu.memory_space<vmem>>
      %dma_wait3A_300 = arith.constant 0 : i32
      %dma_wait3A_301 = arith.constant 0 : i32
      %dma_wait3A_302 = tpu.memref_slice %arg8[%dma_wait3A_300, %dma_wait3A_301] : memref<10112x128xf32, #tpu.memory_space<vmem_shared>> -> memref<10112x128xf32, #tpu.memory_space<vmem_shared>>
      tpu.wait_indirect_dma semaphore(%arg9 : memref<!tpu.dma_semaphore, #tpu.memory_space<semaphore_mem>>) src(%arg7 : memref<80x128xf32, #tpu.memory_space<vmem>>) dst(%dma_wait3A_302 : memref<10112x128xf32, #tpu.memory_space<vmem_shared>>)
      %mul3A_303 = arith.constant 16 : i32
      %mul3A_304 = arith.muli %add3A_24, %mul3A_303 : i32
      %add3A_305 = arith.constant 12 : i32
      %add3A_306 = arith.addi %mul3A_304, %add3A_305 : i32
      %dma_wait3A_307 = arith.constant 0 : i32
      %dma_wait3A_308 = tpu.memref_slice %arg6[%add3A_306, %dma_wait3A_307] : memref<125x80xi32, #tpu.memory_space<vmem>> -> memref<1x80xi32, #tpu.memory_space<vmem>>
      %dma_wait3A_309 = tpu.memref_squeeze %dma_wait3A_308 : memref<1x80xi32, #tpu.memory_space<vmem>> -> memref<80xi32, #tpu.memory_space<vmem>>
      %dma_wait3A_310 = arith.constant 0 : i32
      %dma_wait3A_311 = arith.constant 0 : i32
      %dma_wait3A_312 = tpu.memref_slice %arg8[%dma_wait3A_310, %dma_wait3A_311] : memref<10112x128xf32, #tpu.memory_space<vmem_shared>> -> memref<10112x128xf32, #tpu.memory_space<vmem_shared>>
      tpu.wait_indirect_dma semaphore(%arg9 : memref<!tpu.dma_semaphore, #tpu.memory_space<semaphore_mem>>) src(%arg7 : memref<80x128xf32, #tpu.memory_space<vmem>>) dst(%dma_wait3A_312 : memref<10112x128xf32, #tpu.memory_space<vmem_shared>>)
      %mul3A_313 = arith.constant 16 : i32
      %mul3A_314 = arith.muli %add3A_24, %mul3A_313 : i32
      %add3A_315 = arith.constant 13 : i32
      %add3A_316 = arith.addi %mul3A_314, %add3A_315 : i32
      %dma_wait3A_317 = arith.constant 0 : i32
      %dma_wait3A_318 = tpu.memref_slice %arg6[%add3A_316, %dma_wait3A_317] : memref<125x80xi32, #tpu.memory_space<vmem>> -> memref<1x80xi32, #tpu.memory_space<vmem>>
      %dma_wait3A_319 = tpu.memref_squeeze %dma_wait3A_318 : memref<1x80xi32, #tpu.memory_space<vmem>> -> memref<80xi32, #tpu.memory_space<vmem>>
      %dma_wait3A_320 = arith.constant 0 : i32
      %dma_wait3A_321 = arith.constant 0 : i32
      %dma_wait3A_322 = tpu.memref_slice %arg8[%dma_wait3A_320, %dma_wait3A_321] : memref<10112x128xf32, #tpu.memory_space<vmem_shared>> -> memref<10112x128xf32, #tpu.memory_space<vmem_shared>>
      tpu.wait_indirect_dma semaphore(%arg9 : memref<!tpu.dma_semaphore, #tpu.memory_space<semaphore_mem>>) src(%arg7 : memref<80x128xf32, #tpu.memory_space<vmem>>) dst(%dma_wait3A_322 : memref<10112x128xf32, #tpu.memory_space<vmem_shared>>)
      %mul3A_323 = arith.constant 16 : i32
      %mul3A_324 = arith.muli %add3A_24, %mul3A_323 : i32
      %add3A_325 = arith.constant 14 : i32
      %add3A_326 = arith.addi %mul3A_324, %add3A_325 : i32
      %dma_wait3A_327 = arith.constant 0 : i32
      %dma_wait3A_328 = tpu.memref_slice %arg6[%add3A_326, %dma_wait3A_327] : memref<125x80xi32, #tpu.memory_space<vmem>> -> memref<1x80xi32, #tpu.memory_space<vmem>>
      %dma_wait3A_329 = tpu.memref_squeeze %dma_wait3A_328 : memref<1x80xi32, #tpu.memory_space<vmem>> -> memref<80xi32, #tpu.memory_space<vmem>>
      %dma_wait3A_330 = arith.constant 0 : i32
      %dma_wait3A_331 = arith.constant 0 : i32
      %dma_wait3A_332 = tpu.memref_slice %arg8[%dma_wait3A_330, %dma_wait3A_331] : memref<10112x128xf32, #tpu.memory_space<vmem_shared>> -> memref<10112x128xf32, #tpu.memory_space<vmem_shared>>
      tpu.wait_indirect_dma semaphore(%arg9 : memref<!tpu.dma_semaphore, #tpu.memory_space<semaphore_mem>>) src(%arg7 : memref<80x128xf32, #tpu.memory_space<vmem>>) dst(%dma_wait3A_332 : memref<10112x128xf32, #tpu.memory_space<vmem_shared>>)
      %mul3A_333 = arith.constant 16 : i32
      %mul3A_334 = arith.muli %add3A_24, %mul3A_333 : i32
      %add3A_335 = arith.constant 15 : i32
      %add3A_336 = arith.addi %mul3A_334, %add3A_335 : i32
      %dma_wait3A_337 = arith.constant 0 : i32
      %dma_wait3A_338 = tpu.memref_slice %arg6[%add3A_336, %dma_wait3A_337] : memref<125x80xi32, #tpu.memory_space<vmem>> -> memref<1x80xi32, #tpu.memory_space<vmem>>
      %dma_wait3A_339 = tpu.memref_squeeze %dma_wait3A_338 : memref<1x80xi32, #tpu.memory_space<vmem>> -> memref<80xi32, #tpu.memory_space<vmem>>
      %dma_wait3A_340 = arith.constant 0 : i32
      %dma_wait3A_341 = arith.constant 0 : i32
      %dma_wait3A_342 = tpu.memref_slice %arg8[%dma_wait3A_340, %dma_wait3A_341] : memref<10112x128xf32, #tpu.memory_space<vmem_shared>> -> memref<10112x128xf32, #tpu.memory_space<vmem_shared>>
      tpu.wait_indirect_dma semaphore(%arg9 : memref<!tpu.dma_semaphore, #tpu.memory_space<semaphore_mem>>) src(%arg7 : memref<80x128xf32, #tpu.memory_space<vmem>>) dst(%dma_wait3A_342 : memref<10112x128xf32, #tpu.memory_space<vmem_shared>>)
    }
    %scan3A_6 = arith.constant 7 : i32
    %run_scoped3A = arith.constant 112 : i32
    "tpu.region"() ({
      %run_scoped3A_20 = tpu.sem_alloc : memref<!tpu.dma_semaphore, #tpu.memory_space<semaphore_mem>>
      %dma_start3A = arith.constant 0 : i32
      %dma_start3A_21 = tpu.memref_slice %arg6[%run_scoped3A, %dma_start3A] : memref<125x80xi32, #tpu.memory_space<vmem>> -> memref<1x80xi32, #tpu.memory_space<vmem>>
      %dma_start3A_22 = tpu.memref_squeeze %dma_start3A_21 : memref<1x80xi32, #tpu.memory_space<vmem>> -> memref<80xi32, #tpu.memory_space<vmem>>
      %dma_start3A_23 = arith.constant 0 : i32
      %dma_start3A_24 = arith.constant 0 : i32
      %dma_start3A_25 = tpu.memref_slice %arg8[%dma_start3A_23, %dma_start3A_24] : memref<10112x128xf32, #tpu.memory_space<vmem_shared>> -> memref<10112x128xf32, #tpu.memory_space<vmem_shared>>
      tpu.enqueue_indirect_dma source(%arg7 : memref<80x128xf32, #tpu.memory_space<vmem>>) target(%dma_start3A_25 : memref<10112x128xf32, #tpu.memory_space<vmem_shared>>) offsets(%dma_start3A_22 : memref<80xi32, #tpu.memory_space<vmem>>) semaphore(%run_scoped3A_20 : memref<!tpu.dma_semaphore, #tpu.memory_space<semaphore_mem>>) {add = true}
      %dma_wait3A = arith.constant 0 : i32
      %dma_wait3A_26 = tpu.memref_slice %arg6[%run_scoped3A, %dma_wait3A] : memref<125x80xi32, #tpu.memory_space<vmem>> -> memref<1x80xi32, #tpu.memory_space<vmem>>
      %dma_wait3A_27 = tpu.memref_squeeze %dma_wait3A_26 : memref<1x80xi32, #tpu.memory_space<vmem>> -> memref<80xi32, #tpu.memory_space<vmem>>
      %dma_wait3A_28 = arith.constant 0 : i32
      %dma_wait3A_29 = arith.constant 0 : i32
      %dma_wait3A_30 = tpu.memref_slice %arg8[%dma_wait3A_28, %dma_wait3A_29] : memref<10112x128xf32, #tpu.memory_space<vmem_shared>> -> memref<10112x128xf32, #tpu.memory_space<vmem_shared>>
      tpu.wait_indirect_dma semaphore(%run_scoped3A_20 : memref<!tpu.dma_semaphore, #tpu.memory_space<semaphore_mem>>) src(%arg7 : memref<80x128xf32, #tpu.memory_space<vmem>>) dst(%dma_wait3A_30 : memref<10112x128xf32, #tpu.memory_space<vmem_shared>>)
      tpu.yield
    }) : () -> ()
    %run_scoped3A_7 = arith.constant 113 : i32
    "tpu.region"() ({
      %run_scoped3A_20 = tpu.sem_alloc : memref<!tpu.dma_semaphore, #tpu.memory_space<semaphore_mem>>
      %dma_start3A = arith.constant 0 : i32
      %dma_start3A_21 = tpu.memref_slice %arg6[%run_scoped3A_7, %dma_start3A] : memref<125x80xi32, #tpu.memory_space<vmem>> -> memref<1x80xi32, #tpu.memory_space<vmem>>
      %dma_start3A_22 = tpu.memref_squeeze %dma_start3A_21 : memref<1x80xi32, #tpu.memory_space<vmem>> -> memref<80xi32, #tpu.memory_space<vmem>>
      %dma_start3A_23 = arith.constant 0 : i32
      %dma_start3A_24 = arith.constant 0 : i32
      %dma_start3A_25 = tpu.memref_slice %arg8[%dma_start3A_23, %dma_start3A_24] : memref<10112x128xf32, #tpu.memory_space<vmem_shared>> -> memref<10112x128xf32, #tpu.memory_space<vmem_shared>>
      tpu.enqueue_indirect_dma source(%arg7 : memref<80x128xf32, #tpu.memory_space<vmem>>) target(%dma_start3A_25 : memref<10112x128xf32, #tpu.memory_space<vmem_shared>>) offsets(%dma_start3A_22 : memref<80xi32, #tpu.memory_space<vmem>>) semaphore(%run_scoped3A_20 : memref<!tpu.dma_semaphore, #tpu.memory_space<semaphore_mem>>) {add = true}
      %dma_wait3A = arith.constant 0 : i32
      %dma_wait3A_26 = tpu.memref_slice %arg6[%run_scoped3A_7, %dma_wait3A] : memref<125x80xi32, #tpu.memory_space<vmem>> -> memref<1x80xi32, #tpu.memory_space<vmem>>
      %dma_wait3A_27 = tpu.memref_squeeze %dma_wait3A_26 : memref<1x80xi32, #tpu.memory_space<vmem>> -> memref<80xi32, #tpu.memory_space<vmem>>
      %dma_wait3A_28 = arith.constant 0 : i32
      %dma_wait3A_29 = arith.constant 0 : i32
      %dma_wait3A_30 = tpu.memref_slice %arg8[%dma_wait3A_28, %dma_wait3A_29] : memref<10112x128xf32, #tpu.memory_space<vmem_shared>> -> memref<10112x128xf32, #tpu.memory_space<vmem_shared>>
      tpu.wait_indirect_dma semaphore(%run_scoped3A_20 : memref<!tpu.dma_semaphore, #tpu.memory_space<semaphore_mem>>) src(%arg7 : memref<80x128xf32, #tpu.memory_space<vmem>>) dst(%dma_wait3A_30 : memref<10112x128xf32, #tpu.memory_space<vmem_shared>>)
      tpu.yield
    }) : () -> ()
    %run_scoped3A_8 = arith.constant 114 : i32
    "tpu.region"() ({
      %run_scoped3A_20 = tpu.sem_alloc : memref<!tpu.dma_semaphore, #tpu.memory_space<semaphore_mem>>
      %dma_start3A = arith.constant 0 : i32
      %dma_start3A_21 = tpu.memref_slice %arg6[%run_scoped3A_8, %dma_start3A] : memref<125x80xi32, #tpu.memory_space<vmem>> -> memref<1x80xi32, #tpu.memory_space<vmem>>
      %dma_start3A_22 = tpu.memref_squeeze %dma_start3A_21 : memref<1x80xi32, #tpu.memory_space<vmem>> -> memref<80xi32, #tpu.memory_space<vmem>>
      %dma_start3A_23 = arith.constant 0 : i32
      %dma_start3A_24 = arith.constant 0 : i32
      %dma_start3A_25 = tpu.memref_slice %arg8[%dma_start3A_23, %dma_start3A_24] : memref<10112x128xf32, #tpu.memory_space<vmem_shared>> -> memref<10112x128xf32, #tpu.memory_space<vmem_shared>>
      tpu.enqueue_indirect_dma source(%arg7 : memref<80x128xf32, #tpu.memory_space<vmem>>) target(%dma_start3A_25 : memref<10112x128xf32, #tpu.memory_space<vmem_shared>>) offsets(%dma_start3A_22 : memref<80xi32, #tpu.memory_space<vmem>>) semaphore(%run_scoped3A_20 : memref<!tpu.dma_semaphore, #tpu.memory_space<semaphore_mem>>) {add = true}
      %dma_wait3A = arith.constant 0 : i32
      %dma_wait3A_26 = tpu.memref_slice %arg6[%run_scoped3A_8, %dma_wait3A] : memref<125x80xi32, #tpu.memory_space<vmem>> -> memref<1x80xi32, #tpu.memory_space<vmem>>
      %dma_wait3A_27 = tpu.memref_squeeze %dma_wait3A_26 : memref<1x80xi32, #tpu.memory_space<vmem>> -> memref<80xi32, #tpu.memory_space<vmem>>
      %dma_wait3A_28 = arith.constant 0 : i32
      %dma_wait3A_29 = arith.constant 0 : i32
      %dma_wait3A_30 = tpu.memref_slice %arg8[%dma_wait3A_28, %dma_wait3A_29] : memref<10112x128xf32, #tpu.memory_space<vmem_shared>> -> memref<10112x128xf32, #tpu.memory_space<vmem_shared>>
      tpu.wait_indirect_dma semaphore(%run_scoped3A_20 : memref<!tpu.dma_semaphore, #tpu.memory_space<semaphore_mem>>) src(%arg7 : memref<80x128xf32, #tpu.memory_space<vmem>>) dst(%dma_wait3A_30 : memref<10112x128xf32, #tpu.memory_space<vmem_shared>>)
      tpu.yield
    }) : () -> ()
    %run_scoped3A_9 = arith.constant 115 : i32
    "tpu.region"() ({
      %run_scoped3A_20 = tpu.sem_alloc : memref<!tpu.dma_semaphore, #tpu.memory_space<semaphore_mem>>
      %dma_start3A = arith.constant 0 : i32
      %dma_start3A_21 = tpu.memref_slice %arg6[%run_scoped3A_9, %dma_start3A] : memref<125x80xi32, #tpu.memory_space<vmem>> -> memref<1x80xi32, #tpu.memory_space<vmem>>
      %dma_start3A_22 = tpu.memref_squeeze %dma_start3A_21 : memref<1x80xi32, #tpu.memory_space<vmem>> -> memref<80xi32, #tpu.memory_space<vmem>>
      %dma_start3A_23 = arith.constant 0 : i32
      %dma_start3A_24 = arith.constant 0 : i32
      %dma_start3A_25 = tpu.memref_slice %arg8[%dma_start3A_23, %dma_start3A_24] : memref<10112x128xf32, #tpu.memory_space<vmem_shared>> -> memref<10112x128xf32, #tpu.memory_space<vmem_shared>>
      tpu.enqueue_indirect_dma source(%arg7 : memref<80x128xf32, #tpu.memory_space<vmem>>) target(%dma_start3A_25 : memref<10112x128xf32, #tpu.memory_space<vmem_shared>>) offsets(%dma_start3A_22 : memref<80xi32, #tpu.memory_space<vmem>>) semaphore(%run_scoped3A_20 : memref<!tpu.dma_semaphore, #tpu.memory_space<semaphore_mem>>) {add = true}
      %dma_wait3A = arith.constant 0 : i32
      %dma_wait3A_26 = tpu.memref_slice %arg6[%run_scoped3A_9, %dma_wait3A] : memref<125x80xi32, #tpu.memory_space<vmem>> -> memref<1x80xi32, #tpu.memory_space<vmem>>
      %dma_wait3A_27 = tpu.memref_squeeze %dma_wait3A_26 : memref<1x80xi32, #tpu.memory_space<vmem>> -> memref<80xi32, #tpu.memory_space<vmem>>
      %dma_wait3A_28 = arith.constant 0 : i32
      %dma_wait3A_29 = arith.constant 0 : i32
      %dma_wait3A_30 = tpu.memref_slice %arg8[%dma_wait3A_28, %dma_wait3A_29] : memref<10112x128xf32, #tpu.memory_space<vmem_shared>> -> memref<10112x128xf32, #tpu.memory_space<vmem_shared>>
      tpu.wait_indirect_dma semaphore(%run_scoped3A_20 : memref<!tpu.dma_semaphore, #tpu.memory_space<semaphore_mem>>) src(%arg7 : memref<80x128xf32, #tpu.memory_space<vmem>>) dst(%dma_wait3A_30 : memref<10112x128xf32, #tpu.memory_space<vmem_shared>>)
      tpu.yield
    }) : () -> ()
    %run_scoped3A_10 = arith.constant 116 : i32
    "tpu.region"() ({
      %run_scoped3A_20 = tpu.sem_alloc : memref<!tpu.dma_semaphore, #tpu.memory_space<semaphore_mem>>
      %dma_start3A = arith.constant 0 : i32
      %dma_start3A_21 = tpu.memref_slice %arg6[%run_scoped3A_10, %dma_start3A] : memref<125x80xi32, #tpu.memory_space<vmem>> -> memref<1x80xi32, #tpu.memory_space<vmem>>
      %dma_start3A_22 = tpu.memref_squeeze %dma_start3A_21 : memref<1x80xi32, #tpu.memory_space<vmem>> -> memref<80xi32, #tpu.memory_space<vmem>>
      %dma_start3A_23 = arith.constant 0 : i32
      %dma_start3A_24 = arith.constant 0 : i32
      %dma_start3A_25 = tpu.memref_slice %arg8[%dma_start3A_23, %dma_start3A_24] : memref<10112x128xf32, #tpu.memory_space<vmem_shared>> -> memref<10112x128xf32, #tpu.memory_space<vmem_shared>>
      tpu.enqueue_indirect_dma source(%arg7 : memref<80x128xf32, #tpu.memory_space<vmem>>) target(%dma_start3A_25 : memref<10112x128xf32, #tpu.memory_space<vmem_shared>>) offsets(%dma_start3A_22 : memref<80xi32, #tpu.memory_space<vmem>>) semaphore(%run_scoped3A_20 : memref<!tpu.dma_semaphore, #tpu.memory_space<semaphore_mem>>) {add = true}
      %dma_wait3A = arith.constant 0 : i32
      %dma_wait3A_26 = tpu.memref_slice %arg6[%run_scoped3A_10, %dma_wait3A] : memref<125x80xi32, #tpu.memory_space<vmem>> -> memref<1x80xi32, #tpu.memory_space<vmem>>
      %dma_wait3A_27 = tpu.memref_squeeze %dma_wait3A_26 : memref<1x80xi32, #tpu.memory_space<vmem>> -> memref<80xi32, #tpu.memory_space<vmem>>
      %dma_wait3A_28 = arith.constant 0 : i32
      %dma_wait3A_29 = arith.constant 0 : i32
      %dma_wait3A_30 = tpu.memref_slice %arg8[%dma_wait3A_28, %dma_wait3A_29] : memref<10112x128xf32, #tpu.memory_space<vmem_shared>> -> memref<10112x128xf32, #tpu.memory_space<vmem_shared>>
      tpu.wait_indirect_dma semaphore(%run_scoped3A_20 : memref<!tpu.dma_semaphore, #tpu.memory_space<semaphore_mem>>) src(%arg7 : memref<80x128xf32, #tpu.memory_space<vmem>>) dst(%dma_wait3A_30 : memref<10112x128xf32, #tpu.memory_space<vmem_shared>>)
      tpu.yield
    }) : () -> ()
    %run_scoped3A_11 = arith.constant 117 : i32
    "tpu.region"() ({
      %run_scoped3A_20 = tpu.sem_alloc : memref<!tpu.dma_semaphore, #tpu.memory_space<semaphore_mem>>
      %dma_start3A = arith.constant 0 : i32
      %dma_start3A_21 = tpu.memref_slice %arg6[%run_scoped3A_11, %dma_start3A] : memref<125x80xi32, #tpu.memory_space<vmem>> -> memref<1x80xi32, #tpu.memory_space<vmem>>
      %dma_start3A_22 = tpu.memref_squeeze %dma_start3A_21 : memref<1x80xi32, #tpu.memory_space<vmem>> -> memref<80xi32, #tpu.memory_space<vmem>>
      %dma_start3A_23 = arith.constant 0 : i32
      %dma_start3A_24 = arith.constant 0 : i32
      %dma_start3A_25 = tpu.memref_slice %arg8[%dma_start3A_23, %dma_start3A_24] : memref<10112x128xf32, #tpu.memory_space<vmem_shared>> -> memref<10112x128xf32, #tpu.memory_space<vmem_shared>>
      tpu.enqueue_indirect_dma source(%arg7 : memref<80x128xf32, #tpu.memory_space<vmem>>) target(%dma_start3A_25 : memref<10112x128xf32, #tpu.memory_space<vmem_shared>>) offsets(%dma_start3A_22 : memref<80xi32, #tpu.memory_space<vmem>>) semaphore(%run_scoped3A_20 : memref<!tpu.dma_semaphore, #tpu.memory_space<semaphore_mem>>) {add = true}
      %dma_wait3A = arith.constant 0 : i32
      %dma_wait3A_26 = tpu.memref_slice %arg6[%run_scoped3A_11, %dma_wait3A] : memref<125x80xi32, #tpu.memory_space<vmem>> -> memref<1x80xi32, #tpu.memory_space<vmem>>
      %dma_wait3A_27 = tpu.memref_squeeze %dma_wait3A_26 : memref<1x80xi32, #tpu.memory_space<vmem>> -> memref<80xi32, #tpu.memory_space<vmem>>
      %dma_wait3A_28 = arith.constant 0 : i32
      %dma_wait3A_29 = arith.constant 0 : i32
      %dma_wait3A_30 = tpu.memref_slice %arg8[%dma_wait3A_28, %dma_wait3A_29] : memref<10112x128xf32, #tpu.memory_space<vmem_shared>> -> memref<10112x128xf32, #tpu.memory_space<vmem_shared>>
      tpu.wait_indirect_dma semaphore(%run_scoped3A_20 : memref<!tpu.dma_semaphore, #tpu.memory_space<semaphore_mem>>) src(%arg7 : memref<80x128xf32, #tpu.memory_space<vmem>>) dst(%dma_wait3A_30 : memref<10112x128xf32, #tpu.memory_space<vmem_shared>>)
      tpu.yield
    }) : () -> ()
    %run_scoped3A_12 = arith.constant 118 : i32
    "tpu.region"() ({
      %run_scoped3A_20 = tpu.sem_alloc : memref<!tpu.dma_semaphore, #tpu.memory_space<semaphore_mem>>
      %dma_start3A = arith.constant 0 : i32
      %dma_start3A_21 = tpu.memref_slice %arg6[%run_scoped3A_12, %dma_start3A] : memref<125x80xi32, #tpu.memory_space<vmem>> -> memref<1x80xi32, #tpu.memory_space<vmem>>
      %dma_start3A_22 = tpu.memref_squeeze %dma_start3A_21 : memref<1x80xi32, #tpu.memory_space<vmem>> -> memref<80xi32, #tpu.memory_space<vmem>>
      %dma_start3A_23 = arith.constant 0 : i32
      %dma_start3A_24 = arith.constant 0 : i32
      %dma_start3A_25 = tpu.memref_slice %arg8[%dma_start3A_23, %dma_start3A_24] : memref<10112x128xf32, #tpu.memory_space<vmem_shared>> -> memref<10112x128xf32, #tpu.memory_space<vmem_shared>>
      tpu.enqueue_indirect_dma source(%arg7 : memref<80x128xf32, #tpu.memory_space<vmem>>) target(%dma_start3A_25 : memref<10112x128xf32, #tpu.memory_space<vmem_shared>>) offsets(%dma_start3A_22 : memref<80xi32, #tpu.memory_space<vmem>>) semaphore(%run_scoped3A_20 : memref<!tpu.dma_semaphore, #tpu.memory_space<semaphore_mem>>) {add = true}
      %dma_wait3A = arith.constant 0 : i32
      %dma_wait3A_26 = tpu.memref_slice %arg6[%run_scoped3A_12, %dma_wait3A] : memref<125x80xi32, #tpu.memory_space<vmem>> -> memref<1x80xi32, #tpu.memory_space<vmem>>
      %dma_wait3A_27 = tpu.memref_squeeze %dma_wait3A_26 : memref<1x80xi32, #tpu.memory_space<vmem>> -> memref<80xi32, #tpu.memory_space<vmem>>
      %dma_wait3A_28 = arith.constant 0 : i32
      %dma_wait3A_29 = arith.constant 0 : i32
      %dma_wait3A_30 = tpu.memref_slice %arg8[%dma_wait3A_28, %dma_wait3A_29] : memref<10112x128xf32, #tpu.memory_space<vmem_shared>> -> memref<10112x128xf32, #tpu.memory_space<vmem_shared>>
      tpu.wait_indirect_dma semaphore(%run_scoped3A_20 : memref<!tpu.dma_semaphore, #tpu.memory_space<semaphore_mem>>) src(%arg7 : memref<80x128xf32, #tpu.memory_space<vmem>>) dst(%dma_wait3A_30 : memref<10112x128xf32, #tpu.memory_space<vmem_shared>>)
      tpu.yield
    }) : () -> ()
    %run_scoped3A_13 = arith.constant 119 : i32
    "tpu.region"() ({
      %run_scoped3A_20 = tpu.sem_alloc : memref<!tpu.dma_semaphore, #tpu.memory_space<semaphore_mem>>
      %dma_start3A = arith.constant 0 : i32
      %dma_start3A_21 = tpu.memref_slice %arg6[%run_scoped3A_13, %dma_start3A] : memref<125x80xi32, #tpu.memory_space<vmem>> -> memref<1x80xi32, #tpu.memory_space<vmem>>
      %dma_start3A_22 = tpu.memref_squeeze %dma_start3A_21 : memref<1x80xi32, #tpu.memory_space<vmem>> -> memref<80xi32, #tpu.memory_space<vmem>>
      %dma_start3A_23 = arith.constant 0 : i32
      %dma_start3A_24 = arith.constant 0 : i32
      %dma_start3A_25 = tpu.memref_slice %arg8[%dma_start3A_23, %dma_start3A_24] : memref<10112x128xf32, #tpu.memory_space<vmem_shared>> -> memref<10112x128xf32, #tpu.memory_space<vmem_shared>>
      tpu.enqueue_indirect_dma source(%arg7 : memref<80x128xf32, #tpu.memory_space<vmem>>) target(%dma_start3A_25 : memref<10112x128xf32, #tpu.memory_space<vmem_shared>>) offsets(%dma_start3A_22 : memref<80xi32, #tpu.memory_space<vmem>>) semaphore(%run_scoped3A_20 : memref<!tpu.dma_semaphore, #tpu.memory_space<semaphore_mem>>) {add = true}
      %dma_wait3A = arith.constant 0 : i32
      %dma_wait3A_26 = tpu.memref_slice %arg6[%run_scoped3A_13, %dma_wait3A] : memref<125x80xi32, #tpu.memory_space<vmem>> -> memref<1x80xi32, #tpu.memory_space<vmem>>
      %dma_wait3A_27 = tpu.memref_squeeze %dma_wait3A_26 : memref<1x80xi32, #tpu.memory_space<vmem>> -> memref<80xi32, #tpu.memory_space<vmem>>
      %dma_wait3A_28 = arith.constant 0 : i32
      %dma_wait3A_29 = arith.constant 0 : i32
      %dma_wait3A_30 = tpu.memref_slice %arg8[%dma_wait3A_28, %dma_wait3A_29] : memref<10112x128xf32, #tpu.memory_space<vmem_shared>> -> memref<10112x128xf32, #tpu.memory_space<vmem_shared>>
      tpu.wait_indirect_dma semaphore(%run_scoped3A_20 : memref<!tpu.dma_semaphore, #tpu.memory_space<semaphore_mem>>) src(%arg7 : memref<80x128xf32, #tpu.memory_space<vmem>>) dst(%dma_wait3A_30 : memref<10112x128xf32, #tpu.memory_space<vmem_shared>>)
      tpu.yield
    }) : () -> ()
    %run_scoped3A_14 = arith.constant 120 : i32
    "tpu.region"() ({
      %run_scoped3A_20 = tpu.sem_alloc : memref<!tpu.dma_semaphore, #tpu.memory_space<semaphore_mem>>
      %dma_start3A = arith.constant 0 : i32
      %dma_start3A_21 = tpu.memref_slice %arg6[%run_scoped3A_14, %dma_start3A] : memref<125x80xi32, #tpu.memory_space<vmem>> -> memref<1x80xi32, #tpu.memory_space<vmem>>
      %dma_start3A_22 = tpu.memref_squeeze %dma_start3A_21 : memref<1x80xi32, #tpu.memory_space<vmem>> -> memref<80xi32, #tpu.memory_space<vmem>>
      %dma_start3A_23 = arith.constant 0 : i32
      %dma_start3A_24 = arith.constant 0 : i32
      %dma_start3A_25 = tpu.memref_slice %arg8[%dma_start3A_23, %dma_start3A_24] : memref<10112x128xf32, #tpu.memory_space<vmem_shared>> -> memref<10112x128xf32, #tpu.memory_space<vmem_shared>>
      tpu.enqueue_indirect_dma source(%arg7 : memref<80x128xf32, #tpu.memory_space<vmem>>) target(%dma_start3A_25 : memref<10112x128xf32, #tpu.memory_space<vmem_shared>>) offsets(%dma_start3A_22 : memref<80xi32, #tpu.memory_space<vmem>>) semaphore(%run_scoped3A_20 : memref<!tpu.dma_semaphore, #tpu.memory_space<semaphore_mem>>) {add = true}
      %dma_wait3A = arith.constant 0 : i32
      %dma_wait3A_26 = tpu.memref_slice %arg6[%run_scoped3A_14, %dma_wait3A] : memref<125x80xi32, #tpu.memory_space<vmem>> -> memref<1x80xi32, #tpu.memory_space<vmem>>
      %dma_wait3A_27 = tpu.memref_squeeze %dma_wait3A_26 : memref<1x80xi32, #tpu.memory_space<vmem>> -> memref<80xi32, #tpu.memory_space<vmem>>
      %dma_wait3A_28 = arith.constant 0 : i32
      %dma_wait3A_29 = arith.constant 0 : i32
      %dma_wait3A_30 = tpu.memref_slice %arg8[%dma_wait3A_28, %dma_wait3A_29] : memref<10112x128xf32, #tpu.memory_space<vmem_shared>> -> memref<10112x128xf32, #tpu.memory_space<vmem_shared>>
      tpu.wait_indirect_dma semaphore(%run_scoped3A_20 : memref<!tpu.dma_semaphore, #tpu.memory_space<semaphore_mem>>) src(%arg7 : memref<80x128xf32, #tpu.memory_space<vmem>>) dst(%dma_wait3A_30 : memref<10112x128xf32, #tpu.memory_space<vmem_shared>>)
      tpu.yield
    }) : () -> ()
    %run_scoped3A_15 = arith.constant 121 : i32
    "tpu.region"() ({
      %run_scoped3A_20 = tpu.sem_alloc : memref<!tpu.dma_semaphore, #tpu.memory_space<semaphore_mem>>
      %dma_start3A = arith.constant 0 : i32
      %dma_start3A_21 = tpu.memref_slice %arg6[%run_scoped3A_15, %dma_start3A] : memref<125x80xi32, #tpu.memory_space<vmem>> -> memref<1x80xi32, #tpu.memory_space<vmem>>
      %dma_start3A_22 = tpu.memref_squeeze %dma_start3A_21 : memref<1x80xi32, #tpu.memory_space<vmem>> -> memref<80xi32, #tpu.memory_space<vmem>>
      %dma_start3A_23 = arith.constant 0 : i32
      %dma_start3A_24 = arith.constant 0 : i32
      %dma_start3A_25 = tpu.memref_slice %arg8[%dma_start3A_23, %dma_start3A_24] : memref<10112x128xf32, #tpu.memory_space<vmem_shared>> -> memref<10112x128xf32, #tpu.memory_space<vmem_shared>>
      tpu.enqueue_indirect_dma source(%arg7 : memref<80x128xf32, #tpu.memory_space<vmem>>) target(%dma_start3A_25 : memref<10112x128xf32, #tpu.memory_space<vmem_shared>>) offsets(%dma_start3A_22 : memref<80xi32, #tpu.memory_space<vmem>>) semaphore(%run_scoped3A_20 : memref<!tpu.dma_semaphore, #tpu.memory_space<semaphore_mem>>) {add = true}
      %dma_wait3A = arith.constant 0 : i32
      %dma_wait3A_26 = tpu.memref_slice %arg6[%run_scoped3A_15, %dma_wait3A] : memref<125x80xi32, #tpu.memory_space<vmem>> -> memref<1x80xi32, #tpu.memory_space<vmem>>
      %dma_wait3A_27 = tpu.memref_squeeze %dma_wait3A_26 : memref<1x80xi32, #tpu.memory_space<vmem>> -> memref<80xi32, #tpu.memory_space<vmem>>
      %dma_wait3A_28 = arith.constant 0 : i32
      %dma_wait3A_29 = arith.constant 0 : i32
      %dma_wait3A_30 = tpu.memref_slice %arg8[%dma_wait3A_28, %dma_wait3A_29] : memref<10112x128xf32, #tpu.memory_space<vmem_shared>> -> memref<10112x128xf32, #tpu.memory_space<vmem_shared>>
      tpu.wait_indirect_dma semaphore(%run_scoped3A_20 : memref<!tpu.dma_semaphore, #tpu.memory_space<semaphore_mem>>) src(%arg7 : memref<80x128xf32, #tpu.memory_space<vmem>>) dst(%dma_wait3A_30 : memref<10112x128xf32, #tpu.memory_space<vmem_shared>>)
      tpu.yield
    }) : () -> ()
    %run_scoped3A_16 = arith.constant 122 : i32
    "tpu.region"() ({
      %run_scoped3A_20 = tpu.sem_alloc : memref<!tpu.dma_semaphore, #tpu.memory_space<semaphore_mem>>
      %dma_start3A = arith.constant 0 : i32
      %dma_start3A_21 = tpu.memref_slice %arg6[%run_scoped3A_16, %dma_start3A] : memref<125x80xi32, #tpu.memory_space<vmem>> -> memref<1x80xi32, #tpu.memory_space<vmem>>
      %dma_start3A_22 = tpu.memref_squeeze %dma_start3A_21 : memref<1x80xi32, #tpu.memory_space<vmem>> -> memref<80xi32, #tpu.memory_space<vmem>>
      %dma_start3A_23 = arith.constant 0 : i32
      %dma_start3A_24 = arith.constant 0 : i32
      %dma_start3A_25 = tpu.memref_slice %arg8[%dma_start3A_23, %dma_start3A_24] : memref<10112x128xf32, #tpu.memory_space<vmem_shared>> -> memref<10112x128xf32, #tpu.memory_space<vmem_shared>>
      tpu.enqueue_indirect_dma source(%arg7 : memref<80x128xf32, #tpu.memory_space<vmem>>) target(%dma_start3A_25 : memref<10112x128xf32, #tpu.memory_space<vmem_shared>>) offsets(%dma_start3A_22 : memref<80xi32, #tpu.memory_space<vmem>>) semaphore(%run_scoped3A_20 : memref<!tpu.dma_semaphore, #tpu.memory_space<semaphore_mem>>) {add = true}
      %dma_wait3A = arith.constant 0 : i32
      %dma_wait3A_26 = tpu.memref_slice %arg6[%run_scoped3A_16, %dma_wait3A] : memref<125x80xi32, #tpu.memory_space<vmem>> -> memref<1x80xi32, #tpu.memory_space<vmem>>
      %dma_wait3A_27 = tpu.memref_squeeze %dma_wait3A_26 : memref<1x80xi32, #tpu.memory_space<vmem>> -> memref<80xi32, #tpu.memory_space<vmem>>
      %dma_wait3A_28 = arith.constant 0 : i32
      %dma_wait3A_29 = arith.constant 0 : i32
      %dma_wait3A_30 = tpu.memref_slice %arg8[%dma_wait3A_28, %dma_wait3A_29] : memref<10112x128xf32, #tpu.memory_space<vmem_shared>> -> memref<10112x128xf32, #tpu.memory_space<vmem_shared>>
      tpu.wait_indirect_dma semaphore(%run_scoped3A_20 : memref<!tpu.dma_semaphore, #tpu.memory_space<semaphore_mem>>) src(%arg7 : memref<80x128xf32, #tpu.memory_space<vmem>>) dst(%dma_wait3A_30 : memref<10112x128xf32, #tpu.memory_space<vmem_shared>>)
      tpu.yield
    }) : () -> ()
    %run_scoped3A_17 = arith.constant 123 : i32
    "tpu.region"() ({
      %run_scoped3A_20 = tpu.sem_alloc : memref<!tpu.dma_semaphore, #tpu.memory_space<semaphore_mem>>
      %dma_start3A = arith.constant 0 : i32
      %dma_start3A_21 = tpu.memref_slice %arg6[%run_scoped3A_17, %dma_start3A] : memref<125x80xi32, #tpu.memory_space<vmem>> -> memref<1x80xi32, #tpu.memory_space<vmem>>
      %dma_start3A_22 = tpu.memref_squeeze %dma_start3A_21 : memref<1x80xi32, #tpu.memory_space<vmem>> -> memref<80xi32, #tpu.memory_space<vmem>>
      %dma_start3A_23 = arith.constant 0 : i32
      %dma_start3A_24 = arith.constant 0 : i32
      %dma_start3A_25 = tpu.memref_slice %arg8[%dma_start3A_23, %dma_start3A_24] : memref<10112x128xf32, #tpu.memory_space<vmem_shared>> -> memref<10112x128xf32, #tpu.memory_space<vmem_shared>>
      tpu.enqueue_indirect_dma source(%arg7 : memref<80x128xf32, #tpu.memory_space<vmem>>) target(%dma_start3A_25 : memref<10112x128xf32, #tpu.memory_space<vmem_shared>>) offsets(%dma_start3A_22 : memref<80xi32, #tpu.memory_space<vmem>>) semaphore(%run_scoped3A_20 : memref<!tpu.dma_semaphore, #tpu.memory_space<semaphore_mem>>) {add = true}
      %dma_wait3A = arith.constant 0 : i32
      %dma_wait3A_26 = tpu.memref_slice %arg6[%run_scoped3A_17, %dma_wait3A] : memref<125x80xi32, #tpu.memory_space<vmem>> -> memref<1x80xi32, #tpu.memory_space<vmem>>
      %dma_wait3A_27 = tpu.memref_squeeze %dma_wait3A_26 : memref<1x80xi32, #tpu.memory_space<vmem>> -> memref<80xi32, #tpu.memory_space<vmem>>
      %dma_wait3A_28 = arith.constant 0 : i32
      %dma_wait3A_29 = arith.constant 0 : i32
      %dma_wait3A_30 = tpu.memref_slice %arg8[%dma_wait3A_28, %dma_wait3A_29] : memref<10112x128xf32, #tpu.memory_space<vmem_shared>> -> memref<10112x128xf32, #tpu.memory_space<vmem_shared>>
      tpu.wait_indirect_dma semaphore(%run_scoped3A_20 : memref<!tpu.dma_semaphore, #tpu.memory_space<semaphore_mem>>) src(%arg7 : memref<80x128xf32, #tpu.memory_space<vmem>>) dst(%dma_wait3A_30 : memref<10112x128xf32, #tpu.memory_space<vmem_shared>>)
      tpu.yield
    }) : () -> ()
    %run_scoped3A_18 = arith.constant 124 : i32
    "tpu.region"() ({
      %run_scoped3A_20 = tpu.sem_alloc : memref<!tpu.dma_semaphore, #tpu.memory_space<semaphore_mem>>
      %dma_start3A = arith.constant 0 : i32
      %dma_start3A_21 = tpu.memref_slice %arg6[%run_scoped3A_18, %dma_start3A] : memref<125x80xi32, #tpu.memory_space<vmem>> -> memref<1x80xi32, #tpu.memory_space<vmem>>
      %dma_start3A_22 = tpu.memref_squeeze %dma_start3A_21 : memref<1x80xi32, #tpu.memory_space<vmem>> -> memref<80xi32, #tpu.memory_space<vmem>>
      %dma_start3A_23 = arith.constant 0 : i32
      %dma_start3A_24 = arith.constant 0 : i32
      %dma_start3A_25 = tpu.memref_slice %arg8[%dma_start3A_23, %dma_start3A_24] : memref<10112x128xf32, #tpu.memory_space<vmem_shared>> -> memref<10112x128xf32, #tpu.memory_space<vmem_shared>>
      tpu.enqueue_indirect_dma source(%arg7 : memref<80x128xf32, #tpu.memory_space<vmem>>) target(%dma_start3A_25 : memref<10112x128xf32, #tpu.memory_space<vmem_shared>>) offsets(%dma_start3A_22 : memref<80xi32, #tpu.memory_space<vmem>>) semaphore(%run_scoped3A_20 : memref<!tpu.dma_semaphore, #tpu.memory_space<semaphore_mem>>) {add = true}
      %dma_wait3A = arith.constant 0 : i32
      %dma_wait3A_26 = tpu.memref_slice %arg6[%run_scoped3A_18, %dma_wait3A] : memref<125x80xi32, #tpu.memory_space<vmem>> -> memref<1x80xi32, #tpu.memory_space<vmem>>
      %dma_wait3A_27 = tpu.memref_squeeze %dma_wait3A_26 : memref<1x80xi32, #tpu.memory_space<vmem>> -> memref<80xi32, #tpu.memory_space<vmem>>
      %dma_wait3A_28 = arith.constant 0 : i32
      %dma_wait3A_29 = arith.constant 0 : i32
      %dma_wait3A_30 = tpu.memref_slice %arg8[%dma_wait3A_28, %dma_wait3A_29] : memref<10112x128xf32, #tpu.memory_space<vmem_shared>> -> memref<10112x128xf32, #tpu.memory_space<vmem_shared>>
      tpu.wait_indirect_dma semaphore(%run_scoped3A_20 : memref<!tpu.dma_semaphore, #tpu.memory_space<semaphore_mem>>) src(%arg7 : memref<80x128xf32, #tpu.memory_space<vmem>>) dst(%dma_wait3A_30 : memref<10112x128xf32, #tpu.memory_space<vmem_shared>>)
      tpu.yield
    }) : () -> ()
    %barrier3A_19 = arith.constant 0 : index
    tpu.barrier barrier_id(%barrier3A_19)
    "tpu.region"() ({
      %run_scoped3A_20 = tpu.sem_alloc : memref<!tpu.dma_semaphore, #tpu.memory_space<semaphore_mem>>
      %dma_start3A = arith.constant 0 : i32
      %dma_start3A_21 = tpu.memref_slice %arg5[%arg0, %mul3A_2, %dma_start3A] : memref<2x10112x128xf32, #tpu.memory_space<hbm>> -> memref<1x632x128xf32, #tpu.memory_space<hbm>>
      %dma_start3A_22 = tpu.memref_squeeze %dma_start3A_21 : memref<1x632x128xf32, #tpu.memory_space<hbm>> -> memref<632x128xf32, #tpu.memory_space<hbm>>
      %dma_start3A_23 = arith.constant 0 : i32
      %dma_start3A_24 = tpu.memref_slice %arg8[%mul3A_2, %dma_start3A_23] : memref<10112x128xf32, #tpu.memory_space<vmem_shared>> -> memref<632x128xf32, #tpu.memory_space<vmem_shared>>
      tpu.enqueue_dma source(%dma_start3A_24 : memref<632x128xf32, #tpu.memory_space<vmem_shared>>) target(%dma_start3A_22 : memref<632x128xf32, #tpu.memory_space<hbm>>) target_semaphore(%run_scoped3A_20 : memref<!tpu.dma_semaphore, #tpu.memory_space<semaphore_mem>>)
      %dma_wait3A = arith.constant 0 : i32
      %dma_wait3A_25 = tpu.memref_slice %arg5[%arg0, %mul3A_2, %dma_wait3A] : memref<2x10112x128xf32, #tpu.memory_space<hbm>> -> memref<1x632x128xf32, #tpu.memory_space<hbm>>
      %dma_wait3A_26 = tpu.memref_squeeze %dma_wait3A_25 : memref<1x632x128xf32, #tpu.memory_space<hbm>> -> memref<632x128xf32, #tpu.memory_space<hbm>>
      %dma_wait3A_27 = arith.constant 0 : i32
      %dma_wait3A_28 = tpu.memref_slice %arg8[%mul3A_2, %dma_wait3A_27] : memref<10112x128xf32, #tpu.memory_space<vmem_shared>> -> memref<632x128xf32, #tpu.memory_space<vmem_shared>>
      tpu.wait_dma2 semaphore(%run_scoped3A_20 : memref<!tpu.dma_semaphore, #tpu.memory_space<semaphore_mem>>) src(%dma_wait3A_28 : memref<632x128xf32, #tpu.memory_space<vmem_shared>>) dst(%dma_wait3A_26 : memref<632x128xf32, #tpu.memory_space<hbm>>)
      tpu.yield
    }) : () -> ()
    return
  }
}

#map = affine_map<(d0, d1) -> (0, 0)>
#map1 = affine_map<(d0, d1) -> (0)>
#map2 = affine_map<(d0, d1) -> (0, 0, 0)>
module attributes {stable_mosaic.version = 14 : i64} {
  func.func @pass_kernel(%arg0: i32, %arg1: i32, %arg2: memref<10000x128xf32, #tpu.memory_space<hbm>>, %arg3: memref<320000xi32, #tpu.memory_space<hbm>>, %arg4: memref<32x125x80xi32, #tpu.memory_space<hbm>>, %arg5: memref<10112x128xf32, #tpu.memory_space<hbm>>, %arg6: memref<2x10112x128xf32, #tpu.memory_space<hbm>>, %arg7: memref<10000xi32, #tpu.memory_space<vmem>>, %arg8: memref<125x80xi32, #tpu.memory_space<vmem>>, %arg9: memref<80x128xf32, #tpu.memory_space<vmem>>, %arg10: memref<80x128xf32, #tpu.memory_space<vmem>>, %arg11: memref<10112x128xf32, #tpu.memory_space<vmem_shared>>, %arg12: memref<!tpu.dma_semaphore, #tpu.memory_space<semaphore_mem>>, %arg13: memref<!tpu.dma_semaphore, #tpu.memory_space<semaphore_mem>>) attributes {dimension_semantics = [#tpu.dimension_semantics<core_parallel>, #tpu.dimension_semantics<subcore_parallel>], iteration_bounds = array<i64: 2, 16>, scalar_prefetch = 0 : i64, scratch_operands = 7 : i64, tpu.core_type = #tpu.core_type<sc_vector_subcore>, window_params = [{transform_indices = #map}, {transform_indices = #map1}, {transform_indices = #map2}, {transform_indices = #map}, {transform_indices = #map2}]} {
    %mul3A = arith.constant 16 : i32
    %mul3A_0 = arith.muli %arg0, %mul3A : i32
    %add3A = arith.addi %mul3A_0, %arg1 : i32
    %mul3A_1 = arith.constant 632 : i32
    %mul3A_2 = arith.muli %arg1, %mul3A_1 : i32
    %mul3A_3 = arith.constant 10000 : i32
    %mul3A_4 = arith.muli %add3A, %mul3A_3 : i32
    %multiple_of3A = tpu.assume_multiple %mul3A_4, 8 : i32
    "tpu.region"() ({
      %run_scoped3A_18 = tpu.sem_alloc : memref<!tpu.dma_semaphore, #tpu.memory_space<semaphore_mem>>
      %dma_start3A_19 = tpu.memref_slice %arg3[%multiple_of3A] : memref<320000xi32, #tpu.memory_space<hbm>> -> memref<10000xi32, #tpu.memory_space<hbm>>
      %dma_start3A_20 = tpu.memref_slice %arg3[%multiple_of3A] : memref<320000xi32, #tpu.memory_space<hbm>> -> memref<10000xi32, #tpu.memory_space<hbm>>
      tpu.enqueue_dma source(%dma_start3A_20 : memref<10000xi32, #tpu.memory_space<hbm>>) target(%arg7 : memref<10000xi32, #tpu.memory_space<vmem>>) target_semaphore(%run_scoped3A_18 : memref<!tpu.dma_semaphore, #tpu.memory_space<semaphore_mem>>)
      %dma_wait3A_21 = tpu.memref_slice %arg3[%multiple_of3A] : memref<320000xi32, #tpu.memory_space<hbm>> -> memref<10000xi32, #tpu.memory_space<hbm>>
      %dma_wait3A_22 = tpu.memref_slice %arg3[%multiple_of3A] : memref<320000xi32, #tpu.memory_space<hbm>> -> memref<10000xi32, #tpu.memory_space<hbm>>
      tpu.wait_dma2 semaphore(%run_scoped3A_18 : memref<!tpu.dma_semaphore, #tpu.memory_space<semaphore_mem>>) src(%dma_wait3A_22 : memref<10000xi32, #tpu.memory_space<hbm>>) dst(%arg7 : memref<10000xi32, #tpu.memory_space<vmem>>)
      tpu.yield
    }) : () -> ()
    "tpu.region"() ({
      %run_scoped3A_18 = tpu.sem_alloc : memref<!tpu.dma_semaphore, #tpu.memory_space<semaphore_mem>>
      %dma_start3A_19 = arith.constant 0 : i32
      %dma_start3A_20 = arith.constant 0 : i32
      %dma_start3A_21 = tpu.memref_slice %arg4[%add3A, %dma_start3A_19, %dma_start3A_20] : memref<32x125x80xi32, #tpu.memory_space<hbm>> -> memref<1x125x80xi32, #tpu.memory_space<hbm>>
      %dma_start3A_22 = tpu.memref_squeeze %dma_start3A_21 : memref<1x125x80xi32, #tpu.memory_space<hbm>> -> memref<125x80xi32, #tpu.memory_space<hbm>>
      %dma_start3A_23 = arith.constant 0 : i32
      %dma_start3A_24 = arith.constant 0 : i32
      %dma_start3A_25 = tpu.memref_slice %arg4[%add3A, %dma_start3A_23, %dma_start3A_24] : memref<32x125x80xi32, #tpu.memory_space<hbm>> -> memref<1x125x80xi32, #tpu.memory_space<hbm>>
      %dma_start3A_26 = tpu.memref_squeeze %dma_start3A_25 : memref<1x125x80xi32, #tpu.memory_space<hbm>> -> memref<125x80xi32, #tpu.memory_space<hbm>>
      tpu.enqueue_dma source(%dma_start3A_26 : memref<125x80xi32, #tpu.memory_space<hbm>>) target(%arg8 : memref<125x80xi32, #tpu.memory_space<vmem>>) target_semaphore(%run_scoped3A_18 : memref<!tpu.dma_semaphore, #tpu.memory_space<semaphore_mem>>)
      %dma_wait3A_27 = arith.constant 0 : i32
      %dma_wait3A_28 = arith.constant 0 : i32
      %dma_wait3A_29 = tpu.memref_slice %arg4[%add3A, %dma_wait3A_27, %dma_wait3A_28] : memref<32x125x80xi32, #tpu.memory_space<hbm>> -> memref<1x125x80xi32, #tpu.memory_space<hbm>>
      %dma_wait3A_30 = tpu.memref_squeeze %dma_wait3A_29 : memref<1x125x80xi32, #tpu.memory_space<hbm>> -> memref<125x80xi32, #tpu.memory_space<hbm>>
      %dma_wait3A_31 = arith.constant 0 : i32
      %dma_wait3A_32 = arith.constant 0 : i32
      %dma_wait3A_33 = tpu.memref_slice %arg4[%add3A, %dma_wait3A_31, %dma_wait3A_32] : memref<32x125x80xi32, #tpu.memory_space<hbm>> -> memref<1x125x80xi32, #tpu.memory_space<hbm>>
      %dma_wait3A_34 = tpu.memref_squeeze %dma_wait3A_33 : memref<1x125x80xi32, #tpu.memory_space<hbm>> -> memref<125x80xi32, #tpu.memory_space<hbm>>
      tpu.wait_dma2 semaphore(%run_scoped3A_18 : memref<!tpu.dma_semaphore, #tpu.memory_space<semaphore_mem>>) src(%dma_wait3A_34 : memref<125x80xi32, #tpu.memory_space<hbm>>) dst(%arg8 : memref<125x80xi32, #tpu.memory_space<vmem>>)
      tpu.yield
    }) : () -> ()
    "tpu.region"() ({
      %run_scoped3A_18 = tpu.sem_alloc : memref<!tpu.dma_semaphore, #tpu.memory_space<semaphore_mem>>
      %dma_start3A_19 = arith.constant 0 : i32
      %dma_start3A_20 = tpu.memref_slice %arg11[%mul3A_2, %dma_start3A_19] : memref<10112x128xf32, #tpu.memory_space<vmem_shared>> -> memref<632x128xf32, #tpu.memory_space<vmem_shared>>
      %dma_start3A_21 = arith.constant 0 : i32
      %dma_start3A_22 = tpu.memref_slice %arg5[%mul3A_2, %dma_start3A_21] : memref<10112x128xf32, #tpu.memory_space<hbm>> -> memref<632x128xf32, #tpu.memory_space<hbm>>
      tpu.enqueue_dma source(%dma_start3A_22 : memref<632x128xf32, #tpu.memory_space<hbm>>) target(%dma_start3A_20 : memref<632x128xf32, #tpu.memory_space<vmem_shared>>) target_semaphore(%run_scoped3A_18 : memref<!tpu.dma_semaphore, #tpu.memory_space<semaphore_mem>>)
      %dma_wait3A_23 = arith.constant 0 : i32
      %dma_wait3A_24 = tpu.memref_slice %arg11[%mul3A_2, %dma_wait3A_23] : memref<10112x128xf32, #tpu.memory_space<vmem_shared>> -> memref<632x128xf32, #tpu.memory_space<vmem_shared>>
      %dma_wait3A_25 = arith.constant 0 : i32
      %dma_wait3A_26 = tpu.memref_slice %arg5[%mul3A_2, %dma_wait3A_25] : memref<10112x128xf32, #tpu.memory_space<hbm>> -> memref<632x128xf32, #tpu.memory_space<hbm>>
      tpu.wait_dma2 semaphore(%run_scoped3A_18 : memref<!tpu.dma_semaphore, #tpu.memory_space<semaphore_mem>>) src(%dma_wait3A_26 : memref<632x128xf32, #tpu.memory_space<hbm>>) dst(%dma_wait3A_24 : memref<632x128xf32, #tpu.memory_space<vmem_shared>>)
      tpu.yield
    }) : () -> ()
    %barrier3A = arith.constant 0 : index
    tpu.barrier barrier_id(%barrier3A)
    %dma_start3A = arith.constant 0 : i32
    %dma_start3A_5 = tpu.memref_slice %arg7[%dma_start3A] : memref<10000xi32, #tpu.memory_space<vmem>> -> memref<80xi32, #tpu.memory_space<vmem>>
    %dma_start3A_6 = arith.constant 0 : i32
    %dma_start3A_7 = arith.constant 0 : i32
    %dma_start3A_8 = tpu.memref_slice %arg2[%dma_start3A_6, %dma_start3A_7] : memref<10000x128xf32, #tpu.memory_space<hbm>> -> memref<10000x128xf32, #tpu.memory_space<hbm>>
    tpu.enqueue_indirect_dma source(%dma_start3A_8 : memref<10000x128xf32, #tpu.memory_space<hbm>>) target(%arg9 : memref<80x128xf32, #tpu.memory_space<vmem>>) offsets(%dma_start3A_5 : memref<80xi32, #tpu.memory_space<vmem>>) semaphore(%arg12 : memref<!tpu.dma_semaphore, #tpu.memory_space<semaphore_mem>>)
    %scan3A = arith.constant 0 : i32
    %scan3A_9 = arith.constant 62 : i32
    %scan3A_10 = arith.addi %scan3A, %scan3A_9 : i32
    %scan3A_11 = arith.constant 1 : i32
    scf.for %scan3A_18 = %scan3A to %scan3A_10 step %scan3A_11  : i32 {
      %mul3A_19 = arith.constant 1 : i32
      %mul3A_20 = arith.muli %scan3A_18, %mul3A_19 : i32
      %add3A_21 = arith.constant 0 : i32
      %add3A_22 = arith.addi %add3A_21, %mul3A_20 : i32
      %mul3A_23 = arith.constant 2 : i32
      %mul3A_24 = arith.muli %mul3A_23, %add3A_22 : i32
      %add3A_25 = arith.constant 1 : i32
      %add3A_26 = arith.addi %mul3A_24, %add3A_25 : i32
      %mul3A_27 = arith.constant 80 : i32
      %mul3A_28 = arith.muli %add3A_26, %mul3A_27 : i32
      %dma_start3A_29 = tpu.memref_slice %arg7[%mul3A_28] : memref<10000xi32, #tpu.memory_space<vmem>> -> memref<80xi32, #tpu.memory_space<vmem>>
      %dma_start3A_30 = arith.constant 0 : i32
      %dma_start3A_31 = arith.constant 0 : i32
      %dma_start3A_32 = tpu.memref_slice %arg2[%dma_start3A_30, %dma_start3A_31] : memref<10000x128xf32, #tpu.memory_space<hbm>> -> memref<10000x128xf32, #tpu.memory_space<hbm>>
      tpu.enqueue_indirect_dma source(%dma_start3A_32 : memref<10000x128xf32, #tpu.memory_space<hbm>>) target(%arg10 : memref<80x128xf32, #tpu.memory_space<vmem>>) offsets(%dma_start3A_29 : memref<80xi32, #tpu.memory_space<vmem>>) semaphore(%arg13 : memref<!tpu.dma_semaphore, #tpu.memory_space<semaphore_mem>>)
      %mul3A_33 = arith.constant 80 : i32
      %mul3A_34 = arith.muli %mul3A_24, %mul3A_33 : i32
      %dma_wait3A_35 = tpu.memref_slice %arg7[%mul3A_34] : memref<10000xi32, #tpu.memory_space<vmem>> -> memref<80xi32, #tpu.memory_space<vmem>>
      %dma_wait3A_36 = arith.constant 0 : i32
      %dma_wait3A_37 = arith.constant 0 : i32
      %dma_wait3A_38 = tpu.memref_slice %arg2[%dma_wait3A_36, %dma_wait3A_37] : memref<10000x128xf32, #tpu.memory_space<hbm>> -> memref<10000x128xf32, #tpu.memory_space<hbm>>
      tpu.wait_indirect_dma semaphore(%arg12 : memref<!tpu.dma_semaphore, #tpu.memory_space<semaphore_mem>>) src(%dma_wait3A_38 : memref<10000x128xf32, #tpu.memory_space<hbm>>) dst(%arg9 : memref<80x128xf32, #tpu.memory_space<vmem>>)
      "tpu.region"() ({
        %run_scoped3A_51 = tpu.sem_alloc : memref<!tpu.dma_semaphore, #tpu.memory_space<semaphore_mem>>
        %dma_start3A_52 = arith.constant 0 : i32
        %dma_start3A_53 = tpu.memref_slice %arg8[%mul3A_24, %dma_start3A_52] : memref<125x80xi32, #tpu.memory_space<vmem>> -> memref<1x80xi32, #tpu.memory_space<vmem>>
        %dma_start3A_54 = tpu.memref_squeeze %dma_start3A_53 : memref<1x80xi32, #tpu.memory_space<vmem>> -> memref<80xi32, #tpu.memory_space<vmem>>
        %dma_start3A_55 = arith.constant 0 : i32
        %dma_start3A_56 = arith.constant 0 : i32
        %dma_start3A_57 = tpu.memref_slice %arg11[%dma_start3A_55, %dma_start3A_56] : memref<10112x128xf32, #tpu.memory_space<vmem_shared>> -> memref<10112x128xf32, #tpu.memory_space<vmem_shared>>
        tpu.enqueue_indirect_dma source(%arg9 : memref<80x128xf32, #tpu.memory_space<vmem>>) target(%dma_start3A_57 : memref<10112x128xf32, #tpu.memory_space<vmem_shared>>) offsets(%dma_start3A_54 : memref<80xi32, #tpu.memory_space<vmem>>) semaphore(%run_scoped3A_51 : memref<!tpu.dma_semaphore, #tpu.memory_space<semaphore_mem>>) {add = true}
        %dma_wait3A_58 = arith.constant 0 : i32
        %dma_wait3A_59 = tpu.memref_slice %arg8[%mul3A_24, %dma_wait3A_58] : memref<125x80xi32, #tpu.memory_space<vmem>> -> memref<1x80xi32, #tpu.memory_space<vmem>>
        %dma_wait3A_60 = tpu.memref_squeeze %dma_wait3A_59 : memref<1x80xi32, #tpu.memory_space<vmem>> -> memref<80xi32, #tpu.memory_space<vmem>>
        %dma_wait3A_61 = arith.constant 0 : i32
        %dma_wait3A_62 = arith.constant 0 : i32
        %dma_wait3A_63 = tpu.memref_slice %arg11[%dma_wait3A_61, %dma_wait3A_62] : memref<10112x128xf32, #tpu.memory_space<vmem_shared>> -> memref<10112x128xf32, #tpu.memory_space<vmem_shared>>
        tpu.wait_indirect_dma semaphore(%run_scoped3A_51 : memref<!tpu.dma_semaphore, #tpu.memory_space<semaphore_mem>>) src(%arg9 : memref<80x128xf32, #tpu.memory_space<vmem>>) dst(%dma_wait3A_63 : memref<10112x128xf32, #tpu.memory_space<vmem_shared>>)
        tpu.yield
      }) : () -> ()
      %add3A_39 = arith.constant 2 : i32
      %add3A_40 = arith.addi %mul3A_24, %add3A_39 : i32
      %lt3A = arith.constant 125 : i32
      %lt3A_41 = arith.cmpi slt, %add3A_40, %lt3A : i32
      %convert_element_type3A = arith.extui %lt3A_41 : i1 to i32
      %cond3A = arith.constant 0 : i32
      %cond3A_42 = arith.cmpi ne, %convert_element_type3A, %cond3A : i32
      scf.if %cond3A_42 {
        %add3A_51 = arith.constant 2 : i32
        %add3A_52 = arith.addi %mul3A_24, %add3A_51 : i32
        %mul3A_53 = arith.constant 80 : i32
        %mul3A_54 = arith.muli %add3A_52, %mul3A_53 : i32
        %dma_start3A_55 = tpu.memref_slice %arg7[%mul3A_54] : memref<10000xi32, #tpu.memory_space<vmem>> -> memref<80xi32, #tpu.memory_space<vmem>>
        %dma_start3A_56 = arith.constant 0 : i32
        %dma_start3A_57 = arith.constant 0 : i32
        %dma_start3A_58 = tpu.memref_slice %arg2[%dma_start3A_56, %dma_start3A_57] : memref<10000x128xf32, #tpu.memory_space<hbm>> -> memref<10000x128xf32, #tpu.memory_space<hbm>>
        tpu.enqueue_indirect_dma source(%dma_start3A_58 : memref<10000x128xf32, #tpu.memory_space<hbm>>) target(%arg9 : memref<80x128xf32, #tpu.memory_space<vmem>>) offsets(%dma_start3A_55 : memref<80xi32, #tpu.memory_space<vmem>>) semaphore(%arg12 : memref<!tpu.dma_semaphore, #tpu.memory_space<semaphore_mem>>)
      } else {
      }
      %add3A_43 = arith.constant 1 : i32
      %add3A_44 = arith.addi %mul3A_24, %add3A_43 : i32
      %mul3A_45 = arith.constant 80 : i32
      %mul3A_46 = arith.muli %add3A_44, %mul3A_45 : i32
      %dma_wait3A_47 = tpu.memref_slice %arg7[%mul3A_46] : memref<10000xi32, #tpu.memory_space<vmem>> -> memref<80xi32, #tpu.memory_space<vmem>>
      %dma_wait3A_48 = arith.constant 0 : i32
      %dma_wait3A_49 = arith.constant 0 : i32
      %dma_wait3A_50 = tpu.memref_slice %arg2[%dma_wait3A_48, %dma_wait3A_49] : memref<10000x128xf32, #tpu.memory_space<hbm>> -> memref<10000x128xf32, #tpu.memory_space<hbm>>
      tpu.wait_indirect_dma semaphore(%arg13 : memref<!tpu.dma_semaphore, #tpu.memory_space<semaphore_mem>>) src(%dma_wait3A_50 : memref<10000x128xf32, #tpu.memory_space<hbm>>) dst(%arg10 : memref<80x128xf32, #tpu.memory_space<vmem>>)
      "tpu.region"() ({
        %run_scoped3A_51 = tpu.sem_alloc : memref<!tpu.dma_semaphore, #tpu.memory_space<semaphore_mem>>
        %dma_start3A_52 = arith.constant 0 : i32
        %dma_start3A_53 = tpu.memref_slice %arg8[%add3A_44, %dma_start3A_52] : memref<125x80xi32, #tpu.memory_space<vmem>> -> memref<1x80xi32, #tpu.memory_space<vmem>>
        %dma_start3A_54 = tpu.memref_squeeze %dma_start3A_53 : memref<1x80xi32, #tpu.memory_space<vmem>> -> memref<80xi32, #tpu.memory_space<vmem>>
        %dma_start3A_55 = arith.constant 0 : i32
        %dma_start3A_56 = arith.constant 0 : i32
        %dma_start3A_57 = tpu.memref_slice %arg11[%dma_start3A_55, %dma_start3A_56] : memref<10112x128xf32, #tpu.memory_space<vmem_shared>> -> memref<10112x128xf32, #tpu.memory_space<vmem_shared>>
        tpu.enqueue_indirect_dma source(%arg10 : memref<80x128xf32, #tpu.memory_space<vmem>>) target(%dma_start3A_57 : memref<10112x128xf32, #tpu.memory_space<vmem_shared>>) offsets(%dma_start3A_54 : memref<80xi32, #tpu.memory_space<vmem>>) semaphore(%run_scoped3A_51 : memref<!tpu.dma_semaphore, #tpu.memory_space<semaphore_mem>>) {add = true}
        %dma_wait3A_58 = arith.constant 0 : i32
        %dma_wait3A_59 = tpu.memref_slice %arg8[%add3A_44, %dma_wait3A_58] : memref<125x80xi32, #tpu.memory_space<vmem>> -> memref<1x80xi32, #tpu.memory_space<vmem>>
        %dma_wait3A_60 = tpu.memref_squeeze %dma_wait3A_59 : memref<1x80xi32, #tpu.memory_space<vmem>> -> memref<80xi32, #tpu.memory_space<vmem>>
        %dma_wait3A_61 = arith.constant 0 : i32
        %dma_wait3A_62 = arith.constant 0 : i32
        %dma_wait3A_63 = tpu.memref_slice %arg11[%dma_wait3A_61, %dma_wait3A_62] : memref<10112x128xf32, #tpu.memory_space<vmem_shared>> -> memref<10112x128xf32, #tpu.memory_space<vmem_shared>>
        tpu.wait_indirect_dma semaphore(%run_scoped3A_51 : memref<!tpu.dma_semaphore, #tpu.memory_space<semaphore_mem>>) src(%arg10 : memref<80x128xf32, #tpu.memory_space<vmem>>) dst(%dma_wait3A_63 : memref<10112x128xf32, #tpu.memory_space<vmem_shared>>)
        tpu.yield
      }) : () -> ()
    }
    %scan3A_12 = arith.constant 62 : i32
    %dma_wait3A = arith.constant 9920 : i32
    %dma_wait3A_13 = tpu.memref_slice %arg7[%dma_wait3A] : memref<10000xi32, #tpu.memory_space<vmem>> -> memref<80xi32, #tpu.memory_space<vmem>>
    %dma_wait3A_14 = arith.constant 0 : i32
    %dma_wait3A_15 = arith.constant 0 : i32
    %dma_wait3A_16 = tpu.memref_slice %arg2[%dma_wait3A_14, %dma_wait3A_15] : memref<10000x128xf32, #tpu.memory_space<hbm>> -> memref<10000x128xf32, #tpu.memory_space<hbm>>
    tpu.wait_indirect_dma semaphore(%arg12 : memref<!tpu.dma_semaphore, #tpu.memory_space<semaphore_mem>>) src(%dma_wait3A_16 : memref<10000x128xf32, #tpu.memory_space<hbm>>) dst(%arg9 : memref<80x128xf32, #tpu.memory_space<vmem>>)
    %run_scoped3A = arith.constant 124 : i32
    "tpu.region"() ({
      %run_scoped3A_18 = tpu.sem_alloc : memref<!tpu.dma_semaphore, #tpu.memory_space<semaphore_mem>>
      %dma_start3A_19 = arith.constant 0 : i32
      %dma_start3A_20 = tpu.memref_slice %arg8[%run_scoped3A, %dma_start3A_19] : memref<125x80xi32, #tpu.memory_space<vmem>> -> memref<1x80xi32, #tpu.memory_space<vmem>>
      %dma_start3A_21 = tpu.memref_squeeze %dma_start3A_20 : memref<1x80xi32, #tpu.memory_space<vmem>> -> memref<80xi32, #tpu.memory_space<vmem>>
      %dma_start3A_22 = arith.constant 0 : i32
      %dma_start3A_23 = arith.constant 0 : i32
      %dma_start3A_24 = tpu.memref_slice %arg11[%dma_start3A_22, %dma_start3A_23] : memref<10112x128xf32, #tpu.memory_space<vmem_shared>> -> memref<10112x128xf32, #tpu.memory_space<vmem_shared>>
      tpu.enqueue_indirect_dma source(%arg9 : memref<80x128xf32, #tpu.memory_space<vmem>>) target(%dma_start3A_24 : memref<10112x128xf32, #tpu.memory_space<vmem_shared>>) offsets(%dma_start3A_21 : memref<80xi32, #tpu.memory_space<vmem>>) semaphore(%run_scoped3A_18 : memref<!tpu.dma_semaphore, #tpu.memory_space<semaphore_mem>>) {add = true}
      %dma_wait3A_25 = arith.constant 0 : i32
      %dma_wait3A_26 = tpu.memref_slice %arg8[%run_scoped3A, %dma_wait3A_25] : memref<125x80xi32, #tpu.memory_space<vmem>> -> memref<1x80xi32, #tpu.memory_space<vmem>>
      %dma_wait3A_27 = tpu.memref_squeeze %dma_wait3A_26 : memref<1x80xi32, #tpu.memory_space<vmem>> -> memref<80xi32, #tpu.memory_space<vmem>>
      %dma_wait3A_28 = arith.constant 0 : i32
      %dma_wait3A_29 = arith.constant 0 : i32
      %dma_wait3A_30 = tpu.memref_slice %arg11[%dma_wait3A_28, %dma_wait3A_29] : memref<10112x128xf32, #tpu.memory_space<vmem_shared>> -> memref<10112x128xf32, #tpu.memory_space<vmem_shared>>
      tpu.wait_indirect_dma semaphore(%run_scoped3A_18 : memref<!tpu.dma_semaphore, #tpu.memory_space<semaphore_mem>>) src(%arg9 : memref<80x128xf32, #tpu.memory_space<vmem>>) dst(%dma_wait3A_30 : memref<10112x128xf32, #tpu.memory_space<vmem_shared>>)
      tpu.yield
    }) : () -> ()
    %barrier3A_17 = arith.constant 0 : index
    tpu.barrier barrier_id(%barrier3A_17)
    "tpu.region"() ({
      %run_scoped3A_18 = tpu.sem_alloc : memref<!tpu.dma_semaphore, #tpu.memory_space<semaphore_mem>>
      %dma_start3A_19 = arith.constant 0 : i32
      %dma_start3A_20 = tpu.memref_slice %arg6[%arg0, %mul3A_2, %dma_start3A_19] : memref<2x10112x128xf32, #tpu.memory_space<hbm>> -> memref<1x632x128xf32, #tpu.memory_space<hbm>>
      %dma_start3A_21 = tpu.memref_squeeze %dma_start3A_20 : memref<1x632x128xf32, #tpu.memory_space<hbm>> -> memref<632x128xf32, #tpu.memory_space<hbm>>
      %dma_start3A_22 = arith.constant 0 : i32
      %dma_start3A_23 = tpu.memref_slice %arg11[%mul3A_2, %dma_start3A_22] : memref<10112x128xf32, #tpu.memory_space<vmem_shared>> -> memref<632x128xf32, #tpu.memory_space<vmem_shared>>
      tpu.enqueue_dma source(%dma_start3A_23 : memref<632x128xf32, #tpu.memory_space<vmem_shared>>) target(%dma_start3A_21 : memref<632x128xf32, #tpu.memory_space<hbm>>) target_semaphore(%run_scoped3A_18 : memref<!tpu.dma_semaphore, #tpu.memory_space<semaphore_mem>>)
      %dma_wait3A_24 = arith.constant 0 : i32
      %dma_wait3A_25 = tpu.memref_slice %arg6[%arg0, %mul3A_2, %dma_wait3A_24] : memref<2x10112x128xf32, #tpu.memory_space<hbm>> -> memref<1x632x128xf32, #tpu.memory_space<hbm>>
      %dma_wait3A_26 = tpu.memref_squeeze %dma_wait3A_25 : memref<1x632x128xf32, #tpu.memory_space<hbm>> -> memref<632x128xf32, #tpu.memory_space<hbm>>
      %dma_wait3A_27 = arith.constant 0 : i32
      %dma_wait3A_28 = tpu.memref_slice %arg11[%mul3A_2, %dma_wait3A_27] : memref<10112x128xf32, #tpu.memory_space<vmem_shared>> -> memref<632x128xf32, #tpu.memory_space<vmem_shared>>
      tpu.wait_dma2 semaphore(%run_scoped3A_18 : memref<!tpu.dma_semaphore, #tpu.memory_space<semaphore_mem>>) src(%dma_wait3A_28 : memref<632x128xf32, #tpu.memory_space<vmem_shared>>) dst(%dma_wait3A_26 : memref<632x128xf32, #tpu.memory_space<hbm>>)
      tpu.yield
    }) : () -> ()
    return
  }
}

#map = affine_map<(d0, d1) -> (0, 0)>
#map1 = affine_map<(d0, d1) -> (0)>
#map2 = affine_map<(d0, d1) -> (0, 0, 0)>
module attributes {stable_mosaic.version = 14 : i64} {
  func.func @pass_kernel(%arg0: i32, %arg1: i32, %arg2: memref<10000x128xf32, #tpu.memory_space<hbm>>, %arg3: memref<320000xi32, #tpu.memory_space<hbm>>, %arg4: memref<32x125x80xi32, #tpu.memory_space<hbm>>, %arg5: memref<10112x128xf32, #tpu.memory_space<hbm>>, %arg6: memref<2x10112x128xf32, #tpu.memory_space<hbm>>, %arg7: memref<10000xi32, #tpu.memory_space<vmem>>, %arg8: memref<125x80xi32, #tpu.memory_space<vmem>>, %arg9: memref<80x128xf32, #tpu.memory_space<vmem>>, %arg10: memref<80x128xf32, #tpu.memory_space<vmem>>, %arg11: memref<10112x128xf32, #tpu.memory_space<vmem_shared>>, %arg12: memref<!tpu.dma_semaphore, #tpu.memory_space<semaphore_mem>>, %arg13: memref<!tpu.dma_semaphore, #tpu.memory_space<semaphore_mem>>) attributes {dimension_semantics = [#tpu.dimension_semantics<core_parallel>, #tpu.dimension_semantics<subcore_parallel>], iteration_bounds = array<i64: 2, 16>, scalar_prefetch = 0 : i64, scratch_operands = 7 : i64, tpu.core_type = #tpu.core_type<sc_vector_subcore>, window_params = [{transform_indices = #map}, {transform_indices = #map1}, {transform_indices = #map2}, {transform_indices = #map}, {transform_indices = #map2}]} {
    %mul3A = arith.constant 16 : i32
    %mul3A_0 = arith.muli %arg0, %mul3A : i32
    %add3A = arith.addi %mul3A_0, %arg1 : i32
    %mul3A_1 = arith.constant 632 : i32
    %mul3A_2 = arith.muli %arg1, %mul3A_1 : i32
    %mul3A_3 = arith.constant 10000 : i32
    %mul3A_4 = arith.muli %add3A, %mul3A_3 : i32
    %multiple_of3A = tpu.assume_multiple %mul3A_4, 8 : i32
    "tpu.region"() ({
      %run_scoped3A_18 = tpu.sem_alloc : memref<!tpu.dma_semaphore, #tpu.memory_space<semaphore_mem>>
      %dma_start3A_19 = tpu.memref_slice %arg3[%multiple_of3A] : memref<320000xi32, #tpu.memory_space<hbm>> -> memref<10000xi32, #tpu.memory_space<hbm>>
      %dma_start3A_20 = tpu.memref_slice %arg3[%multiple_of3A] : memref<320000xi32, #tpu.memory_space<hbm>> -> memref<10000xi32, #tpu.memory_space<hbm>>
      tpu.enqueue_dma source(%dma_start3A_20 : memref<10000xi32, #tpu.memory_space<hbm>>) target(%arg7 : memref<10000xi32, #tpu.memory_space<vmem>>) target_semaphore(%run_scoped3A_18 : memref<!tpu.dma_semaphore, #tpu.memory_space<semaphore_mem>>)
      %dma_wait3A_21 = tpu.memref_slice %arg3[%multiple_of3A] : memref<320000xi32, #tpu.memory_space<hbm>> -> memref<10000xi32, #tpu.memory_space<hbm>>
      %dma_wait3A_22 = tpu.memref_slice %arg3[%multiple_of3A] : memref<320000xi32, #tpu.memory_space<hbm>> -> memref<10000xi32, #tpu.memory_space<hbm>>
      tpu.wait_dma2 semaphore(%run_scoped3A_18 : memref<!tpu.dma_semaphore, #tpu.memory_space<semaphore_mem>>) src(%dma_wait3A_22 : memref<10000xi32, #tpu.memory_space<hbm>>) dst(%arg7 : memref<10000xi32, #tpu.memory_space<vmem>>)
      tpu.yield
    }) : () -> ()
    "tpu.region"() ({
      %run_scoped3A_18 = tpu.sem_alloc : memref<!tpu.dma_semaphore, #tpu.memory_space<semaphore_mem>>
      %dma_start3A_19 = arith.constant 0 : i32
      %dma_start3A_20 = arith.constant 0 : i32
      %dma_start3A_21 = tpu.memref_slice %arg4[%add3A, %dma_start3A_19, %dma_start3A_20] : memref<32x125x80xi32, #tpu.memory_space<hbm>> -> memref<1x125x80xi32, #tpu.memory_space<hbm>>
      %dma_start3A_22 = tpu.memref_squeeze %dma_start3A_21 : memref<1x125x80xi32, #tpu.memory_space<hbm>> -> memref<125x80xi32, #tpu.memory_space<hbm>>
      %dma_start3A_23 = arith.constant 0 : i32
      %dma_start3A_24 = arith.constant 0 : i32
      %dma_start3A_25 = tpu.memref_slice %arg4[%add3A, %dma_start3A_23, %dma_start3A_24] : memref<32x125x80xi32, #tpu.memory_space<hbm>> -> memref<1x125x80xi32, #tpu.memory_space<hbm>>
      %dma_start3A_26 = tpu.memref_squeeze %dma_start3A_25 : memref<1x125x80xi32, #tpu.memory_space<hbm>> -> memref<125x80xi32, #tpu.memory_space<hbm>>
      tpu.enqueue_dma source(%dma_start3A_26 : memref<125x80xi32, #tpu.memory_space<hbm>>) target(%arg8 : memref<125x80xi32, #tpu.memory_space<vmem>>) target_semaphore(%run_scoped3A_18 : memref<!tpu.dma_semaphore, #tpu.memory_space<semaphore_mem>>)
      %dma_wait3A_27 = arith.constant 0 : i32
      %dma_wait3A_28 = arith.constant 0 : i32
      %dma_wait3A_29 = tpu.memref_slice %arg4[%add3A, %dma_wait3A_27, %dma_wait3A_28] : memref<32x125x80xi32, #tpu.memory_space<hbm>> -> memref<1x125x80xi32, #tpu.memory_space<hbm>>
      %dma_wait3A_30 = tpu.memref_squeeze %dma_wait3A_29 : memref<1x125x80xi32, #tpu.memory_space<hbm>> -> memref<125x80xi32, #tpu.memory_space<hbm>>
      %dma_wait3A_31 = arith.constant 0 : i32
      %dma_wait3A_32 = arith.constant 0 : i32
      %dma_wait3A_33 = tpu.memref_slice %arg4[%add3A, %dma_wait3A_31, %dma_wait3A_32] : memref<32x125x80xi32, #tpu.memory_space<hbm>> -> memref<1x125x80xi32, #tpu.memory_space<hbm>>
      %dma_wait3A_34 = tpu.memref_squeeze %dma_wait3A_33 : memref<1x125x80xi32, #tpu.memory_space<hbm>> -> memref<125x80xi32, #tpu.memory_space<hbm>>
      tpu.wait_dma2 semaphore(%run_scoped3A_18 : memref<!tpu.dma_semaphore, #tpu.memory_space<semaphore_mem>>) src(%dma_wait3A_34 : memref<125x80xi32, #tpu.memory_space<hbm>>) dst(%arg8 : memref<125x80xi32, #tpu.memory_space<vmem>>)
      tpu.yield
    }) : () -> ()
    "tpu.region"() ({
      %run_scoped3A_18 = tpu.sem_alloc : memref<!tpu.dma_semaphore, #tpu.memory_space<semaphore_mem>>
      %dma_start3A_19 = arith.constant 0 : i32
      %dma_start3A_20 = tpu.memref_slice %arg11[%mul3A_2, %dma_start3A_19] : memref<10112x128xf32, #tpu.memory_space<vmem_shared>> -> memref<632x128xf32, #tpu.memory_space<vmem_shared>>
      %dma_start3A_21 = arith.constant 0 : i32
      %dma_start3A_22 = tpu.memref_slice %arg5[%mul3A_2, %dma_start3A_21] : memref<10112x128xf32, #tpu.memory_space<hbm>> -> memref<632x128xf32, #tpu.memory_space<hbm>>
      tpu.enqueue_dma source(%dma_start3A_22 : memref<632x128xf32, #tpu.memory_space<hbm>>) target(%dma_start3A_20 : memref<632x128xf32, #tpu.memory_space<vmem_shared>>) target_semaphore(%run_scoped3A_18 : memref<!tpu.dma_semaphore, #tpu.memory_space<semaphore_mem>>)
      %dma_wait3A_23 = arith.constant 0 : i32
      %dma_wait3A_24 = tpu.memref_slice %arg11[%mul3A_2, %dma_wait3A_23] : memref<10112x128xf32, #tpu.memory_space<vmem_shared>> -> memref<632x128xf32, #tpu.memory_space<vmem_shared>>
      %dma_wait3A_25 = arith.constant 0 : i32
      %dma_wait3A_26 = tpu.memref_slice %arg5[%mul3A_2, %dma_wait3A_25] : memref<10112x128xf32, #tpu.memory_space<hbm>> -> memref<632x128xf32, #tpu.memory_space<hbm>>
      tpu.wait_dma2 semaphore(%run_scoped3A_18 : memref<!tpu.dma_semaphore, #tpu.memory_space<semaphore_mem>>) src(%dma_wait3A_26 : memref<632x128xf32, #tpu.memory_space<hbm>>) dst(%dma_wait3A_24 : memref<632x128xf32, #tpu.memory_space<vmem_shared>>)
      tpu.yield
    }) : () -> ()
    %barrier3A = arith.constant 0 : index
    tpu.barrier barrier_id(%barrier3A)
    %dma_start3A = arith.constant 0 : i32
    %dma_start3A_5 = tpu.memref_slice %arg7[%dma_start3A] : memref<10000xi32, #tpu.memory_space<vmem>> -> memref<80xi32, #tpu.memory_space<vmem>>
    %dma_start3A_6 = arith.constant 0 : i32
    %dma_start3A_7 = arith.constant 0 : i32
    %dma_start3A_8 = tpu.memref_slice %arg2[%dma_start3A_6, %dma_start3A_7] : memref<10000x128xf32, #tpu.memory_space<hbm>> -> memref<10000x128xf32, #tpu.memory_space<hbm>>
    tpu.enqueue_indirect_dma source(%dma_start3A_8 : memref<10000x128xf32, #tpu.memory_space<hbm>>) target(%arg9 : memref<80x128xf32, #tpu.memory_space<vmem>>) offsets(%dma_start3A_5 : memref<80xi32, #tpu.memory_space<vmem>>) semaphore(%arg12 : memref<!tpu.dma_semaphore, #tpu.memory_space<semaphore_mem>>)
    %scan3A = arith.constant 0 : i32
    %scan3A_9 = arith.constant 62 : i32
    %scan3A_10 = arith.addi %scan3A, %scan3A_9 : i32
    %scan3A_11 = arith.constant 1 : i32
    scf.for %scan3A_18 = %scan3A to %scan3A_10 step %scan3A_11  : i32 {
      %mul3A_19 = arith.constant 1 : i32
      %mul3A_20 = arith.muli %scan3A_18, %mul3A_19 : i32
      %add3A_21 = arith.constant 0 : i32
      %add3A_22 = arith.addi %add3A_21, %mul3A_20 : i32
      %mul3A_23 = arith.constant 2 : i32
      %mul3A_24 = arith.muli %mul3A_23, %add3A_22 : i32
      %add3A_25 = arith.constant 1 : i32
      %add3A_26 = arith.addi %mul3A_24, %add3A_25 : i32
      %mul3A_27 = arith.constant 80 : i32
      %mul3A_28 = arith.muli %add3A_26, %mul3A_27 : i32
      %dma_start3A_29 = tpu.memref_slice %arg7[%mul3A_28] : memref<10000xi32, #tpu.memory_space<vmem>> -> memref<80xi32, #tpu.memory_space<vmem>>
      %dma_start3A_30 = arith.constant 0 : i32
      %dma_start3A_31 = arith.constant 0 : i32
      %dma_start3A_32 = tpu.memref_slice %arg2[%dma_start3A_30, %dma_start3A_31] : memref<10000x128xf32, #tpu.memory_space<hbm>> -> memref<10000x128xf32, #tpu.memory_space<hbm>>
      tpu.enqueue_indirect_dma source(%dma_start3A_32 : memref<10000x128xf32, #tpu.memory_space<hbm>>) target(%arg10 : memref<80x128xf32, #tpu.memory_space<vmem>>) offsets(%dma_start3A_29 : memref<80xi32, #tpu.memory_space<vmem>>) semaphore(%arg13 : memref<!tpu.dma_semaphore, #tpu.memory_space<semaphore_mem>>)
      %mul3A_33 = arith.constant 80 : i32
      %mul3A_34 = arith.muli %mul3A_24, %mul3A_33 : i32
      %dma_wait3A_35 = tpu.memref_slice %arg7[%mul3A_34] : memref<10000xi32, #tpu.memory_space<vmem>> -> memref<80xi32, #tpu.memory_space<vmem>>
      %dma_wait3A_36 = arith.constant 0 : i32
      %dma_wait3A_37 = arith.constant 0 : i32
      %dma_wait3A_38 = tpu.memref_slice %arg2[%dma_wait3A_36, %dma_wait3A_37] : memref<10000x128xf32, #tpu.memory_space<hbm>> -> memref<10000x128xf32, #tpu.memory_space<hbm>>
      tpu.wait_indirect_dma semaphore(%arg12 : memref<!tpu.dma_semaphore, #tpu.memory_space<semaphore_mem>>) src(%dma_wait3A_38 : memref<10000x128xf32, #tpu.memory_space<hbm>>) dst(%arg9 : memref<80x128xf32, #tpu.memory_space<vmem>>)
      "tpu.region"() ({
        %run_scoped3A_51 = tpu.sem_alloc : memref<!tpu.dma_semaphore, #tpu.memory_space<semaphore_mem>>
        %dma_start3A_52 = arith.constant 0 : i32
        %dma_start3A_53 = tpu.memref_slice %arg8[%mul3A_24, %dma_start3A_52] : memref<125x80xi32, #tpu.memory_space<vmem>> -> memref<1x80xi32, #tpu.memory_space<vmem>>
        %dma_start3A_54 = tpu.memref_squeeze %dma_start3A_53 : memref<1x80xi32, #tpu.memory_space<vmem>> -> memref<80xi32, #tpu.memory_space<vmem>>
        %dma_start3A_55 = arith.constant 0 : i32
        %dma_start3A_56 = arith.constant 0 : i32
        %dma_start3A_57 = tpu.memref_slice %arg11[%dma_start3A_55, %dma_start3A_56] : memref<10112x128xf32, #tpu.memory_space<vmem_shared>> -> memref<10112x128xf32, #tpu.memory_space<vmem_shared>>
        tpu.enqueue_indirect_dma source(%arg9 : memref<80x128xf32, #tpu.memory_space<vmem>>) target(%dma_start3A_57 : memref<10112x128xf32, #tpu.memory_space<vmem_shared>>) offsets(%dma_start3A_54 : memref<80xi32, #tpu.memory_space<vmem>>) semaphore(%run_scoped3A_51 : memref<!tpu.dma_semaphore, #tpu.memory_space<semaphore_mem>>) {add = true}
        %dma_wait3A_58 = arith.constant 0 : i32
        %dma_wait3A_59 = tpu.memref_slice %arg8[%mul3A_24, %dma_wait3A_58] : memref<125x80xi32, #tpu.memory_space<vmem>> -> memref<1x80xi32, #tpu.memory_space<vmem>>
        %dma_wait3A_60 = tpu.memref_squeeze %dma_wait3A_59 : memref<1x80xi32, #tpu.memory_space<vmem>> -> memref<80xi32, #tpu.memory_space<vmem>>
        %dma_wait3A_61 = arith.constant 0 : i32
        %dma_wait3A_62 = arith.constant 0 : i32
        %dma_wait3A_63 = tpu.memref_slice %arg11[%dma_wait3A_61, %dma_wait3A_62] : memref<10112x128xf32, #tpu.memory_space<vmem_shared>> -> memref<10112x128xf32, #tpu.memory_space<vmem_shared>>
        tpu.wait_indirect_dma semaphore(%run_scoped3A_51 : memref<!tpu.dma_semaphore, #tpu.memory_space<semaphore_mem>>) src(%arg9 : memref<80x128xf32, #tpu.memory_space<vmem>>) dst(%dma_wait3A_63 : memref<10112x128xf32, #tpu.memory_space<vmem_shared>>)
        tpu.yield
      }) : () -> ()
      %add3A_39 = arith.constant 2 : i32
      %add3A_40 = arith.addi %mul3A_24, %add3A_39 : i32
      %lt3A = arith.constant 125 : i32
      %lt3A_41 = arith.cmpi slt, %add3A_40, %lt3A : i32
      %convert_element_type3A = arith.extui %lt3A_41 : i1 to i32
      %cond3A = arith.constant 0 : i32
      %cond3A_42 = arith.cmpi ne, %convert_element_type3A, %cond3A : i32
      scf.if %cond3A_42 {
        %add3A_51 = arith.constant 2 : i32
        %add3A_52 = arith.addi %mul3A_24, %add3A_51 : i32
        %mul3A_53 = arith.constant 80 : i32
        %mul3A_54 = arith.muli %add3A_52, %mul3A_53 : i32
        %dma_start3A_55 = tpu.memref_slice %arg7[%mul3A_54] : memref<10000xi32, #tpu.memory_space<vmem>> -> memref<80xi32, #tpu.memory_space<vmem>>
        %dma_start3A_56 = arith.constant 0 : i32
        %dma_start3A_57 = arith.constant 0 : i32
        %dma_start3A_58 = tpu.memref_slice %arg2[%dma_start3A_56, %dma_start3A_57] : memref<10000x128xf32, #tpu.memory_space<hbm>> -> memref<10000x128xf32, #tpu.memory_space<hbm>>
        tpu.enqueue_indirect_dma source(%dma_start3A_58 : memref<10000x128xf32, #tpu.memory_space<hbm>>) target(%arg9 : memref<80x128xf32, #tpu.memory_space<vmem>>) offsets(%dma_start3A_55 : memref<80xi32, #tpu.memory_space<vmem>>) semaphore(%arg12 : memref<!tpu.dma_semaphore, #tpu.memory_space<semaphore_mem>>)
      } else {
      }
      %add3A_43 = arith.constant 1 : i32
      %add3A_44 = arith.addi %mul3A_24, %add3A_43 : i32
      %mul3A_45 = arith.constant 80 : i32
      %mul3A_46 = arith.muli %add3A_44, %mul3A_45 : i32
      %dma_wait3A_47 = tpu.memref_slice %arg7[%mul3A_46] : memref<10000xi32, #tpu.memory_space<vmem>> -> memref<80xi32, #tpu.memory_space<vmem>>
      %dma_wait3A_48 = arith.constant 0 : i32
      %dma_wait3A_49 = arith.constant 0 : i32
      %dma_wait3A_50 = tpu.memref_slice %arg2[%dma_wait3A_48, %dma_wait3A_49] : memref<10000x128xf32, #tpu.memory_space<hbm>> -> memref<10000x128xf32, #tpu.memory_space<hbm>>
      tpu.wait_indirect_dma semaphore(%arg13 : memref<!tpu.dma_semaphore, #tpu.memory_space<semaphore_mem>>) src(%dma_wait3A_50 : memref<10000x128xf32, #tpu.memory_space<hbm>>) dst(%arg10 : memref<80x128xf32, #tpu.memory_space<vmem>>)
      "tpu.region"() ({
        %run_scoped3A_51 = tpu.sem_alloc : memref<!tpu.dma_semaphore, #tpu.memory_space<semaphore_mem>>
        %dma_start3A_52 = arith.constant 0 : i32
        %dma_start3A_53 = tpu.memref_slice %arg8[%add3A_44, %dma_start3A_52] : memref<125x80xi32, #tpu.memory_space<vmem>> -> memref<1x80xi32, #tpu.memory_space<vmem>>
        %dma_start3A_54 = tpu.memref_squeeze %dma_start3A_53 : memref<1x80xi32, #tpu.memory_space<vmem>> -> memref<80xi32, #tpu.memory_space<vmem>>
        %dma_start3A_55 = arith.constant 0 : i32
        %dma_start3A_56 = arith.constant 0 : i32
        %dma_start3A_57 = tpu.memref_slice %arg11[%dma_start3A_55, %dma_start3A_56] : memref<10112x128xf32, #tpu.memory_space<vmem_shared>> -> memref<10112x128xf32, #tpu.memory_space<vmem_shared>>
        tpu.enqueue_indirect_dma source(%arg10 : memref<80x128xf32, #tpu.memory_space<vmem>>) target(%dma_start3A_57 : memref<10112x128xf32, #tpu.memory_space<vmem_shared>>) offsets(%dma_start3A_54 : memref<80xi32, #tpu.memory_space<vmem>>) semaphore(%run_scoped3A_51 : memref<!tpu.dma_semaphore, #tpu.memory_space<semaphore_mem>>) {add = true}
        %dma_wait3A_58 = arith.constant 0 : i32
        %dma_wait3A_59 = tpu.memref_slice %arg8[%add3A_44, %dma_wait3A_58] : memref<125x80xi32, #tpu.memory_space<vmem>> -> memref<1x80xi32, #tpu.memory_space<vmem>>
        %dma_wait3A_60 = tpu.memref_squeeze %dma_wait3A_59 : memref<1x80xi32, #tpu.memory_space<vmem>> -> memref<80xi32, #tpu.memory_space<vmem>>
        %dma_wait3A_61 = arith.constant 0 : i32
        %dma_wait3A_62 = arith.constant 0 : i32
        %dma_wait3A_63 = tpu.memref_slice %arg11[%dma_wait3A_61, %dma_wait3A_62] : memref<10112x128xf32, #tpu.memory_space<vmem_shared>> -> memref<10112x128xf32, #tpu.memory_space<vmem_shared>>
        tpu.wait_indirect_dma semaphore(%run_scoped3A_51 : memref<!tpu.dma_semaphore, #tpu.memory_space<semaphore_mem>>) src(%arg10 : memref<80x128xf32, #tpu.memory_space<vmem>>) dst(%dma_wait3A_63 : memref<10112x128xf32, #tpu.memory_space<vmem_shared>>)
        tpu.yield
      }) : () -> ()
    }
    %scan3A_12 = arith.constant 62 : i32
    %dma_wait3A = arith.constant 9920 : i32
    %dma_wait3A_13 = tpu.memref_slice %arg7[%dma_wait3A] : memref<10000xi32, #tpu.memory_space<vmem>> -> memref<80xi32, #tpu.memory_space<vmem>>
    %dma_wait3A_14 = arith.constant 0 : i32
    %dma_wait3A_15 = arith.constant 0 : i32
    %dma_wait3A_16 = tpu.memref_slice %arg2[%dma_wait3A_14, %dma_wait3A_15] : memref<10000x128xf32, #tpu.memory_space<hbm>> -> memref<10000x128xf32, #tpu.memory_space<hbm>>
    tpu.wait_indirect_dma semaphore(%arg12 : memref<!tpu.dma_semaphore, #tpu.memory_space<semaphore_mem>>) src(%dma_wait3A_16 : memref<10000x128xf32, #tpu.memory_space<hbm>>) dst(%arg9 : memref<80x128xf32, #tpu.memory_space<vmem>>)
    %run_scoped3A = arith.constant 124 : i32
    "tpu.region"() ({
      %run_scoped3A_18 = tpu.sem_alloc : memref<!tpu.dma_semaphore, #tpu.memory_space<semaphore_mem>>
      %dma_start3A_19 = arith.constant 0 : i32
      %dma_start3A_20 = tpu.memref_slice %arg8[%run_scoped3A, %dma_start3A_19] : memref<125x80xi32, #tpu.memory_space<vmem>> -> memref<1x80xi32, #tpu.memory_space<vmem>>
      %dma_start3A_21 = tpu.memref_squeeze %dma_start3A_20 : memref<1x80xi32, #tpu.memory_space<vmem>> -> memref<80xi32, #tpu.memory_space<vmem>>
      %dma_start3A_22 = arith.constant 0 : i32
      %dma_start3A_23 = arith.constant 0 : i32
      %dma_start3A_24 = tpu.memref_slice %arg11[%dma_start3A_22, %dma_start3A_23] : memref<10112x128xf32, #tpu.memory_space<vmem_shared>> -> memref<10112x128xf32, #tpu.memory_space<vmem_shared>>
      tpu.enqueue_indirect_dma source(%arg9 : memref<80x128xf32, #tpu.memory_space<vmem>>) target(%dma_start3A_24 : memref<10112x128xf32, #tpu.memory_space<vmem_shared>>) offsets(%dma_start3A_21 : memref<80xi32, #tpu.memory_space<vmem>>) semaphore(%run_scoped3A_18 : memref<!tpu.dma_semaphore, #tpu.memory_space<semaphore_mem>>) {add = true}
      %dma_wait3A_25 = arith.constant 0 : i32
      %dma_wait3A_26 = tpu.memref_slice %arg8[%run_scoped3A, %dma_wait3A_25] : memref<125x80xi32, #tpu.memory_space<vmem>> -> memref<1x80xi32, #tpu.memory_space<vmem>>
      %dma_wait3A_27 = tpu.memref_squeeze %dma_wait3A_26 : memref<1x80xi32, #tpu.memory_space<vmem>> -> memref<80xi32, #tpu.memory_space<vmem>>
      %dma_wait3A_28 = arith.constant 0 : i32
      %dma_wait3A_29 = arith.constant 0 : i32
      %dma_wait3A_30 = tpu.memref_slice %arg11[%dma_wait3A_28, %dma_wait3A_29] : memref<10112x128xf32, #tpu.memory_space<vmem_shared>> -> memref<10112x128xf32, #tpu.memory_space<vmem_shared>>
      tpu.wait_indirect_dma semaphore(%run_scoped3A_18 : memref<!tpu.dma_semaphore, #tpu.memory_space<semaphore_mem>>) src(%arg9 : memref<80x128xf32, #tpu.memory_space<vmem>>) dst(%dma_wait3A_30 : memref<10112x128xf32, #tpu.memory_space<vmem_shared>>)
      tpu.yield
    }) : () -> ()
    %barrier3A_17 = arith.constant 0 : index
    tpu.barrier barrier_id(%barrier3A_17)
    "tpu.region"() ({
      %run_scoped3A_18 = tpu.sem_alloc : memref<!tpu.dma_semaphore, #tpu.memory_space<semaphore_mem>>
      %dma_start3A_19 = arith.constant 0 : i32
      %dma_start3A_20 = tpu.memref_slice %arg6[%arg0, %mul3A_2, %dma_start3A_19] : memref<2x10112x128xf32, #tpu.memory_space<hbm>> -> memref<1x632x128xf32, #tpu.memory_space<hbm>>
      %dma_start3A_21 = tpu.memref_squeeze %dma_start3A_20 : memref<1x632x128xf32, #tpu.memory_space<hbm>> -> memref<632x128xf32, #tpu.memory_space<hbm>>
      %dma_start3A_22 = arith.constant 0 : i32
      %dma_start3A_23 = tpu.memref_slice %arg11[%mul3A_2, %dma_start3A_22] : memref<10112x128xf32, #tpu.memory_space<vmem_shared>> -> memref<632x128xf32, #tpu.memory_space<vmem_shared>>
      tpu.enqueue_dma source(%dma_start3A_23 : memref<632x128xf32, #tpu.memory_space<vmem_shared>>) target(%dma_start3A_21 : memref<632x128xf32, #tpu.memory_space<hbm>>) target_semaphore(%run_scoped3A_18 : memref<!tpu.dma_semaphore, #tpu.memory_space<semaphore_mem>>)
      %dma_wait3A_24 = arith.constant 0 : i32
      %dma_wait3A_25 = tpu.memref_slice %arg6[%arg0, %mul3A_2, %dma_wait3A_24] : memref<2x10112x128xf32, #tpu.memory_space<hbm>> -> memref<1x632x128xf32, #tpu.memory_space<hbm>>
      %dma_wait3A_26 = tpu.memref_squeeze %dma_wait3A_25 : memref<1x632x128xf32, #tpu.memory_space<hbm>> -> memref<632x128xf32, #tpu.memory_space<hbm>>
      %dma_wait3A_27 = arith.constant 0 : i32
      %dma_wait3A_28 = tpu.memref_slice %arg11[%mul3A_2, %dma_wait3A_27] : memref<10112x128xf32, #tpu.memory_space<vmem_shared>> -> memref<632x128xf32, #tpu.memory_space<vmem_shared>>
      tpu.wait_dma2 semaphore(%run_scoped3A_18 : memref<!tpu.dma_semaphore, #tpu.memory_space<semaphore_mem>>) src(%dma_wait3A_28 : memref<632x128xf32, #tpu.memory_space<vmem_shared>>) dst(%dma_wait3A_26 : memref<632x128xf32, #tpu.memory_space<hbm>>)
      tpu.yield
    }) : () -> ()
    return
  }
}

module attributes {stable_mosaic.version = 14 : i64} {
  func.func @_scale_body(%arg0: i32, %arg1: memref<1x2000x128xf32, #tpu.memory_space<vmem>>, %arg2: memref<1x2000x128xf32, #tpu.memory_space<vmem>>, %arg3: memref<2000x128xf32, #tpu.memory_space<vmem>>, %arg4: memref<2000x128xf32, #tpu.memory_space<vmem>>) attributes {dimension_semantics = [#tpu.dimension_semantics<arbitrary>], iteration_bounds = array<i64: 5>, scalar_prefetch = 0 : i64, scratch_operands = 0 : i64, tpu.core_type = #tpu.core_type<tc>, window_params = [{transform_indices = @transform_0, window_bounds = array<i64: 1, 2000, 128>}, {transform_indices = @transform_1, window_bounds = array<i64: 1, 2000, 128>}, {transform_indices = @transform_2, window_bounds = array<i64: 2000, 128>}, {transform_indices = @transform_3, window_bounds = array<i64: 2000, 128>}]} {
    %get3A = arith.constant 0 : index
    %get3A_0 = arith.constant 0 : index
    %get3A_1 = arith.constant 0 : index
    %get3A_2 = vector.load %arg1[%get3A, %get3A_0, %get3A_1] : memref<1x2000x128xf32, #tpu.memory_space<vmem>>, vector<1x2000x128xf32>
    %get3A_3 = arith.constant 0 : index
    %get3A_4 = arith.constant 0 : index
    %get3A_5 = arith.constant 0 : index
    %get3A_6 = vector.load %arg2[%get3A_3, %get3A_4, %get3A_5] : memref<1x2000x128xf32, #tpu.memory_space<vmem>>, vector<1x2000x128xf32>
    %slice3A = vector.extract_strided_slice %get3A_2 {offsets = [0, 0, 0], sizes = [1, 2000, 1], strides = [1, 1, 1]} : vector<1x2000x128xf32> to vector<1x2000x1xf32>
    %squeeze3A = vector.shape_cast %slice3A : vector<1x2000x1xf32> to vector<2000x1xf32>
    %slice3A_7 = vector.extract_strided_slice %get3A_6 {offsets = [0, 0, 0], sizes = [1, 2000, 1], strides = [1, 1, 1]} : vector<1x2000x128xf32> to vector<1x2000x1xf32>
    %squeeze3A_8 = vector.shape_cast %slice3A_7 : vector<1x2000x1xf32> to vector<2000x1xf32>
    %add3A = arith.addf %squeeze3A, %squeeze3A_8 : vector<2000x1xf32>
    %add3A_9 = arith.constant 1.000000e+00 : f32
    %add3A_10 = vector.broadcast %add3A_9 : f32 to vector<2000x1xf32>
    %add3A_11 = arith.addf %add3A, %add3A_10 : vector<2000x1xf32>
    %rsqrt3A = math.rsqrt %add3A_11 : vector<2000x1xf32>
    %get3A_12 = arith.constant 0 : index
    %get3A_13 = arith.constant 0 : index
    %get3A_14 = vector.load %arg3[%get3A_12, %get3A_13] : memref<2000x128xf32, #tpu.memory_space<vmem>>, vector<2000x128xf32>
    %mul3A = vector.broadcast %rsqrt3A : vector<2000x1xf32> to vector<2000x128xf32>
    %mul3A_15 = arith.mulf %mul3A, %get3A_14 : vector<2000x128xf32>
    %swap3A = arith.constant 0 : index
    %swap3A_16 = arith.constant 0 : index
    %swap3A_17 = vector.load %arg4[%swap3A, %swap3A_16] : memref<2000x128xf32, #tpu.memory_space<vmem>>, vector<2000x128xf32>
    tpu.vector_store %arg4[%swap3A, %swap3A_16], %mul3A_15 {strides = array<i32>} : memref<2000x128xf32, #tpu.memory_space<vmem>>, vector<2000x128xf32>,
    return
  }
  func.func @transform_0(%arg0: i32) -> (i32, i32, i32) {
    %c0_i32 = arith.constant 0 : i32
    %c0_i32_0 = arith.constant 0 : i32
    %c0_i32_1 = arith.constant 0 : i32
    return %c0_i32, %arg0, %c0_i32_0 : i32, i32, i32
  }
  func.func @transform_1(%arg0: i32) -> (i32, i32, i32) {
    %c1_i32 = arith.constant 1 : i32
    %c0_i32 = arith.constant 0 : i32
    %c0_i32_0 = arith.constant 0 : i32
    return %c1_i32, %arg0, %c0_i32 : i32, i32, i32
  }
  func.func @transform_2(%arg0: i32) -> (i32, i32) {
    %c0_i32 = arith.constant 0 : i32
    %c0_i32_0 = arith.constant 0 : i32
    return %arg0, %c0_i32 : i32, i32
  }
  func.func @transform_3(%arg0: i32) -> (i32, i32) {
    %c0_i32 = arith.constant 0 : i32
    %c0_i32_0 = arith.constant 0 : i32
    return %arg0, %c0_i32 : i32, i32
  }
}

module attributes {stable_mosaic.version = 14 : i64} {
  func.func @_fused1_body(%arg0: i32, %arg1: memref<1x2000x128xf32, #tpu.memory_space<vmem>>, %arg2: memref<1x2000x128xf32, #tpu.memory_space<vmem>>, %arg3: memref<1x2000x128xf32, #tpu.memory_space<vmem>>, %arg4: memref<1x2000x128xf32, #tpu.memory_space<vmem>>, %arg5: memref<2000x128xf32, #tpu.memory_space<vmem>>, %arg6: memref<128x128xf32, #tpu.memory_space<vmem>>, %arg7: memref<1x128xf32, #tpu.memory_space<vmem>>, %arg8: memref<2000x128xf32, #tpu.memory_space<vmem>>) attributes {dimension_semantics = [#tpu.dimension_semantics<arbitrary>], iteration_bounds = array<i64: 5>, scalar_prefetch = 0 : i64, scratch_operands = 0 : i64, tpu.core_type = #tpu.core_type<tc>, window_params = [{transform_indices = @transform_0, window_bounds = array<i64: 1, 2000, 128>}, {transform_indices = @transform_1, window_bounds = array<i64: 1, 2000, 128>}, {transform_indices = @transform_2, window_bounds = array<i64: 1, 2000, 128>}, {transform_indices = @transform_3, window_bounds = array<i64: 1, 2000, 128>}, {transform_indices = @transform_4, window_bounds = array<i64: 2000, 128>}, {pipeline_mode = #tpu.pipeline_mode<synchronous>, transform_indices = @transform_5, window_bounds = array<i64: 128, 128>}, {pipeline_mode = #tpu.pipeline_mode<synchronous>, transform_indices = @transform_6, window_bounds = array<i64: 1, 128>}, {transform_indices = @transform_7, window_bounds = array<i64: 2000, 128>}]} {
    %get3A = arith.constant 0 : index
    %get3A_0 = arith.constant 0 : index
    %get3A_1 = arith.constant 0 : index
    %get3A_2 = vector.load %arg1[%get3A, %get3A_0, %get3A_1] : memref<1x2000x128xf32, #tpu.memory_space<vmem>>, vector<1x2000x128xf32>
    %get3A_3 = arith.constant 0 : index
    %get3A_4 = arith.constant 0 : index
    %get3A_5 = arith.constant 0 : index
    %get3A_6 = vector.load %arg2[%get3A_3, %get3A_4, %get3A_5] : memref<1x2000x128xf32, #tpu.memory_space<vmem>>, vector<1x2000x128xf32>
    %slice3A = vector.extract_strided_slice %get3A_2 {offsets = [0, 0, 0], sizes = [1, 2000, 1], strides = [1, 1, 1]} : vector<1x2000x128xf32> to vector<1x2000x1xf32>
    %squeeze3A = vector.shape_cast %slice3A : vector<1x2000x1xf32> to vector<2000x1xf32>
    %slice3A_7 = vector.extract_strided_slice %get3A_6 {offsets = [0, 0, 0], sizes = [1, 2000, 1], strides = [1, 1, 1]} : vector<1x2000x128xf32> to vector<1x2000x1xf32>
    %squeeze3A_8 = vector.shape_cast %slice3A_7 : vector<1x2000x1xf32> to vector<2000x1xf32>
    %add3A = arith.addf %squeeze3A, %squeeze3A_8 : vector<2000x1xf32>
    %add3A_9 = arith.constant 1.000000e+00 : f32
    %add3A_10 = vector.broadcast %add3A_9 : f32 to vector<2000x1xf32>
    %add3A_11 = arith.addf %add3A, %add3A_10 : vector<2000x1xf32>
    %rsqrt3A = math.rsqrt %add3A_11 : vector<2000x1xf32>
    %get3A_12 = arith.constant 0 : index
    %get3A_13 = arith.constant 0 : index
    %get3A_14 = arith.constant 0 : index
    %get3A_15 = vector.load %arg3[%get3A_12, %get3A_13, %get3A_14] : memref<1x2000x128xf32, #tpu.memory_space<vmem>>, vector<1x2000x128xf32>
    %get3A_16 = vector.shape_cast %get3A_15 : vector<1x2000x128xf32> to vector<2000x128xf32>
    %get3A_17 = arith.constant 0 : index
    %get3A_18 = arith.constant 0 : index
    %get3A_19 = arith.constant 0 : index
    %get3A_20 = vector.load %arg4[%get3A_17, %get3A_18, %get3A_19] : memref<1x2000x128xf32, #tpu.memory_space<vmem>>, vector<1x2000x128xf32>
    %get3A_21 = vector.shape_cast %get3A_20 : vector<1x2000x128xf32> to vector<2000x128xf32>
    %add3A_22 = arith.addf %get3A_16, %get3A_21 : vector<2000x128xf32>
    %get3A_23 = arith.constant 0 : index
    %get3A_24 = arith.constant 0 : index
    %get3A_25 = vector.load %arg5[%get3A_23, %get3A_24] : memref<2000x128xf32, #tpu.memory_space<vmem>>, vector<2000x128xf32>
    %add3A_26 = arith.addf %add3A_22, %get3A_25 : vector<2000x128xf32>
    %mul3A = vector.broadcast %rsqrt3A : vector<2000x1xf32> to vector<2000x128xf32>
    %mul3A_27 = arith.mulf %mul3A, %add3A_26 : vector<2000x128xf32>
    %get3A_28 = arith.constant 0 : index
    %get3A_29 = arith.constant 0 : index
    %get3A_30 = vector.load %arg6[%get3A_28, %get3A_29] : memref<128x128xf32, #tpu.memory_space<vmem>>, vector<128x128xf32>
    %dot_general3A = arith.constant dense<0.000000e+00> : vector<2000x128xf32>
    %dot_general3A_31 = tpu.matmul %mul3A_27, %get3A_30, %dot_general3A {dimension_numbers = #tpu.dot_dimension_numbers<[1], [0], [0], [1], [0, 0, 1, 1], [], []>, precision = #tpu.contract_precision<fp32>, transpose_lhs_hint = false} : vector<2000x128xf32>, vector<128x128xf32>, vector<2000x128xf32> -> vector<2000x128xf32>
    %get3A_32 = arith.constant 0 : index
    %get3A_33 = arith.constant 0 : index
    %get3A_34 = vector.load %arg7[%get3A_32, %get3A_33] : memref<1x128xf32, #tpu.memory_space<vmem>>, vector<1x128xf32>
    %add3A_35 = vector.broadcast %get3A_34 : vector<1x128xf32> to vector<2000x128xf32>
    %add3A_36 = arith.addf %dot_general3A_31, %add3A_35 : vector<2000x128xf32>
    %max3A = arith.constant 0.000000e+00 : f32
    %max3A_37 = vector.broadcast %max3A : f32 to vector<2000x128xf32>
    %max3A_38 = arith.maximumf %add3A_36, %max3A_37 : vector<2000x128xf32>
    %mul3A_39 = vector.broadcast %rsqrt3A : vector<2000x1xf32> to vector<2000x128xf32>
    %mul3A_40 = arith.mulf %mul3A_39, %max3A_38 : vector<2000x128xf32>
    %swap3A = arith.constant 0 : index
    %swap3A_41 = arith.constant 0 : index
    %swap3A_42 = vector.load %arg8[%swap3A, %swap3A_41] : memref<2000x128xf32, #tpu.memory_space<vmem>>, vector<2000x128xf32>
    tpu.vector_store %arg8[%swap3A, %swap3A_41], %mul3A_40 {strides = array<i32>} : memref<2000x128xf32, #tpu.memory_space<vmem>>, vector<2000x128xf32>,
    return
  }
  func.func @transform_0(%arg0: i32) -> (i32, i32, i32) {
    %c0_i32 = arith.constant 0 : i32
    %c0_i32_0 = arith.constant 0 : i32
    %c0_i32_1 = arith.constant 0 : i32
    return %c0_i32, %arg0, %c0_i32_0 : i32, i32, i32
  }
  func.func @transform_1(%arg0: i32) -> (i32, i32, i32) {
    %c1_i32 = arith.constant 1 : i32
    %c0_i32 = arith.constant 0 : i32
    %c0_i32_0 = arith.constant 0 : i32
    return %c1_i32, %arg0, %c0_i32 : i32, i32, i32
  }
  func.func @transform_2(%arg0: i32) -> (i32, i32, i32) {
    %c0_i32 = arith.constant 0 : i32
    %c0_i32_0 = arith.constant 0 : i32
    %c0_i32_1 = arith.constant 0 : i32
    return %c0_i32, %arg0, %c0_i32_0 : i32, i32, i32
  }
  func.func @transform_3(%arg0: i32) -> (i32, i32, i32) {
    %c1_i32 = arith.constant 1 : i32
    %c0_i32 = arith.constant 0 : i32
    %c0_i32_0 = arith.constant 0 : i32
    return %c1_i32, %arg0, %c0_i32 : i32, i32, i32
  }
  func.func @transform_4(%arg0: i32) -> (i32, i32) {
    %c0_i32 = arith.constant 0 : i32
    %c0_i32_0 = arith.constant 0 : i32
    return %arg0, %c0_i32 : i32, i32
  }
  func.func @transform_5(%arg0: i32) -> (i32, i32) {
    %c0_i32 = arith.constant 0 : i32
    %c0_i32_0 = arith.constant 0 : i32
    %c0_i32_1 = arith.constant 0 : i32
    return %c0_i32, %c0_i32_0 : i32, i32
  }
  func.func @transform_6(%arg0: i32) -> (i32, i32) {
    %c0_i32 = arith.constant 0 : i32
    %c0_i32_0 = arith.constant 0 : i32
    %c0_i32_1 = arith.constant 0 : i32
    return %c0_i32, %c0_i32_0 : i32, i32
  }
  func.func @transform_7(%arg0: i32) -> (i32, i32) {
    %c0_i32 = arith.constant 0 : i32
    %c0_i32_0 = arith.constant 0 : i32
    return %arg0, %c0_i32 : i32, i32
  }
}

module attributes {stable_mosaic.version = 14 : i64} {
  func.func @_fused2_body(%arg0: i32, %arg1: memref<1x2000x128xf32, #tpu.memory_space<vmem>>, %arg2: memref<1x2000x128xf32, #tpu.memory_space<vmem>>, %arg3: memref<1x2000x128xf32, #tpu.memory_space<vmem>>, %arg4: memref<1x2000x128xf32, #tpu.memory_space<vmem>>, %arg5: memref<2000x128xf32, #tpu.memory_space<vmem>>, %arg6: memref<128x128xf32, #tpu.memory_space<vmem>>, %arg7: memref<1x128xf32, #tpu.memory_space<vmem>>, %arg8: memref<2000x64xf32, #tpu.memory_space<vmem>>, %arg9: memref<2000x64xf32, #tpu.memory_space<vmem>>) attributes {dimension_semantics = [#tpu.dimension_semantics<arbitrary>], iteration_bounds = array<i64: 5>, scalar_prefetch = 0 : i64, scratch_operands = 0 : i64, tpu.core_type = #tpu.core_type<tc>, window_params = [{transform_indices = @transform_0, window_bounds = array<i64: 1, 2000, 128>}, {transform_indices = @transform_1, window_bounds = array<i64: 1, 2000, 128>}, {transform_indices = @transform_2, window_bounds = array<i64: 1, 2000, 128>}, {transform_indices = @transform_3, window_bounds = array<i64: 1, 2000, 128>}, {transform_indices = @transform_4, window_bounds = array<i64: 2000, 128>}, {pipeline_mode = #tpu.pipeline_mode<synchronous>, transform_indices = @transform_5, window_bounds = array<i64: 128, 128>}, {pipeline_mode = #tpu.pipeline_mode<synchronous>, transform_indices = @transform_6, window_bounds = array<i64: 1, 128>}, {transform_indices = @transform_7, window_bounds = array<i64: 2000, 64>}, {transform_indices = @transform_8, window_bounds = array<i64: 2000, 64>}]} {
    %get3A = arith.constant 0 : index
    %get3A_0 = arith.constant 0 : index
    %get3A_1 = arith.constant 0 : index
    %get3A_2 = vector.load %arg1[%get3A, %get3A_0, %get3A_1] : memref<1x2000x128xf32, #tpu.memory_space<vmem>>, vector<1x2000x128xf32>
    %get3A_3 = arith.constant 0 : index
    %get3A_4 = arith.constant 0 : index
    %get3A_5 = arith.constant 0 : index
    %get3A_6 = vector.load %arg2[%get3A_3, %get3A_4, %get3A_5] : memref<1x2000x128xf32, #tpu.memory_space<vmem>>, vector<1x2000x128xf32>
    %slice3A = vector.extract_strided_slice %get3A_2 {offsets = [0, 0, 0], sizes = [1, 2000, 1], strides = [1, 1, 1]} : vector<1x2000x128xf32> to vector<1x2000x1xf32>
    %squeeze3A = vector.shape_cast %slice3A : vector<1x2000x1xf32> to vector<2000x1xf32>
    %slice3A_7 = vector.extract_strided_slice %get3A_6 {offsets = [0, 0, 0], sizes = [1, 2000, 1], strides = [1, 1, 1]} : vector<1x2000x128xf32> to vector<1x2000x1xf32>
    %squeeze3A_8 = vector.shape_cast %slice3A_7 : vector<1x2000x1xf32> to vector<2000x1xf32>
    %add3A = arith.addf %squeeze3A, %squeeze3A_8 : vector<2000x1xf32>
    %add3A_9 = arith.constant 1.000000e+00 : f32
    %add3A_10 = vector.broadcast %add3A_9 : f32 to vector<2000x1xf32>
    %add3A_11 = arith.addf %add3A, %add3A_10 : vector<2000x1xf32>
    %rsqrt3A = math.rsqrt %add3A_11 : vector<2000x1xf32>
    %get3A_12 = arith.constant 0 : index
    %get3A_13 = arith.constant 0 : index
    %get3A_14 = arith.constant 0 : index
    %get3A_15 = vector.load %arg3[%get3A_12, %get3A_13, %get3A_14] : memref<1x2000x128xf32, #tpu.memory_space<vmem>>, vector<1x2000x128xf32>
    %get3A_16 = vector.shape_cast %get3A_15 : vector<1x2000x128xf32> to vector<2000x128xf32>
    %get3A_17 = arith.constant 0 : index
    %get3A_18 = arith.constant 0 : index
    %get3A_19 = arith.constant 0 : index
    %get3A_20 = vector.load %arg4[%get3A_17, %get3A_18, %get3A_19] : memref<1x2000x128xf32, #tpu.memory_space<vmem>>, vector<1x2000x128xf32>
    %get3A_21 = vector.shape_cast %get3A_20 : vector<1x2000x128xf32> to vector<2000x128xf32>
    %add3A_22 = arith.addf %get3A_16, %get3A_21 : vector<2000x128xf32>
    %get3A_23 = arith.constant 0 : index
    %get3A_24 = arith.constant 0 : index
    %get3A_25 = vector.load %arg5[%get3A_23, %get3A_24] : memref<2000x128xf32, #tpu.memory_space<vmem>>, vector<2000x128xf32>
    %add3A_26 = arith.addf %add3A_22, %get3A_25 : vector<2000x128xf32>
    %mul3A = vector.broadcast %rsqrt3A : vector<2000x1xf32> to vector<2000x128xf32>
    %mul3A_27 = arith.mulf %mul3A, %add3A_26 : vector<2000x128xf32>
    %get3A_28 = arith.constant 0 : index
    %get3A_29 = arith.constant 0 : index
    %get3A_30 = vector.load %arg6[%get3A_28, %get3A_29] : memref<128x128xf32, #tpu.memory_space<vmem>>, vector<128x128xf32>
    %dot_general3A = arith.constant dense<0.000000e+00> : vector<2000x128xf32>
    %dot_general3A_31 = tpu.matmul %mul3A_27, %get3A_30, %dot_general3A {dimension_numbers = #tpu.dot_dimension_numbers<[1], [0], [0], [1], [0, 0, 1, 1], [], []>, precision = #tpu.contract_precision<fp32>, transpose_lhs_hint = false} : vector<2000x128xf32>, vector<128x128xf32>, vector<2000x128xf32> -> vector<2000x128xf32>
    %get3A_32 = arith.constant 0 : index
    %get3A_33 = arith.constant 0 : index
    %get3A_34 = vector.load %arg7[%get3A_32, %get3A_33] : memref<1x128xf32, #tpu.memory_space<vmem>>, vector<1x128xf32>
    %add3A_35 = vector.broadcast %get3A_34 : vector<1x128xf32> to vector<2000x128xf32>
    %add3A_36 = arith.addf %dot_general3A_31, %add3A_35 : vector<2000x128xf32>
    %slice3A_37 = vector.extract_strided_slice %add3A_36 {offsets = [0, 0], sizes = [2000, 64], strides = [1, 1]} : vector<2000x128xf32> to vector<2000x64xf32>
    %swap3A = arith.constant 0 : index
    %swap3A_38 = arith.constant 0 : index
    %swap3A_39 = vector.load %arg8[%swap3A, %swap3A_38] : memref<2000x64xf32, #tpu.memory_space<vmem>>, vector<2000x64xf32>
    tpu.vector_store %arg8[%swap3A, %swap3A_38], %slice3A_37 {strides = array<i32>} : memref<2000x64xf32, #tpu.memory_space<vmem>>, vector<2000x64xf32>,
    %slice3A_40 = vector.extract_strided_slice %add3A_36 {offsets = [0, 64], sizes = [2000, 64], strides = [1, 1]} : vector<2000x128xf32> to vector<2000x64xf32>
    %swap3A_41 = arith.constant 0 : index
    %swap3A_42 = arith.constant 0 : index
    %swap3A_43 = vector.load %arg9[%swap3A_41, %swap3A_42] : memref<2000x64xf32, #tpu.memory_space<vmem>>, vector<2000x64xf32>
    tpu.vector_store %arg9[%swap3A_41, %swap3A_42], %slice3A_40 {strides = array<i32>} : memref<2000x64xf32, #tpu.memory_space<vmem>>, vector<2000x64xf32>,
    return
  }
  func.func @transform_0(%arg0: i32) -> (i32, i32, i32) {
    %c0_i32 = arith.constant 0 : i32
    %c0_i32_0 = arith.constant 0 : i32
    %c0_i32_1 = arith.constant 0 : i32
    return %c0_i32, %arg0, %c0_i32_0 : i32, i32, i32
  }
  func.func @transform_1(%arg0: i32) -> (i32, i32, i32) {
    %c1_i32 = arith.constant 1 : i32
    %c0_i32 = arith.constant 0 : i32
    %c0_i32_0 = arith.constant 0 : i32
    return %c1_i32, %arg0, %c0_i32 : i32, i32, i32
  }
  func.func @transform_2(%arg0: i32) -> (i32, i32, i32) {
    %c0_i32 = arith.constant 0 : i32
    %c0_i32_0 = arith.constant 0 : i32
    %c0_i32_1 = arith.constant 0 : i32
    return %c0_i32, %arg0, %c0_i32_0 : i32, i32, i32
  }
  func.func @transform_3(%arg0: i32) -> (i32, i32, i32) {
    %c1_i32 = arith.constant 1 : i32
    %c0_i32 = arith.constant 0 : i32
    %c0_i32_0 = arith.constant 0 : i32
    return %c1_i32, %arg0, %c0_i32 : i32, i32, i32
  }
  func.func @transform_4(%arg0: i32) -> (i32, i32) {
    %c0_i32 = arith.constant 0 : i32
    %c0_i32_0 = arith.constant 0 : i32
    return %arg0, %c0_i32 : i32, i32
  }
  func.func @transform_5(%arg0: i32) -> (i32, i32) {
    %c0_i32 = arith.constant 0 : i32
    %c0_i32_0 = arith.constant 0 : i32
    %c0_i32_1 = arith.constant 0 : i32
    return %c0_i32, %c0_i32_0 : i32, i32
  }
  func.func @transform_6(%arg0: i32) -> (i32, i32) {
    %c0_i32 = arith.constant 0 : i32
    %c0_i32_0 = arith.constant 0 : i32
    %c0_i32_1 = arith.constant 0 : i32
    return %c0_i32, %c0_i32_0 : i32, i32
  }
  func.func @transform_7(%arg0: i32) -> (i32, i32) {
    %c0_i32 = arith.constant 0 : i32
    %c0_i32_0 = arith.constant 0 : i32
    return %arg0, %c0_i32 : i32, i32
  }
  func.func @transform_8(%arg0: i32) -> (i32, i32) {
    %c0_i32 = arith.constant 0 : i32
    %c0_i32_0 = arith.constant 0 : i32
    return %arg0, %c0_i32 : i32, i32
  }
}

</mosaic_0001>

<sc_bundles>
// kernel: kernel.11.cloned.1.call-start
scs
__scs_entry_jumppad:
0x0: {  	(pc) =	sbr.rel $0x88, $3  }
0x1: {  	(tag) =	ssettag $0x0;
	lr =	simm.s32 $0x1  }
0x2: {  	[smem:$0x3F99] =	sst lr;
	_ =	strace $0xD0000000  }
0x3: {  	_ = 	snop  }
0x4: {  	_ = 	snop  }
0x5: {  	_ = 	snop  }
0x6: {  	_ = 	snop  }
0x7: {  	_ = 	snop  }
__scs_overlays_trampoline_lowered:
0x8: {  	[smem:$0x3FA8] =	sst s0  }
0x9: {  	[smem:$0x3FA9] =	sst s1  }
0xa: {  	[smem:$0x3FAA] =	sst s2  }
0xb: {  	[smem:$0x3FAB] =	sst s3  }
0xc: {  	[smem:$0x3FAC] =	sst s4  }
0xd: {  	[smem:$0x3FAD] =	sst s5  }
0xe: {  	[smem:$0x3FAE] =	sst s6  }
0xf: {  	[smem:$0x3FAF] =	sst s7  }
0x10: {  	[smem:$0x3FB0] =	sst s8  }
0x11: {  	[smem:$0x3FB1] =	sst s9;
	s0 =	simm.s32 @!p0 $0x0  }
0x12: {  	s1 =	sld [smem:$0x3F97];
	s0 =	simm.s32 @p0 $0x1  }
0x13: {  	[smem:$0x3FB2] =	sst s0;
	s0 =	simm.s32 @!p1 $0x0  }
0x14: {  	s2 =	sld [smem:$0x3F96];
	s0 =	simm.s32 @p1 $0x1  }
0x15: {  	[smem:$0x3FB3] =	sst s0;
	s0 =	simm.s32 @!p2 $0x0  }
0x16: {  	s3 =	sld [smem:$0x3FDB];
	s0 =	simm.s32 @p2 $0x1  }
0x17: {  	s4 =	simm.s32 $0x1BF5;
	[smem:$0x3FB5] =	sst s0  }
0x18: {  	s0 =	sld [smem:$0x3F98];
	_ =	swait.ge [sflag:s4], $0x0  }
0x19: {  	s7 =	sld [smem:$0x3F99]  }
0x1a: {  	s8 =	sadd.s32 $0xFFFFE003, lr  }
0x1b: {  	s9 =	sadd.s32 $0xFFFFFEF7, lr;
	s5 =	simm.s32 $0xFFFFFFFF;
	p2 =	slt.u32 s8, $0xFFFFF086  }
0x1c: {  	p1 =	slt.u32 s9, $0xF7A;
	s5 =	simm.s32 @!p2 $0x0  }
0x1d: {  	s5 =	simm.s32 @p1 $0x1;
	p0 =	seq.s32 s7, s2  }
0x1e: {  	s7 =	smul.u32 @!p0 $0xF7A, s2;
	p2 =	seq.s32 @!p0 s5, $0x0  }
0x1f: {  	s9 =	smul.u32 $0xF7A, s1;
	s8 =	simm.s32 @!p0 $0x1BF5;
	p2 =	por !p2, p0  }
0x20: {  	[sflag:s8] =	ssyncset.s32 @!p0 $0xFFFFF086;
	s6 =	sadd.s32 @!p0 s3, s7;
	s7 =	simm.s32 @!p0 $0x108  }
0x21: {  	s3 =	sadd.s32 s3, s9;
	s6 =	sadd.s32 @!p0 $0x88, s6;
	s7 =	simm.s32 @p2 $0x1082  }
0x22: {  	[simem:s7], [sflag:s8] =	dma.local @!p0 [hbm:s6], $0xF7A  }
0x23: {  	s9 =	sor.u32 $0xD0000000, s2;
	s6 =	simm.s32 $0x108;
	_ =	swait.ge @!p0 [sflag:s8], $0x0  }
0x24: {  	s3 =	sadd.s32 $0x88, s3;
	s6 =	simm.s32 @!p1 $0x1082;
	[sflag:s4] =	ssyncset.s32 $0xFFFFF086  }
0x25: {  	[simem:s6], [sflag:s4] =	dma.local [hbm:s3], $0xF7A  }
0x26: {  	[smem:$0x3F99] =	sst s1;
	(tag) =	ssettag s2;
	_ =	strace s9  }
0x27: {  	s1 =	sld [smem:$0x3FA9]  }
0x28: {  	s2 =	sld [smem:$0x3FAA]  }
0x29: {  	s4 =	sld [smem:$0x3FAC]  }
0x2a: {  	p0 =	seq.s32 s5, $0x0;
	s5 =	sld [smem:$0x3FAD]  }
0x2b: {  	s6 =	sld [smem:$0x3FAE]  }
0x2c: {  	s7 =	sld [smem:$0x3FAF]  }
0x2d: {  	s3 =	simm.s32 $0x108;
	s8 =	sld [smem:$0x3FB0]  }
0x2e: {  	s3 =	simm.s32 @!p0 $0x1082;
	s9 =	sld [smem:$0x3FB1]  }
0x2f: {  	lr =	sadd.s32 s0, s3;
	s0 =	sld [smem:$0x3FA8]  }
0x30: {  	s3 =	sld [smem:$0x3FAB]  }
0x31: {  	[smem:$0x3FB4] =	sst s10  }
0x32: {  	s10 =	sld [smem:$0x3FB2];
	_ =	sdelay $0x3  }
0x33: {  	p0 =	seq.s32 s10, $0x1;
	s10 =	sld [smem:$0x3FB4];
	_ =	sdelay $0x3  }
0x34: {  	[smem:$0x3FB4] =	sst s10  }
0x35: {  	s10 =	sld [smem:$0x3FB3];
	_ =	sdelay $0x3  }
0x36: {  	p1 =	seq.s32 s10, $0x1;
	s10 =	sld [smem:$0x3FB4];
	_ =	sdelay $0x3  }
0x37: {  	[smem:$0x3FB4] =	sst s10  }
0x38: {  	s10 =	sld [smem:$0x3FB5]  }
0x39: {  	_ = 	snop;
	(pc) =	sbr.ind lr, $3  }
0x3a: {  	_ = 	snop  }
0x3b: {  	_ = 	snop  }
0x3c: {  	p2 =	seq.s32 s10, $0x1;
	s10 =	sld [smem:$0x3FB4]  }
0x3d: {  	_ =	shalt  }
0x3e: {  	_ =	shalt  }
0x3f: {  	_ =	shalt  }
0x40: {  	_ =	shalt  }
0x41: {  	_ =	shalt  }
0x42: {  	_ =	shalt  }
0x43: {  	_ =	shalt  }
0x44: {  	_ =	shalt  }
0x45: {  	_ =	shalt  }
0x46: {  	_ =	shalt  }
0x47: {  	_ =	shalt  }
0x48: {  	_ =	shalt  }
0x49: {  	_ =	shalt  }
0x4a: {  	_ =	shalt  }
0x4b: {  	_ =	shalt  }
0x4c: {  	_ =	shalt  }
0x4d: {  	_ =	shalt  }
0x4e: {  	_ =	shalt  }
0x4f: {  	_ =	shalt  }
0x50: {  	_ =	shalt  }
0x51: {  	_ =	shalt  }
0x52: {  	_ =	shalt  }
0x53: {  	_ =	shalt  }
0x54: {  	_ =	shalt  }
0x55: {  	_ =	shalt  }
0x56: {  	_ =	shalt  }
0x57: {  	_ =	shalt  }
0x58: {  	_ =	shalt  }
0x59: {  	_ =	shalt  }
0x5a: {  	_ =	shalt  }
0x5b: {  	_ =	shalt  }
0x5c: {  	_ =	shalt  }
0x5d: {  	_ =	shalt  }
0x5e: {  	_ =	shalt  }
0x5f: {  	_ =	shalt  }
0x60: {  	_ =	shalt  }
0x61: {  	_ =	shalt  }
0x62: {  	_ =	shalt  }
0x63: {  	_ =	shalt  }
0x64: {  	_ =	shalt  }
0x65: {  	_ =	shalt  }
0x66: {  	_ =	shalt  }
0x67: {  	_ =	shalt  }
0x68: {  	_ =	shalt  }
0x69: {  	_ =	shalt  }
0x6a: {  	_ =	shalt  }
0x6b: {  	_ =	shalt  }
0x6c: {  	_ =	shalt  }
0x6d: {  	_ =	shalt  }
0x6e: {  	_ =	shalt  }
0x6f: {  	_ =	shalt  }
0x70: {  	_ =	shalt  }
0x71: {  	_ =	shalt  }
0x72: {  	_ =	shalt  }
0x73: {  	_ =	shalt  }
0x74: {  	_ =	shalt  }
0x75: {  	_ =	shalt  }
0x76: {  	_ =	shalt  }
0x77: {  	_ =	shalt  }
0x78: {  	_ =	shalt  }
0x79: {  	_ =	shalt  }
0x7a: {  	_ =	shalt  }
0x7b: {  	_ =	shalt  }
0x7c: {  	_ =	shalt  }
0x7d: {  	_ =	shalt  }
0x7e: {  	_ =	shalt  }
0x7f: {  	_ =	shalt  }
0x80: {  	_ =	shalt  }
0x81: {  	_ =	shalt  }
0x82: {  	_ =	shalt  }
0x83: {  	_ =	shalt  }
0x84: {  	_ =	shalt  }
0x85: {  	_ =	shalt  }
0x86: {  	_ =	shalt  }
0x87: {  	_ =	shalt  }
.Lfunc_end0:
.L_simem_size_0:
called_computation.1_lowered:
.L_overlay_start_0:
0x88: {  	s2 =	sld [smem:$0x3FD9]  }
0x89: {  	s3 =	sld [smem:$0x3FFE];
	_ =	sdelay $0x1  }
0x8a: {  	s1 =	srdreg.scid  }
0x8b: {  	s0 =	sand.u32 $0x1, s1  }
0x8c: {  	s14 =	sshll.u32 s0, $0xA;
	s2 =	sadd.s32 s3, s2  }
0x8d: {  	s2 =	sadd.s32 s2, s14  }
0x8e: {  	[smem:$0x3FC0] =	sst s2  }
0x8f: {  	_ = 	snop  }
0x90: {  	s2 =	sld [smem:$0x3FD0];
	_ =	sdelay $0x2  }
0x91: {  	s15 =	simm.s32 $0xA;
	s4 =	simm.s32 $0x10  }
0x92: {  	[smem:s4], [sflag:s15] =	dma.local [hbm:s2], $0x1  }
0x93: {  	_ =	swait.eq [sflag:s15], $0x1  }
0x94: {  	[sflag:s15] =	ssyncset.done $0x0  }
0x95: {  	s16 =	sld [smem:$0x10];
	[sflag:s15] =	ssyncadd.s32 $0xFFFFFFFF  }
0x96: {  	s17 =	sld [smem:$0x11];
	(tm) =	ssettm $0x1  }
0x97: {  	s18 =	sld [smem:$0x3FFB];
	_ =	sdelay $0x3  }
0x98: {  	_ =	strace s18  }
0x99: {  	s4 =	sld [smem:$0x3FFC];
	_ =	sdelay $0x3  }
0x9a: {  	_ =	strace s4  }
0x9b: {  	s4 =	sld [smem:$0x3FFD];
	_ =	sdelay $0x3  }
0x9c: {  	_ =	strace s4  }
0x9d: {  	_ =	strace $0x8FFFFFFF  }
0x9e: {  	s19 =	sld [smem:$0x3FDB];
	_ =	sdelay $0x1  }
0x9f: {  	s5 =	simm.s32 $_scs_section_size  }
0xa0: {  	s6 =	simm.s32 $_size__tile_overlayer_lowered;
	s7 =	simm.s32 $_tile_overlayer_lowered  }
0xa1: {  	s22 =	simm.s32 $0x1BFF;
	s21 =	sshll.u32 s7, $0x1;
	s4 =	sadd.s32 s5, s19  }
0xa2: {  	s8 =	simm.s32 $0x0;
	s20 =	sshll.u32 s6, $0x1;
	s6 =	sadd.s32 s21, s4  }
0xa3: {  	[timem:s8], [sflag:s22] =	dma.local [hbm:s6], s20  }
0xa4: {  	_ =	swait.ge [sflag:s22], s20  }
0xa5: {  	s5 =	ssub.s32 $0x0, s20;
	[sflag:s22] =	ssyncset.done $0x0  }
0xa6: {  	[sflag:s22] =	ssyncadd.s32 s5;
	_ =	sdelay $0x1  }
0xa7: {  	s23 =	simm.s32 $0x1B8B  }
0xa8: {  	_ =	swait.ge [sflag:s23], $0x1  }
0xa9: {  	[sflag:s23] =	ssyncset.done $0x0  }
0xaa: {  	s25 =	simm.s32 $0x1B8E;
	s24 =	sld [smem:$0x3FFE];
	[sflag:s23] =	ssyncadd.s32 $0xFFFFFFFF  }
0xab: {  	s26 =	simm.s32 $execute0_lowered;
	[smem:$0x3FD2] =	sst s25  }
0xac: {  	s6 =	sshll.u32 s26, $0x1;
	_ =	strace $0x80000049;
	[dreg:$0x1] =	wrdreg $0xFFFFFFFF  }
0xad: {  	s28 =	simm.s32 $_size_execute0_lowered;
	s4 =	sadd.s32 s4, s6;
	[dreg:$0x0] =	wrdreg $0x0  }
0xae: {  	s6 =	sshll.u32 s28, $0x1;
	[dreg:$0x2] =	wrdreg s4  }
0xaf: {  	[dreg:$0x3] =	wrdreg s6  }
0xb0: {  	[dreg:$0x4] =	wrdreg $0xC0  }
0xb1: {  	_ =	task [dreg:s8], $0x5FFFF  }
0xb2: {  	[dreg:$0x1] =	wrdreg $0xFFFFFFFF  }
0xb3: {  	[dreg:$0x0] =	wrdreg $0x60  }
0xb4: {  	[dreg:$0x2] =	wrdreg s24  }
0xb5: {  	[dreg:$0x3] =	wrdreg s16  }
0xb6: {  	[dreg:$0x4] =	wrdreg s17  }
0xb7: {  	[dreg:$0x5] =	wrdreg $0xB7800  }
0xb8: {  	[dreg:$0x6] =	wrdreg $0x9  }
0xb9: {  	_ =	task.clear_ibuf [dreg:s8], $0x7FFFF;
	_ =	strace $0x90000049  }
0xba: {  	s29 =	simm.s32 $0x9;
	_ =	strace $0x8000004B  }
0xbb: {  	_ =	swait.ge [sflag:s29], $0x1  }
0xbc: {  	[sflag:s29] =	ssyncadd.s32 $0xFFFFFFFF  }
0xbd: {  	_ =	strace $0x9000004B  }
0xbe: {  	_ =	sfence  }
0xbf: {  	s30 =	sld [smem:$0x0];
	_ =	sdelay $0x2  }
0xc0: {  	s31 =	sshll.u32 s1, $0xD;
	s1 =	sshrl.u32 s1, $0x2  }
0xc1: {  	s3 =	sand.u32 $0x4000, s31;
	s1 =	sadd.s32 s1, s30  }
0xc2: {  	s0 =	sor.u32 s3, s0;
	s1 =	sshll.u32 s1, $0x11  }
0xc3: {  	s0 =	sor.u32 s1, s0  }
0xc4: {  	s0 =	sadd.s32 $0x8F2B, s0  }
0xc5: {  	[sflag:s0] =	ssyncadd.remote.s32 $0x1  }
0xc6: {  	_ =	sfence.sel $0xFFFF  }
0xc7: {  	[dreg:$0x0] =	wrdreg $0xFFFFFFFF;
	(pc) =	sbr.abs _section_cstart, $3  }
0xc8: {  	[dreg:$0x1] =	wrdreg $0xFFFFFFFF  }
0xc9: {  	_ =	task.clear_ibuf [dreg:s8], $0x2FFFF;
	_ =	strace $0x9FFFFFFF  }
0xca: {  	(tm) =	ssettm $0x7FFFFFFF  }
0xcb: {  	_ =	shalt  }
tec
execute0_lowered:
.L_overlay_start_1:
0x0: {  	(tag) =	ssettag $0x1  }
0x1: {  	s5 =	rddreg [dreg:$0x0]  }
0x2: {  	s6 =	rddreg [dreg:$0x1]  }
0x3: {  	s7 =	rddreg [dreg:$0x2]  }
0x4: {  	s2 =	rddreg [dreg:$0x3]  }
0x5: {  	s0 =	rddreg [dreg:$0x4]  }
0x6: {  	s1 =	stileid.u32;
	s4 =	srdreg.scid  }
0x7: {  	s3 =	simm.s32 $0x0;
	s14 =	simm.s32 $0x6780;
	s15 =	simm.s32 $0x50  }
0x8: {  	s16 =	simm.s32 $0x8F80;
	s17 =	simm.s32 $0x1;
	s18 =	simm.s32 $0x2  }
0x9: {  	s19 =	simm.s32 $0x6580;
	s20 =	simm.s32 $0x0;
	s8 =	smul.u32 $0x13C00, s1  }
0xa: {  	s9 =	sand.u32 $0x1, s4;
	[smem:$0x7FF] =	sst s3;
	s12 =	smul.u32 $0x4F000, s1  }
0xb: {  	s4 =	sadd.s32 $0x79200, s5;
	s31 =	sshll.u32 s1, $0x6;
	s10 =	smul.u32 $0x13C000, s9  }
0xc: {  	_ =	strace $0x8000004A;
	s28 =	sshll.u32 s9, $0x4;
	s9 =	ssub.s32 $0x2, s9  }
0xd: {  	s11 =	sshrl.u32 s8, $0x3;
	s29 =	sshrl.u32 s9, $0x1;
	s12 =	sshrl.u32 s12, $0x2  }
0xe: {  	s8 =	sadd.s32 s8, s10;
	s26 =	sadd.s32 s11, s5;
	s11 =	sor.u32 s1, s28  }
0xf: {  	s9 =	ssub.s32 s9, s29;
	s30 =	sadd.s32 s12, s2;
	s10 =	simm.s32 $0x3  }
0x10: {  	s12 =	sor.u32 $0x1C03, s31;
	s8 =	sshrl.u32 s8, $0x3;
	s13 =	smul.u32 $0x4E2, s11  }
0x11: {  	s11 =	sshll.u32 s11, $0xB;
	s9 =	smax.u32 s9, $0x1;
	s8 =	sadd.s32 s8, s5  }
0x12: {  	s5 =	sadd.s32 s6, s13;
	s6 =	sadd.s32 s7, s11;
	s7 =	sadd.s32 $0x2A00, s26  }
0x13: {  	s8 =	sadd.s32 $0xA0400, s8;
	s11 =	simm.s32 $0x2780;
	s13 =	sshrl.u32 s30, $0x3  }
.LBB2_1:
0x14: {  	[tilespmem:s3], [sflag:$0x3] =	stream.linear.gather [hbm4b:s5+s3], $0x2710, $0x38;
	[tilespmem:$0x1F380] =	vst v63  }
0x15: {  	_ =	swait.ge [sflag:s10], $0x2710  }
0x16: {  	[sflag:s10] =	ssyncset.done $0x0  }
0x17: {  	[sflag:s10] =	ssyncadd.s32 $0xFFFFD8F0  }
0x18: {  	[tilespmem:s11], [sflag:$0x3] =	stream.linear.gather [hbm4b:s6+s3], $0x3E80, $0x38;
	[tilespmem:$0x1F380] =	vst v63  }
0x19: {  	_ =	swait.ge [sflag:s10], $0x3E80  }
0x1a: {  	[sflag:s10] =	ssyncset.done $0x0  }
0x1b: {  	[sflag:s10] =	ssyncadd.s32 $0xFFFFC180  }
0x1c: {  	[spmem:s13], [sflag:s12] =	dma.local [hbm:s7], $0x2780  }
0x1d: {  	_ =	swait.ge [sflag:s10], $0x2780  }
0x1e: {  	[sflag:s10] =	ssyncset.done $0x0  }
0x1f: {  	[sflag:s10] =	ssyncadd.s32 $0xFFFFD880  }
0x20: {  	[bflag:$0x0] =	sbarrier.arrive $0xFFFF  }
0x21: {  	[tilespmem:s14], [sflag:$0x1] =	stream.indirect.gather [hbm4b:s4+s15], $0x80, s3, s15, $0xb8;
	[tilespmem:$0x1F380] =	vst v63  }
0x22: {  	_ = 	snop  }
0x23: {  	[tilespmem:s16], [sflag:$0x2] =	stream.indirect.gather [hbm4b:s4+s15], $0x80, s15, s15, $0xb8;
	[tilespmem:$0x1F380] =	vst v63  }
0x24: {  	_ =	swait.ge [sflag:s17], $0x2800  }
0x25: {  	[sflag:s17] =	ssyncset.done $0x0  }
0x26: {  	s21 =	simm.s32 $0x2780;
	[sflag:s17] =	ssyncadd.s32 $0xFFFFD800  }
0x27: {  	[spmem:s2] =	stream.indirect.scatter.add.f32 [tilespmem:s14], [sflag:$0x3], $0x80, s21, s15, $0xb8;
	[tilespmem:$0x1F380] =	vst v63  }
0x28: {  	_ =	swait.ge [sflag:s10], $0x2800  }
0x29: {  	[sflag:s10] =	ssyncset.done $0x0  }
0x2a: {  	s30 =	simm.s32 $0xA0;
	[sflag:s10] =	ssyncadd.s32 $0xFFFFD800  }
0x2b: {  	[tilespmem:s14], [sflag:$0x1] =	stream.indirect.gather [hbm4b:s4+s15], $0x80, s30, s15, $0xb8;
	[tilespmem:$0x1F380] =	vst v63  }
0x2c: {  	_ =	swait.ge [sflag:s18], $0x2800  }
0x2d: {  	[sflag:s18] =	ssyncset.done $0x0  }
0x2e: {  	s31 =	simm.s32 $0x2800;
	[sflag:s18] =	ssyncadd.s32 $0xFFFFD800  }
0x2f: {  	[spmem:s2] =	stream.indirect.scatter.add.f32 [tilespmem:s16], [sflag:$0x3], $0x80, s31, s15, $0xb8;
	[tilespmem:$0x1F380] =	vst v63  }
0x30: {  	_ =	swait.ge [sflag:s10], $0x2800  }
0x31: {  	s22 =	simm.s32 $0x50;
	s21 =	simm.s32 $0x400;
	[sflag:s10] =	ssyncset.done $0x0  }
.LBB2_2:
0x32: {  	p0 =	sne.s32 s21, $0xF400;
	[sflag:s10] =	ssyncadd.s32 $0xFFFFD800;
	s22 =	sadd.s32 $0xA0, s22  }
0x33: {  	[tilespmem:s16], [sflag:$0x2] =	stream.indirect.gather [hbm4b:s4+s15], $0x80, s22, s15, $0xb8;
	[tilespmem:$0x1F380] =	vst v63  }
0x34: {  	s23 =	smov.u32 s21;
	s21 =	sadd.s32 $0x400, s21;
	_ =	swait.ge [sflag:s17], $0x2800  }
0x35: {  	s23 =	sshra.s32 s23, $0x2;
	[sflag:s17] =	ssyncset.done $0x0  }
0x36: {  	s24 =	sadd.s32 $0x2780, s23;
	[sflag:s17] =	ssyncadd.s32 $0xFFFFD800  }
0x37: {  	[spmem:s2] =	stream.indirect.scatter.add.f32 [tilespmem:s14], [sflag:$0x3], $0x80, s24, s15, $0xb8;
	[tilespmem:$0x1F380] =	vst v63  }
0x38: {  	_ =	swait.ge [sflag:s10], $0x2800  }
0x39: {  	[sflag:s10] =	ssyncset.done $0x0  }
0x3a: {  	s24 =	sadd.s32 $0x50, s22;
	[sflag:s10] =	ssyncadd.s32 $0xFFFFD800  }
0x3b: {  	[tilespmem:s14], [sflag:$0x1] =	stream.indirect.gather [hbm4b:s4+s15], $0x80, s24, s15, $0xb8;
	[tilespmem:$0x1F380] =	vst v63  }
0x3c: {  	_ =	swait.ge [sflag:s18], $0x2800  }
.Ltmp0:
0x3d: {  	[sflag:s18] =	ssyncset.done $0x0;
	(pc) =	sbr.rel @p0 .LBB2_2-.Ltmp0, $4  }
0x3e: {  	s23 =	sadd.s32 $0x2800, s23;
	[sflag:s18] =	ssyncadd.s32 $0xFFFFD800  }
0x3f: {  	[spmem:s2] =	stream.indirect.scatter.add.f32 [tilespmem:s16], [sflag:$0x3], $0x80, s23, s15, $0xb8;
	[tilespmem:$0x1F380] =	vst v63  }
0x40: {  	_ =	swait.ge [sflag:s10], $0x2800  }
0x41: {  	[sflag:s10] =	ssyncset.done $0x0  }
0x42: {  	[sflag:s10] =	ssyncadd.s32 $0xFFFFD800  }
0x43: {  	_ =	swait.ge [sflag:s17], $0x2800  }
0x44: {  	[sflag:s17] =	ssyncset.done $0x0  }
0x45: {  	[sflag:s17] =	ssyncadd.s32 $0xFFFFD800  }
0x46: {  	[spmem:s2] =	stream.indirect.scatter.add.f32 [tilespmem:s14], [sflag:$0x3], $0x80, s19, s15, $0xb8;
	[tilespmem:$0x1F380] =	vst v63  }
0x47: {  	_ =	swait.ge [sflag:s10], $0x2800  }
0x48: {  	s20 =	sadd.s32 $0x1, s20;
	[sflag:s10] =	ssyncset.done $0x0  }
0x49: {  	p0 =	sne.s32 s20, s9;
	[sflag:s10] =	ssyncadd.s32 $0xFFFFD800  }
.Ltmp1:
0x4a: {  	[bflag:$0x0] =	sbarrier.arrive $0xFFFF;
	(pc) =	sbr.rel @p0 .LBB2_1-.Ltmp1, $4  }
0x4b: {  	[hbm:s8], [sflag:s12] =	dma.local [spmem:s13], $0x2780  }
0x4c: {  	_ =	swait.ge [sflag:s10], $0x2780  }
0x4d: {  	[sflag:s10] =	ssyncset.done $0x0  }
0x4e: {  	[sflag:s10] =	ssyncadd.s32 $0xFFFFD880  }
0x4f: {  	_ =	sfence.sel $0x180000  }
0x50: {  	[bflag:$0x0] =	sbarrier.arrive $0xFFFF  }
0x51: {  	p0 =	sne.s32 s1, $0x0;
	_ =	strace $0x9000004A  }
0x52: {  	s0 =	sadd.s32 @!p0 $0x100000, s0;
	[bflag:$0x2] =	sbarrier.arrive $0xFFFF  }
0x53: {  	[sflag:s0] =	ssyncadd.tile.s32 @!p0 $0x1;
	_ =	shalt  }
.Lfunc_end2:
_tile_overlayer_lowered:
.L_overlay_start_2:
0x54: {  	(tag) =	ssettag $0x2  }
0x55: {  	s0 =	rddreg [dreg:$0x0];
	s2 =	stileid.u32  }
0x56: {  	s1 =	rddreg [dreg:$0x1];
	p0 =	sne.s32 s2, $0x0  }
0x57: {  	s3 =	rddreg [dreg:$0x2];
	[bflag:$0x3] =	sbarrier.arrive $0xFFFF;
	s2 =	simm.s32 @!p0 $0x1C03  }
0x58: {  	[timem:s3], [sflag:s2] =	dma.local @!p0 [hbm:s0], s1  }
0x59: {  	s0 =	simm.s32 @!p0 $0x3  }
0x5a: {  	_ =	swait.ge @!p0 [sflag:s0], s1  }
0x5b: {  	s1 =	ssub.s32 @!p0 $0x0, s1;
	[sflag:s0] =	ssyncset.done @!p0 $0x0  }
0x5c: {  	[sflag:s0] =	ssyncadd.s32 @!p0 s1  }
0x5d: {  	[bflag:$0x3] =	sbarrier.arrive $0xFFFF  }
0x5e: {  	_ =	shalt  }

// kernel: kernel.14.cloned.1.call-start
scs
__scs_entry_jumppad:
0x0: {  	(pc) =	sbr.rel $0x88, $3  }
0x1: {  	(tag) =	ssettag $0x0;
	lr =	simm.s32 $0x1  }
0x2: {  	[smem:$0x3F99] =	sst lr;
	_ =	strace $0xD0000000  }
0x3: {  	_ = 	snop  }
0x4: {  	_ = 	snop  }
0x5: {  	_ = 	snop  }
0x6: {  	_ = 	snop  }
0x7: {  	_ = 	snop  }
__scs_overlays_trampoline_lowered:
0x8: {  	[smem:$0x3FA8] =	sst s0  }
0x9: {  	[smem:$0x3FA9] =	sst s1  }
0xa: {  	[smem:$0x3FAA] =	sst s2  }
0xb: {  	[smem:$0x3FAB] =	sst s3  }
0xc: {  	[smem:$0x3FAC] =	sst s4  }
0xd: {  	[smem:$0x3FAD] =	sst s5  }
0xe: {  	[smem:$0x3FAE] =	sst s6  }
0xf: {  	[smem:$0x3FAF] =	sst s7  }
0x10: {  	[smem:$0x3FB0] =	sst s8  }
0x11: {  	[smem:$0x3FB1] =	sst s9;
	s0 =	simm.s32 @!p0 $0x0  }
0x12: {  	s1 =	sld [smem:$0x3F97];
	s0 =	simm.s32 @p0 $0x1  }
0x13: {  	[smem:$0x3FB2] =	sst s0;
	s0 =	simm.s32 @!p1 $0x0  }
0x14: {  	s2 =	sld [smem:$0x3F96];
	s0 =	simm.s32 @p1 $0x1  }
0x15: {  	[smem:$0x3FB3] =	sst s0;
	s0 =	simm.s32 @!p2 $0x0  }
0x16: {  	s3 =	sld [smem:$0x3FDB];
	s0 =	simm.s32 @p2 $0x1  }
0x17: {  	s4 =	simm.s32 $0x1BF5;
	[smem:$0x3FB5] =	sst s0  }
0x18: {  	s0 =	sld [smem:$0x3F98];
	_ =	swait.ge [sflag:s4], $0x0  }
0x19: {  	s7 =	sld [smem:$0x3F99]  }
0x1a: {  	s8 =	sadd.s32 $0xFFFFE003, lr  }
0x1b: {  	s9 =	sadd.s32 $0xFFFFFEF7, lr;
	s5 =	simm.s32 $0xFFFFFFFF;
	p2 =	slt.u32 s8, $0xFFFFF086  }
0x1c: {  	p1 =	slt.u32 s9, $0xF7A;
	s5 =	simm.s32 @!p2 $0x0  }
0x1d: {  	s5 =	simm.s32 @p1 $0x1;
	p0 =	seq.s32 s7, s2  }
0x1e: {  	s7 =	smul.u32 @!p0 $0xF7A, s2;
	p2 =	seq.s32 @!p0 s5, $0x0  }
0x1f: {  	s9 =	smul.u32 $0xF7A, s1;
	s8 =	simm.s32 @!p0 $0x1BF5;
	p2 =	por !p2, p0  }
0x20: {  	[sflag:s8] =	ssyncset.s32 @!p0 $0xFFFFF086;
	s6 =	sadd.s32 @!p0 s3, s7;
	s7 =	simm.s32 @!p0 $0x108  }
0x21: {  	s3 =	sadd.s32 s3, s9;
	s6 =	sadd.s32 @!p0 $0x88, s6;
	s7 =	simm.s32 @p2 $0x1082  }
0x22: {  	[simem:s7], [sflag:s8] =	dma.local @!p0 [hbm:s6], $0xF7A  }
0x23: {  	s9 =	sor.u32 $0xD0000000, s2;
	s6 =	simm.s32 $0x108;
	_ =	swait.ge @!p0 [sflag:s8], $0x0  }
0x24: {  	s3 =	sadd.s32 $0x88, s3;
	s6 =	simm.s32 @!p1 $0x1082;
	[sflag:s4] =	ssyncset.s32 $0xFFFFF086  }
0x25: {  	[simem:s6], [sflag:s4] =	dma.local [hbm:s3], $0xF7A  }
0x26: {  	[smem:$0x3F99] =	sst s1;
	(tag) =	ssettag s2;
	_ =	strace s9  }
0x27: {  	s1 =	sld [smem:$0x3FA9]  }
0x28: {  	s2 =	sld [smem:$0x3FAA]  }
0x29: {  	s4 =	sld [smem:$0x3FAC]  }
0x2a: {  	p0 =	seq.s32 s5, $0x0;
	s5 =	sld [smem:$0x3FAD]  }
0x2b: {  	s6 =	sld [smem:$0x3FAE]  }
0x2c: {  	s7 =	sld [smem:$0x3FAF]  }
0x2d: {  	s3 =	simm.s32 $0x108;
	s8 =	sld [smem:$0x3FB0]  }
0x2e: {  	s3 =	simm.s32 @!p0 $0x1082;
	s9 =	sld [smem:$0x3FB1]  }
0x2f: {  	lr =	sadd.s32 s0, s3;
	s0 =	sld [smem:$0x3FA8]  }
0x30: {  	s3 =	sld [smem:$0x3FAB]  }
0x31: {  	[smem:$0x3FB4] =	sst s10  }
0x32: {  	s10 =	sld [smem:$0x3FB2];
	_ =	sdelay $0x3  }
0x33: {  	p0 =	seq.s32 s10, $0x1;
	s10 =	sld [smem:$0x3FB4];
	_ =	sdelay $0x3  }
0x34: {  	[smem:$0x3FB4] =	sst s10  }
0x35: {  	s10 =	sld [smem:$0x3FB3];
	_ =	sdelay $0x3  }
0x36: {  	p1 =	seq.s32 s10, $0x1;
	s10 =	sld [smem:$0x3FB4];
	_ =	sdelay $0x3  }
0x37: {  	[smem:$0x3FB4] =	sst s10  }
0x38: {  	s10 =	sld [smem:$0x3FB5]  }
0x39: {  	_ = 	snop;
	(pc) =	sbr.ind lr, $3  }
0x3a: {  	_ = 	snop  }
0x3b: {  	_ = 	snop  }
0x3c: {  	p2 =	seq.s32 s10, $0x1;
	s10 =	sld [smem:$0x3FB4]  }
0x3d: {  	_ =	shalt  }
0x3e: {  	_ =	shalt  }
0x3f: {  	_ =	shalt  }
0x40: {  	_ =	shalt  }
0x41: {  	_ =	shalt  }
0x42: {  	_ =	shalt  }
0x43: {  	_ =	shalt  }
0x44: {  	_ =	shalt  }
0x45: {  	_ =	shalt  }
0x46: {  	_ =	shalt  }
0x47: {  	_ =	shalt  }
0x48: {  	_ =	shalt  }
0x49: {  	_ =	shalt  }
0x4a: {  	_ =	shalt  }
0x4b: {  	_ =	shalt  }
0x4c: {  	_ =	shalt  }
0x4d: {  	_ =	shalt  }
0x4e: {  	_ =	shalt  }
0x4f: {  	_ =	shalt  }
0x50: {  	_ =	shalt  }
0x51: {  	_ =	shalt  }
0x52: {  	_ =	shalt  }
0x53: {  	_ =	shalt  }
0x54: {  	_ =	shalt  }
0x55: {  	_ =	shalt  }
0x56: {  	_ =	shalt  }
0x57: {  	_ =	shalt  }
0x58: {  	_ =	shalt  }
0x59: {  	_ =	shalt  }
0x5a: {  	_ =	shalt  }
0x5b: {  	_ =	shalt  }
0x5c: {  	_ =	shalt  }
0x5d: {  	_ =	shalt  }
0x5e: {  	_ =	shalt  }
0x5f: {  	_ =	shalt  }
0x60: {  	_ =	shalt  }
0x61: {  	_ =	shalt  }
0x62: {  	_ =	shalt  }
0x63: {  	_ =	shalt  }
0x64: {  	_ =	shalt  }
0x65: {  	_ =	shalt  }
0x66: {  	_ =	shalt  }
0x67: {  	_ =	shalt  }
0x68: {  	_ =	shalt  }
0x69: {  	_ =	shalt  }
0x6a: {  	_ =	shalt  }
0x6b: {  	_ =	shalt  }
0x6c: {  	_ =	shalt  }
0x6d: {  	_ =	shalt  }
0x6e: {  	_ =	shalt  }
0x6f: {  	_ =	shalt  }
0x70: {  	_ =	shalt  }
0x71: {  	_ =	shalt  }
0x72: {  	_ =	shalt  }
0x73: {  	_ =	shalt  }
0x74: {  	_ =	shalt  }
0x75: {  	_ =	shalt  }
0x76: {  	_ =	shalt  }
0x77: {  	_ =	shalt  }
0x78: {  	_ =	shalt  }
0x79: {  	_ =	shalt  }
0x7a: {  	_ =	shalt  }
0x7b: {  	_ =	shalt  }
0x7c: {  	_ =	shalt  }
0x7d: {  	_ =	shalt  }
0x7e: {  	_ =	shalt  }
0x7f: {  	_ =	shalt  }
0x80: {  	_ =	shalt  }
0x81: {  	_ =	shalt  }
0x82: {  	_ =	shalt  }
0x83: {  	_ =	shalt  }
0x84: {  	_ =	shalt  }
0x85: {  	_ =	shalt  }
0x86: {  	_ =	shalt  }
0x87: {  	_ =	shalt  }
.Lfunc_end0:
.L_simem_size_0:
called_computation.2_lowered:
.L_overlay_start_0:
0x88: {  	s2 =	sld [smem:$0x3FD9]  }
0x89: {  	s3 =	sld [smem:$0x3FFE];
	_ =	sdelay $0x1  }
0x8a: {  	s1 =	srdreg.scid  }
0x8b: {  	s0 =	sand.u32 $0x1, s1  }
0x8c: {  	s14 =	sshll.u32 s0, $0xA;
	s2 =	sadd.s32 s3, s2  }
0x8d: {  	s2 =	sadd.s32 s2, s14  }
0x8e: {  	[smem:$0x3FC0] =	sst s2  }
0x8f: {  	_ = 	snop  }
0x90: {  	s2 =	sld [smem:$0x3FD0];
	_ =	sdelay $0x2  }
0x91: {  	s15 =	simm.s32 $0xA;
	s4 =	simm.s32 $0x10  }
0x92: {  	[smem:s4], [sflag:s15] =	dma.local [hbm:s2], $0x1  }
0x93: {  	_ =	swait.eq [sflag:s15], $0x1  }
0x94: {  	[sflag:s15] =	ssyncset.done $0x0  }
0x95: {  	s16 =	sld [smem:$0x10];
	[sflag:s15] =	ssyncadd.s32 $0xFFFFFFFF  }
0x96: {  	s17 =	sld [smem:$0x11];
	(tm) =	ssettm $0x1  }
0x97: {  	s18 =	sld [smem:$0x3FFB];
	_ =	sdelay $0x3  }
0x98: {  	_ =	strace s18  }
0x99: {  	s4 =	sld [smem:$0x3FFC];
	_ =	sdelay $0x3  }
0x9a: {  	_ =	strace s4  }
0x9b: {  	s4 =	sld [smem:$0x3FFD];
	_ =	sdelay $0x3  }
0x9c: {  	_ =	strace s4  }
0x9d: {  	_ =	strace $0x8FFFFFFF  }
0x9e: {  	s19 =	sld [smem:$0x3FDB];
	_ =	sdelay $0x1  }
0x9f: {  	s5 =	simm.s32 $_scs_section_size  }
0xa0: {  	s6 =	simm.s32 $_size__tile_overlayer_lowered;
	s7 =	simm.s32 $_tile_overlayer_lowered  }
0xa1: {  	s22 =	simm.s32 $0x1BFF;
	s21 =	sshll.u32 s7, $0x1;
	s4 =	sadd.s32 s5, s19  }
0xa2: {  	s8 =	simm.s32 $0x0;
	s20 =	sshll.u32 s6, $0x1;
	s6 =	sadd.s32 s21, s4  }
0xa3: {  	[timem:s8], [sflag:s22] =	dma.local [hbm:s6], s20  }
0xa4: {  	_ =	swait.ge [sflag:s22], s20  }
0xa5: {  	s5 =	ssub.s32 $0x0, s20;
	[sflag:s22] =	ssyncset.done $0x0  }
0xa6: {  	[sflag:s22] =	ssyncadd.s32 s5;
	_ =	sdelay $0x1  }
0xa7: {  	s23 =	simm.s32 $0x1B8B  }
0xa8: {  	_ =	swait.ge [sflag:s23], $0x1  }
0xa9: {  	[sflag:s23] =	ssyncset.done $0x0  }
0xaa: {  	s25 =	simm.s32 $0x1B8E;
	s24 =	sld [smem:$0x3FFE];
	[sflag:s23] =	ssyncadd.s32 $0xFFFFFFFF  }
0xab: {  	s26 =	simm.s32 $execute0_lowered;
	[smem:$0x3FD2] =	sst s25  }
0xac: {  	s6 =	sshll.u32 s26, $0x1;
	_ =	strace $0x8000004C;
	[dreg:$0x1] =	wrdreg $0xFFFFFFFF  }
0xad: {  	s28 =	simm.s32 $_size_execute0_lowered;
	s4 =	sadd.s32 s4, s6;
	[dreg:$0x0] =	wrdreg $0x0  }
0xae: {  	s6 =	sshll.u32 s28, $0x1;
	[dreg:$0x2] =	wrdreg s4  }
0xaf: {  	[dreg:$0x3] =	wrdreg s6  }
0xb0: {  	[dreg:$0x4] =	wrdreg $0xC0  }
0xb1: {  	_ =	task [dreg:s8], $0x5FFFF  }
0xb2: {  	[dreg:$0x1] =	wrdreg $0xFFFFFFFF  }
0xb3: {  	[dreg:$0x0] =	wrdreg $0x60  }
0xb4: {  	[dreg:$0x2] =	wrdreg s24  }
0xb5: {  	[dreg:$0x3] =	wrdreg s16  }
0xb6: {  	[dreg:$0x4] =	wrdreg s17  }
0xb7: {  	[dreg:$0x5] =	wrdreg $0xB7800  }
0xb8: {  	[dreg:$0x6] =	wrdreg $0x9  }
0xb9: {  	_ =	task.clear_ibuf [dreg:s8], $0x7FFFF;
	_ =	strace $0x9000004C  }
0xba: {  	s29 =	simm.s32 $0x9;
	_ =	strace $0x8000004E  }
0xbb: {  	_ =	swait.ge [sflag:s29], $0x1  }
0xbc: {  	[sflag:s29] =	ssyncadd.s32 $0xFFFFFFFF  }
0xbd: {  	_ =	strace $0x9000004E  }
0xbe: {  	_ =	sfence  }
0xbf: {  	s30 =	sld [smem:$0x0];
	_ =	sdelay $0x2  }
0xc0: {  	s31 =	sshll.u32 s1, $0xD;
	s1 =	sshrl.u32 s1, $0x2  }
0xc1: {  	s3 =	sand.u32 $0x4000, s31;
	s1 =	sadd.s32 s1, s30  }
0xc2: {  	s0 =	sor.u32 s3, s0;
	s1 =	sshll.u32 s1, $0x11  }
0xc3: {  	s0 =	sor.u32 s1, s0  }
0xc4: {  	s0 =	sadd.s32 $0x8F2B, s0  }
0xc5: {  	[sflag:s0] =	ssyncadd.remote.s32 $0x1  }
0xc6: {  	_ =	sfence.sel $0xFFFF  }
0xc7: {  	[dreg:$0x0] =	wrdreg $0xFFFFFFFF;
	(pc) =	sbr.abs _section_cstart, $3  }
0xc8: {  	[dreg:$0x1] =	wrdreg $0xFFFFFFFF  }
0xc9: {  	_ =	task.clear_ibuf [dreg:s8], $0x2FFFF;
	_ =	strace $0x9FFFFFFF  }
0xca: {  	(tm) =	ssettm $0x7FFFFFFF  }
0xcb: {  	_ =	shalt  }
tec
execute0_lowered:
.L_overlay_start_1:
0x0: {  	(tag) =	ssettag $0x1  }
0x1: {  	s5 =	rddreg [dreg:$0x0]  }
0x2: {  	s6 =	rddreg [dreg:$0x1]  }
0x3: {  	s7 =	rddreg [dreg:$0x2]  }
0x4: {  	s2 =	rddreg [dreg:$0x3]  }
0x5: {  	s0 =	rddreg [dreg:$0x4]  }
0x6: {  	s1 =	stileid.u32;
	s4 =	srdreg.scid  }
0x7: {  	s3 =	simm.s32 $0x0;
	s14 =	simm.s32 $0x6780;
	s15 =	simm.s32 $0x50  }
0x8: {  	s16 =	simm.s32 $0x8F80;
	s17 =	simm.s32 $0x1;
	s18 =	simm.s32 $0x2  }
0x9: {  	s19 =	simm.s32 $0x6580;
	s20 =	simm.s32 $0x0;
	s8 =	smul.u32 $0x13C00, s1  }
0xa: {  	s9 =	sand.u32 $0x1, s4;
	[smem:$0x7FF] =	sst s3;
	s12 =	smul.u32 $0x4F000, s1  }
0xb: {  	s4 =	sadd.s32 $0x79200, s5;
	s31 =	sshll.u32 s1, $0x6;
	s10 =	smul.u32 $0x13C000, s9  }
0xc: {  	_ =	strace $0x8000004D;
	s28 =	sshll.u32 s9, $0x4;
	s9 =	ssub.s32 $0x2, s9  }
0xd: {  	s11 =	sshrl.u32 s8, $0x3;
	s29 =	sshrl.u32 s9, $0x1;
	s12 =	sshrl.u32 s12, $0x2  }
0xe: {  	s8 =	sadd.s32 s8, s10;
	s26 =	sadd.s32 s11, s5;
	s11 =	sor.u32 s1, s28  }
0xf: {  	s9 =	ssub.s32 s9, s29;
	s30 =	sadd.s32 s12, s2;
	s10 =	simm.s32 $0x3  }
0x10: {  	s12 =	sor.u32 $0x1C03, s31;
	s8 =	sshrl.u32 s8, $0x3;
	s13 =	smul.u32 $0x4E2, s11  }
0x11: {  	s11 =	sshll.u32 s11, $0xB;
	s9 =	smax.u32 s9, $0x1;
	s8 =	sadd.s32 s8, s5  }
0x12: {  	s5 =	sadd.s32 s6, s13;
	s6 =	sadd.s32 s7, s11;
	s7 =	sadd.s32 $0x2A00, s26  }
0x13: {  	s8 =	sadd.s32 $0xA0400, s8;
	s11 =	simm.s32 $0x2780;
	s13 =	sshrl.u32 s30, $0x3  }
.LBB2_1:
0x14: {  	[tilespmem:s3], [sflag:$0x3] =	stream.linear.gather [hbm4b:s5+s3], $0x2710, $0x38;
	[tilespmem:$0x1F380] =	vst v63  }
0x15: {  	_ =	swait.ge [sflag:s10], $0x2710  }
0x16: {  	[sflag:s10] =	ssyncset.done $0x0  }
0x17: {  	[sflag:s10] =	ssyncadd.s32 $0xFFFFD8F0  }
0x18: {  	[tilespmem:s11], [sflag:$0x3] =	stream.linear.gather [hbm4b:s6+s3], $0x3E80, $0x38;
	[tilespmem:$0x1F380] =	vst v63  }
0x19: {  	_ =	swait.ge [sflag:s10], $0x3E80  }
0x1a: {  	[sflag:s10] =	ssyncset.done $0x0  }
0x1b: {  	[sflag:s10] =	ssyncadd.s32 $0xFFFFC180  }
0x1c: {  	[spmem:s13], [sflag:s12] =	dma.local [hbm:s7], $0x2780  }
0x1d: {  	_ =	swait.ge [sflag:s10], $0x2780  }
0x1e: {  	[sflag:s10] =	ssyncset.done $0x0  }
0x1f: {  	[sflag:s10] =	ssyncadd.s32 $0xFFFFD880  }
0x20: {  	[bflag:$0x0] =	sbarrier.arrive $0xFFFF  }
0x21: {  	[tilespmem:s14], [sflag:$0x1] =	stream.indirect.gather [hbm4b:s4+s15], $0x80, s3, s15, $0xb8;
	[tilespmem:$0x1F380] =	vst v63  }
0x22: {  	_ = 	snop  }
0x23: {  	[tilespmem:s16], [sflag:$0x2] =	stream.indirect.gather [hbm4b:s4+s15], $0x80, s15, s15, $0xb8;
	[tilespmem:$0x1F380] =	vst v63  }
0x24: {  	_ =	swait.ge [sflag:s17], $0x2800  }
0x25: {  	[sflag:s17] =	ssyncset.done $0x0  }
0x26: {  	s21 =	simm.s32 $0x2780;
	[sflag:s17] =	ssyncadd.s32 $0xFFFFD800  }
0x27: {  	[spmem:s2] =	stream.indirect.scatter.add.f32 [tilespmem:s14], [sflag:$0x3], $0x80, s21, s15, $0xb8;
	[tilespmem:$0x1F380] =	vst v63  }
0x28: {  	_ =	swait.ge [sflag:s10], $0x2800  }
0x29: {  	[sflag:s10] =	ssyncset.done $0x0  }
0x2a: {  	s30 =	simm.s32 $0xA0;
	[sflag:s10] =	ssyncadd.s32 $0xFFFFD800  }
0x2b: {  	[tilespmem:s14], [sflag:$0x1] =	stream.indirect.gather [hbm4b:s4+s15], $0x80, s30, s15, $0xb8;
	[tilespmem:$0x1F380] =	vst v63  }
0x2c: {  	_ =	swait.ge [sflag:s18], $0x2800  }
0x2d: {  	[sflag:s18] =	ssyncset.done $0x0  }
0x2e: {  	s31 =	simm.s32 $0x2800;
	[sflag:s18] =	ssyncadd.s32 $0xFFFFD800  }
0x2f: {  	[spmem:s2] =	stream.indirect.scatter.add.f32 [tilespmem:s16], [sflag:$0x3], $0x80, s31, s15, $0xb8;
	[tilespmem:$0x1F380] =	vst v63  }
0x30: {  	_ =	swait.ge [sflag:s10], $0x2800  }
0x31: {  	s22 =	simm.s32 $0x50;
	s21 =	simm.s32 $0x400;
	[sflag:s10] =	ssyncset.done $0x0  }
.LBB2_2:
0x32: {  	p0 =	sne.s32 s21, $0xF400;
	[sflag:s10] =	ssyncadd.s32 $0xFFFFD800;
	s22 =	sadd.s32 $0xA0, s22  }
0x33: {  	[tilespmem:s16], [sflag:$0x2] =	stream.indirect.gather [hbm4b:s4+s15], $0x80, s22, s15, $0xb8;
	[tilespmem:$0x1F380] =	vst v63  }
0x34: {  	s23 =	smov.u32 s21;
	s21 =	sadd.s32 $0x400, s21;
	_ =	swait.ge [sflag:s17], $0x2800  }
0x35: {  	s23 =	sshra.s32 s23, $0x2;
	[sflag:s17] =	ssyncset.done $0x0  }
0x36: {  	s24 =	sadd.s32 $0x2780, s23;
	[sflag:s17] =	ssyncadd.s32 $0xFFFFD800  }
0x37: {  	[spmem:s2] =	stream.indirect.scatter.add.f32 [tilespmem:s14], [sflag:$0x3], $0x80, s24, s15, $0xb8;
	[tilespmem:$0x1F380] =	vst v63  }
0x38: {  	_ =	swait.ge [sflag:s10], $0x2800  }
0x39: {  	[sflag:s10] =	ssyncset.done $0x0  }
0x3a: {  	s24 =	sadd.s32 $0x50, s22;
	[sflag:s10] =	ssyncadd.s32 $0xFFFFD800  }
0x3b: {  	[tilespmem:s14], [sflag:$0x1] =	stream.indirect.gather [hbm4b:s4+s15], $0x80, s24, s15, $0xb8;
	[tilespmem:$0x1F380] =	vst v63  }
0x3c: {  	_ =	swait.ge [sflag:s18], $0x2800  }
.Ltmp0:
0x3d: {  	[sflag:s18] =	ssyncset.done $0x0;
	(pc) =	sbr.rel @p0 .LBB2_2-.Ltmp0, $4  }
0x3e: {  	s23 =	sadd.s32 $0x2800, s23;
	[sflag:s18] =	ssyncadd.s32 $0xFFFFD800  }
0x3f: {  	[spmem:s2] =	stream.indirect.scatter.add.f32 [tilespmem:s16], [sflag:$0x3], $0x80, s23, s15, $0xb8;
	[tilespmem:$0x1F380] =	vst v63  }
0x40: {  	_ =	swait.ge [sflag:s10], $0x2800  }
0x41: {  	[sflag:s10] =	ssyncset.done $0x0  }
0x42: {  	[sflag:s10] =	ssyncadd.s32 $0xFFFFD800  }
0x43: {  	_ =	swait.ge [sflag:s17], $0x2800  }
0x44: {  	[sflag:s17] =	ssyncset.done $0x0  }
0x45: {  	[sflag:s17] =	ssyncadd.s32 $0xFFFFD800  }
0x46: {  	[spmem:s2] =	stream.indirect.scatter.add.f32 [tilespmem:s14], [sflag:$0x3], $0x80, s19, s15, $0xb8;
	[tilespmem:$0x1F380] =	vst v63  }
0x47: {  	_ =	swait.ge [sflag:s10], $0x2800  }
0x48: {  	s20 =	sadd.s32 $0x1, s20;
	[sflag:s10] =	ssyncset.done $0x0  }
0x49: {  	p0 =	sne.s32 s20, s9;
	[sflag:s10] =	ssyncadd.s32 $0xFFFFD800  }
.Ltmp1:
0x4a: {  	[bflag:$0x0] =	sbarrier.arrive $0xFFFF;
	(pc) =	sbr.rel @p0 .LBB2_1-.Ltmp1, $4  }
0x4b: {  	[hbm:s8], [sflag:s12] =	dma.local [spmem:s13], $0x2780  }
0x4c: {  	_ =	swait.ge [sflag:s10], $0x2780  }
0x4d: {  	[sflag:s10] =	ssyncset.done $0x0  }
0x4e: {  	[sflag:s10] =	ssyncadd.s32 $0xFFFFD880  }
0x4f: {  	_ =	sfence.sel $0x180000  }
0x50: {  	[bflag:$0x0] =	sbarrier.arrive $0xFFFF  }
0x51: {  	p0 =	sne.s32 s1, $0x0;
	_ =	strace $0x9000004D  }
0x52: {  	s0 =	sadd.s32 @!p0 $0x100000, s0;
	[bflag:$0x2] =	sbarrier.arrive $0xFFFF  }
0x53: {  	[sflag:s0] =	ssyncadd.tile.s32 @!p0 $0x1;
	_ =	shalt  }
.Lfunc_end2:
_tile_overlayer_lowered:
.L_overlay_start_2:
0x54: {  	(tag) =	ssettag $0x2  }
0x55: {  	s0 =	rddreg [dreg:$0x0];
	s2 =	stileid.u32  }
0x56: {  	s1 =	rddreg [dreg:$0x1];
	p0 =	sne.s32 s2, $0x0  }
0x57: {  	s3 =	rddreg [dreg:$0x2];
	[bflag:$0x3] =	sbarrier.arrive $0xFFFF;
	s2 =	simm.s32 @!p0 $0x1C03  }
0x58: {  	[timem:s3], [sflag:s2] =	dma.local @!p0 [hbm:s0], s1  }
0x59: {  	s0 =	simm.s32 @!p0 $0x3  }
0x5a: {  	_ =	swait.ge @!p0 [sflag:s0], s1  }
0x5b: {  	s1 =	ssub.s32 @!p0 $0x0, s1;
	[sflag:s0] =	ssyncset.done @!p0 $0x0  }
0x5c: {  	[sflag:s0] =	ssyncadd.s32 @!p0 s1  }
0x5d: {  	[bflag:$0x3] =	sbarrier.arrive $0xFFFF  }
0x5e: {  	_ =	shalt  }

// kernel: kernel.8.cloned.1.call-start
scs
__scs_entry_jumppad:
0x0: {  	(pc) =	sbr.rel $0x88, $3  }
0x1: {  	(tag) =	ssettag $0x0;
	lr =	simm.s32 $0x1  }
0x2: {  	[smem:$0x3F99] =	sst lr;
	_ =	strace $0xD0000000  }
0x3: {  	_ = 	snop  }
0x4: {  	_ = 	snop  }
0x5: {  	_ = 	snop  }
0x6: {  	_ = 	snop  }
0x7: {  	_ = 	snop  }
__scs_overlays_trampoline_lowered:
0x8: {  	[smem:$0x3FA8] =	sst s0  }
0x9: {  	[smem:$0x3FA9] =	sst s1  }
0xa: {  	[smem:$0x3FAA] =	sst s2  }
0xb: {  	[smem:$0x3FAB] =	sst s3  }
0xc: {  	[smem:$0x3FAC] =	sst s4  }
0xd: {  	[smem:$0x3FAD] =	sst s5  }
0xe: {  	[smem:$0x3FAE] =	sst s6  }
0xf: {  	[smem:$0x3FAF] =	sst s7  }
0x10: {  	[smem:$0x3FB0] =	sst s8  }
0x11: {  	[smem:$0x3FB1] =	sst s9;
	s0 =	simm.s32 @!p0 $0x0  }
0x12: {  	s1 =	sld [smem:$0x3F97];
	s0 =	simm.s32 @p0 $0x1  }
0x13: {  	[smem:$0x3FB2] =	sst s0;
	s0 =	simm.s32 @!p1 $0x0  }
0x14: {  	s2 =	sld [smem:$0x3F96];
	s0 =	simm.s32 @p1 $0x1  }
0x15: {  	[smem:$0x3FB3] =	sst s0;
	s0 =	simm.s32 @!p2 $0x0  }
0x16: {  	s3 =	sld [smem:$0x3FDB];
	s0 =	simm.s32 @p2 $0x1  }
0x17: {  	s4 =	simm.s32 $0x1BF5;
	[smem:$0x3FB5] =	sst s0  }
0x18: {  	s0 =	sld [smem:$0x3F98];
	_ =	swait.ge [sflag:s4], $0x0  }
0x19: {  	s7 =	sld [smem:$0x3F99]  }
0x1a: {  	s8 =	sadd.s32 $0xFFFFE003, lr  }
0x1b: {  	s9 =	sadd.s32 $0xFFFFFEF7, lr;
	s5 =	simm.s32 $0xFFFFFFFF;
	p2 =	slt.u32 s8, $0xFFFFF086  }
0x1c: {  	p1 =	slt.u32 s9, $0xF7A;
	s5 =	simm.s32 @!p2 $0x0  }
0x1d: {  	s5 =	simm.s32 @p1 $0x1;
	p0 =	seq.s32 s7, s2  }
0x1e: {  	s7 =	smul.u32 @!p0 $0xF7A, s2;
	p2 =	seq.s32 @!p0 s5, $0x0  }
0x1f: {  	s9 =	smul.u32 $0xF7A, s1;
	s8 =	simm.s32 @!p0 $0x1BF5;
	p2 =	por !p2, p0  }
0x20: {  	[sflag:s8] =	ssyncset.s32 @!p0 $0xFFFFF086;
	s6 =	sadd.s32 @!p0 s3, s7;
	s7 =	simm.s32 @!p0 $0x108  }
0x21: {  	s3 =	sadd.s32 s3, s9;
	s6 =	sadd.s32 @!p0 $0x88, s6;
	s7 =	simm.s32 @p2 $0x1082  }
0x22: {  	[simem:s7], [sflag:s8] =	dma.local @!p0 [hbm:s6], $0xF7A  }
0x23: {  	s9 =	sor.u32 $0xD0000000, s2;
	s6 =	simm.s32 $0x108;
	_ =	swait.ge @!p0 [sflag:s8], $0x0  }
0x24: {  	s3 =	sadd.s32 $0x88, s3;
	s6 =	simm.s32 @!p1 $0x1082;
	[sflag:s4] =	ssyncset.s32 $0xFFFFF086  }
0x25: {  	[simem:s6], [sflag:s4] =	dma.local [hbm:s3], $0xF7A  }
0x26: {  	[smem:$0x3F99] =	sst s1;
	(tag) =	ssettag s2;
	_ =	strace s9  }
0x27: {  	s1 =	sld [smem:$0x3FA9]  }
0x28: {  	s2 =	sld [smem:$0x3FAA]  }
0x29: {  	s4 =	sld [smem:$0x3FAC]  }
0x2a: {  	p0 =	seq.s32 s5, $0x0;
	s5 =	sld [smem:$0x3FAD]  }
0x2b: {  	s6 =	sld [smem:$0x3FAE]  }
0x2c: {  	s7 =	sld [smem:$0x3FAF]  }
0x2d: {  	s3 =	simm.s32 $0x108;
	s8 =	sld [smem:$0x3FB0]  }
0x2e: {  	s3 =	simm.s32 @!p0 $0x1082;
	s9 =	sld [smem:$0x3FB1]  }
0x2f: {  	lr =	sadd.s32 s0, s3;
	s0 =	sld [smem:$0x3FA8]  }
0x30: {  	s3 =	sld [smem:$0x3FAB]  }
0x31: {  	[smem:$0x3FB4] =	sst s10  }
0x32: {  	s10 =	sld [smem:$0x3FB2];
	_ =	sdelay $0x3  }
0x33: {  	p0 =	seq.s32 s10, $0x1;
	s10 =	sld [smem:$0x3FB4];
	_ =	sdelay $0x3  }
0x34: {  	[smem:$0x3FB4] =	sst s10  }
0x35: {  	s10 =	sld [smem:$0x3FB3];
	_ =	sdelay $0x3  }
0x36: {  	p1 =	seq.s32 s10, $0x1;
	s10 =	sld [smem:$0x3FB4];
	_ =	sdelay $0x3  }
0x37: {  	[smem:$0x3FB4] =	sst s10  }
0x38: {  	s10 =	sld [smem:$0x3FB5]  }
0x39: {  	_ = 	snop;
	(pc) =	sbr.ind lr, $3  }
0x3a: {  	_ = 	snop  }
0x3b: {  	_ = 	snop  }
0x3c: {  	p2 =	seq.s32 s10, $0x1;
	s10 =	sld [smem:$0x3FB4]  }
0x3d: {  	_ =	shalt  }
0x3e: {  	_ =	shalt  }
0x3f: {  	_ =	shalt  }
0x40: {  	_ =	shalt  }
0x41: {  	_ =	shalt  }
0x42: {  	_ =	shalt  }
0x43: {  	_ =	shalt  }
0x44: {  	_ =	shalt  }
0x45: {  	_ =	shalt  }
0x46: {  	_ =	shalt  }
0x47: {  	_ =	shalt  }
0x48: {  	_ =	shalt  }
0x49: {  	_ =	shalt  }
0x4a: {  	_ =	shalt  }
0x4b: {  	_ =	shalt  }
0x4c: {  	_ =	shalt  }
0x4d: {  	_ =	shalt  }
0x4e: {  	_ =	shalt  }
0x4f: {  	_ =	shalt  }
0x50: {  	_ =	shalt  }
0x51: {  	_ =	shalt  }
0x52: {  	_ =	shalt  }
0x53: {  	_ =	shalt  }
0x54: {  	_ =	shalt  }
0x55: {  	_ =	shalt  }
0x56: {  	_ =	shalt  }
0x57: {  	_ =	shalt  }
0x58: {  	_ =	shalt  }
0x59: {  	_ =	shalt  }
0x5a: {  	_ =	shalt  }
0x5b: {  	_ =	shalt  }
0x5c: {  	_ =	shalt  }
0x5d: {  	_ =	shalt  }
0x5e: {  	_ =	shalt  }
0x5f: {  	_ =	shalt  }
0x60: {  	_ =	shalt  }
0x61: {  	_ =	shalt  }
0x62: {  	_ =	shalt  }
0x63: {  	_ =	shalt  }
0x64: {  	_ =	shalt  }
0x65: {  	_ =	shalt  }
0x66: {  	_ =	shalt  }
0x67: {  	_ =	shalt  }
0x68: {  	_ =	shalt  }
0x69: {  	_ =	shalt  }
0x6a: {  	_ =	shalt  }
0x6b: {  	_ =	shalt  }
0x6c: {  	_ =	shalt  }
0x6d: {  	_ =	shalt  }
0x6e: {  	_ =	shalt  }
0x6f: {  	_ =	shalt  }
0x70: {  	_ =	shalt  }
0x71: {  	_ =	shalt  }
0x72: {  	_ =	shalt  }
0x73: {  	_ =	shalt  }
0x74: {  	_ =	shalt  }
0x75: {  	_ =	shalt  }
0x76: {  	_ =	shalt  }
0x77: {  	_ =	shalt  }
0x78: {  	_ =	shalt  }
0x79: {  	_ =	shalt  }
0x7a: {  	_ =	shalt  }
0x7b: {  	_ =	shalt  }
0x7c: {  	_ =	shalt  }
0x7d: {  	_ =	shalt  }
0x7e: {  	_ =	shalt  }
0x7f: {  	_ =	shalt  }
0x80: {  	_ =	shalt  }
0x81: {  	_ =	shalt  }
0x82: {  	_ =	shalt  }
0x83: {  	_ =	shalt  }
0x84: {  	_ =	shalt  }
0x85: {  	_ =	shalt  }
0x86: {  	_ =	shalt  }
0x87: {  	_ =	shalt  }
.Lfunc_end0:
.L_simem_size_0:
called_computation_lowered:
.L_overlay_start_0:
0x88: {  	s2 =	sld [smem:$0x3FD9]  }
0x89: {  	s3 =	sld [smem:$0x3FFE];
	_ =	sdelay $0x1  }
0x8a: {  	s1 =	srdreg.scid  }
0x8b: {  	s0 =	sand.u32 $0x1, s1  }
0x8c: {  	s14 =	sshll.u32 s0, $0xA;
	s2 =	sadd.s32 s3, s2  }
0x8d: {  	s2 =	sadd.s32 s2, s14  }
0x8e: {  	[smem:$0x3FC0] =	sst s2  }
0x8f: {  	_ = 	snop  }
0x90: {  	s2 =	sld [smem:$0x3FD0];
	_ =	sdelay $0x2  }
0x91: {  	s15 =	simm.s32 $0xA;
	s4 =	simm.s32 $0x10  }
0x92: {  	[smem:s4], [sflag:s15] =	dma.local [hbm:s2], $0x1  }
0x93: {  	_ =	swait.eq [sflag:s15], $0x1  }
0x94: {  	[sflag:s15] =	ssyncset.done $0x0  }
0x95: {  	[sflag:s15] =	ssyncadd.s32 $0xFFFFFFFF  }
0x96: {  	s16 =	sld [smem:$0x11];
	(tm) =	ssettm $0x1  }
0x97: {  	s17 =	sld [smem:$0x3FFB];
	_ =	sdelay $0x3  }
0x98: {  	_ =	strace s17  }
0x99: {  	s3 =	sld [smem:$0x3FFC];
	_ =	sdelay $0x3  }
0x9a: {  	_ =	strace s3  }
0x9b: {  	s3 =	sld [smem:$0x3FFD];
	_ =	sdelay $0x3  }
0x9c: {  	_ =	strace s3  }
0x9d: {  	_ =	strace $0x8FFFFFFF  }
0x9e: {  	s18 =	sld [smem:$0x3FDB];
	_ =	sdelay $0x1  }
0x9f: {  	s19 =	simm.s32 $_scs_section_size  }
0xa0: {  	s5 =	simm.s32 $_size__tile_overlayer_lowered;
	s6 =	simm.s32 $_tile_overlayer_lowered  }
0xa1: {  	s22 =	simm.s32 $0x1BFF;
	s21 =	sshll.u32 s6, $0x1;
	s3 =	sadd.s32 s19, s18  }
0xa2: {  	s7 =	simm.s32 $0x0;
	s20 =	sshll.u32 s5, $0x1;
	s5 =	sadd.s32 s21, s3  }
0xa3: {  	[timem:s7], [sflag:s22] =	dma.local [hbm:s5], s20  }
0xa4: {  	_ =	swait.ge [sflag:s22], s20  }
0xa5: {  	s4 =	ssub.s32 $0x0, s20;
	[sflag:s22] =	ssyncset.done $0x0  }
0xa6: {  	[sflag:s22] =	ssyncadd.s32 s4;
	_ =	sdelay $0x1  }
0xa7: {  	s23 =	simm.s32 $0x1B8B  }
0xa8: {  	_ =	swait.ge [sflag:s23], $0x1  }
0xa9: {  	[sflag:s23] =	ssyncset.done $0x0  }
0xaa: {  	s25 =	simm.s32 $0x1B8E;
	s24 =	sld [smem:$0x3FFE];
	[sflag:s23] =	ssyncadd.s32 $0xFFFFFFFF  }
0xab: {  	s26 =	simm.s32 $execute0_lowered;
	[smem:$0x3FD2] =	sst s25  }
0xac: {  	s5 =	sshll.u32 s26, $0x1;
	_ =	strace $0x80000046;
	[dreg:$0x1] =	wrdreg $0xFFFFFFFF  }
0xad: {  	s28 =	simm.s32 $_size_execute0_lowered;
	s3 =	sadd.s32 s3, s5;
	[dreg:$0x0] =	wrdreg $0x0  }
0xae: {  	s5 =	sshll.u32 s28, $0x1;
	[dreg:$0x2] =	wrdreg s3  }
0xaf: {  	[dreg:$0x3] =	wrdreg s5  }
0xb0: {  	[dreg:$0x4] =	wrdreg $0xC0  }
0xb1: {  	_ =	task [dreg:s7], $0x5FFFF  }
0xb2: {  	[dreg:$0x1] =	wrdreg $0xFFFFFFFF  }
0xb3: {  	[dreg:$0x0] =	wrdreg $0x60  }
0xb4: {  	[dreg:$0x2] =	wrdreg s16  }
0xb5: {  	[dreg:$0x3] =	wrdreg s24  }
0xb6: {  	[dreg:$0x4] =	wrdreg $0x68000  }
0xb7: {  	[dreg:$0x5] =	wrdreg $0x9  }
0xb8: {  	_ =	task.clear_ibuf [dreg:s7], $0x6FFFF;
	_ =	strace $0x90000046  }
0xb9: {  	s29 =	simm.s32 $0x9;
	_ =	strace $0x80000048  }
0xba: {  	_ =	swait.ge [sflag:s29], $0x1  }
0xbb: {  	[sflag:s29] =	ssyncadd.s32 $0xFFFFFFFF  }
0xbc: {  	_ =	strace $0x90000048  }
0xbd: {  	_ =	sfence  }
0xbe: {  	s30 =	sld [smem:$0x0];
	_ =	sdelay $0x2  }
0xbf: {  	s31 =	sshll.u32 s1, $0xD;
	s1 =	sshrl.u32 s1, $0x2  }
0xc0: {  	s3 =	sand.u32 $0x4000, s31;
	s1 =	sadd.s32 s1, s30  }
0xc1: {  	s0 =	sor.u32 s3, s0;
	s1 =	sshll.u32 s1, $0x11  }
0xc2: {  	s0 =	sor.u32 s1, s0  }
0xc3: {  	s0 =	sadd.s32 $0x8F2B, s0  }
0xc4: {  	[sflag:s0] =	ssyncadd.remote.s32 $0x1  }
0xc5: {  	_ =	sfence.sel $0xFFFF  }
0xc6: {  	[dreg:$0x0] =	wrdreg $0xFFFFFFFF;
	(pc) =	sbr.abs _section_cstart, $3  }
0xc7: {  	[dreg:$0x1] =	wrdreg $0xFFFFFFFF  }
0xc8: {  	_ =	task.clear_ibuf [dreg:s7], $0x2FFFF;
	_ =	strace $0x9FFFFFFF  }
0xc9: {  	(tm) =	ssettm $0x7FFFFFFF  }
tec
execute0_lowered:
.L_overlay_start_1:
0x0: {  	(tag) =	ssettag $0x1  }
0x1: {  	s0 =	rddreg [dreg:$0x0]  }
0x2: {  	s1 =	rddreg [dreg:$0x1]  }
0x3: {  	s2 =	rddreg [dreg:$0x2]  }
0x4: {  	s11 =	stileid.u32;
	s4 =	srdreg.scid;
	s3 =	simm.s32 $0x0  }
0x5: {  	s13 =	simm.s32 $0x50;
	s14 =	simm.s32 $0x1;
	s15 =	simm.s32 $0x3800  }
0x6: {  	s16 =	simm.s32 $0x3880;
	s17 =	simm.s32 $0x3900;
	s18 =	simm.s32 $0x3980  }
0x7: {  	s19 =	simm.s32 $0x3A00;
	s20 =	simm.s32 $0x3A80;
	s21 =	simm.s32 $0x3B00  }
0x8: {  	s22 =	simm.s32 $0x3B80;
	s23 =	simm.s32 $0x3C00;
	s28 =	simm.s32 $0x3E00  }
0x9: {  	s29 =	simm.s32 $0x0;
	s5 =	smul.u32 $0x13C00, s11;
	s6 =	sand.u32 $0x1, s4  }
0xa: {  	[smem:$0x7FF] =	sst s3;
	s4 =	sadd.s32 $0x2400, s1;
	s9 =	smul.u32 $0x4F000, s11  }
0xb: {  	s10 =	sshll.u32 s11, $0xB;
	s31 =	sshll.u32 s11, $0x6;
	s7 =	smul.u32 $0x13C000, s6  }
0xc: {  	_ =	strace $0x80000047;
	s24 =	ssub.s32 $0x2, s6;
	s6 =	sshll.u32 s6, $0xF  }
0xd: {  	s0 =	sadd.s32 s0, s10;
	s10 =	simm.s32 $0x2;
	s11 =	sor.u32 $0x1C02, s31  }
0xe: {  	s8 =	sshrl.u32 s5, $0x3;
	s25 =	sshrl.u32 s24, $0x1;
	s9 =	sshrl.u32 s9, $0x2  }
0xf: {  	s8 =	sadd.s32 s8, s1;
	s5 =	sadd.s32 s5, s7;
	s26 =	ssub.s32 s24, s25  }
0x10: {  	s30 =	sadd.s32 s9, s2;
	s9 =	simm.s32 $0x4000;
	s24 =	simm.s32 $0x3C80  }
0x11: {  	s25 =	simm.s32 $0x3D00;
	s5 =	sshrl.u32 s5, $0x3;
	s12 =	sshrl.u32 s30, $0x3  }
0x12: {  	s1 =	sadd.s32 s5, s1;
	s5 =	sadd.s32 s6, s0;
	s6 =	sadd.s32 $0x2A00, s8  }
0x13: {  	s8 =	smax.u32 s26, $0x1;
	s26 =	simm.s32 $0x3D80;
	s7 =	sadd.s32 $0x2A200, s1  }
.LBB2_1:
0x14: {  	[tilespmem:s9], [sflag:$0x2] =	stream.linear.gather [hbm4b:s4+s3], $0x2800, $0x38;
	[tilespmem:$0x1A400] =	vst v63  }
0x15: {  	_ =	swait.ge [sflag:s10], $0x2800  }
0x16: {  	[sflag:s10] =	ssyncset.done $0x0  }
0x17: {  	[sflag:s10] =	ssyncadd.s32 $0xFFFFD800  }
0x18: {  	[tilespmem:s3], [sflag:$0x2] =	stream.linear.gather [hbm4b:s5+s3], $0x3E80, $0x38;
	[tilespmem:$0x1A400] =	vst v63  }
0x19: {  	_ =	swait.ge [sflag:s10], $0x3E80  }
0x1a: {  	[sflag:s10] =	ssyncset.done $0x0  }
0x1b: {  	[sflag:s10] =	ssyncadd.s32 $0xFFFFC180  }
0x1c: {  	[spmem:s12], [sflag:s11] =	dma.local [hbm:s6], $0x2780  }
0x1d: {  	_ =	swait.ge [sflag:s10], $0x2780  }
0x1e: {  	[sflag:s10] =	ssyncset.done $0x0  }
0x1f: {  	[sflag:s10] =	ssyncadd.s32 $0xFFFFD880  }
0x20: {  	s0 =	simm.s32 $0x0;
	[bflag:$0x0] =	sbarrier.arrive $0xFFFF  }
0x21: {  	[spmem:s2] =	stream.indirect.scatter.add.f32 [tilespmem:s9], [sflag:$0x1], $0x80, s0, s13, $0xb8;
	[tilespmem:$0x1A400] =	vst v63  }
0x22: {  	s1 =	simm.s32 $0x80  }
0x23: {  	[spmem:s2] =	stream.indirect.scatter.add.f32 [tilespmem:s9], [sflag:$0x1], $0x80, s1, s13, $0xb8;
	[tilespmem:$0x1A400] =	vst v63  }
0x24: {  	s1 =	simm.s32 $0x100  }
0x25: {  	[spmem:s2] =	stream.indirect.scatter.add.f32 [tilespmem:s9], [sflag:$0x1], $0x80, s1, s13, $0xb8;
	[tilespmem:$0x1A400] =	vst v63  }
0x26: {  	s1 =	simm.s32 $0x180  }
0x27: {  	[spmem:s2] =	stream.indirect.scatter.add.f32 [tilespmem:s9], [sflag:$0x1], $0x80, s1, s13, $0xb8;
	[tilespmem:$0x1A400] =	vst v63  }
0x28: {  	s1 =	simm.s32 $0x200  }
0x29: {  	[spmem:s2] =	stream.indirect.scatter.add.f32 [tilespmem:s9], [sflag:$0x1], $0x80, s1, s13, $0xb8;
	[tilespmem:$0x1A400] =	vst v63  }
0x2a: {  	s1 =	simm.s32 $0x280  }
0x2b: {  	[spmem:s2] =	stream.indirect.scatter.add.f32 [tilespmem:s9], [sflag:$0x1], $0x80, s1, s13, $0xb8;
	[tilespmem:$0x1A400] =	vst v63  }
0x2c: {  	s1 =	simm.s32 $0x300  }
0x2d: {  	[spmem:s2] =	stream.indirect.scatter.add.f32 [tilespmem:s9], [sflag:$0x1], $0x80, s1, s13, $0xb8;
	[tilespmem:$0x1A400] =	vst v63  }
0x2e: {  	s1 =	simm.s32 $0x380  }
0x2f: {  	[spmem:s2] =	stream.indirect.scatter.add.f32 [tilespmem:s9], [sflag:$0x1], $0x80, s1, s13, $0xb8;
	[tilespmem:$0x1A400] =	vst v63  }
0x30: {  	s1 =	simm.s32 $0x400  }
0x31: {  	[spmem:s2] =	stream.indirect.scatter.add.f32 [tilespmem:s9], [sflag:$0x1], $0x80, s1, s13, $0xb8;
	[tilespmem:$0x1A400] =	vst v63  }
0x32: {  	s1 =	simm.s32 $0x480  }
0x33: {  	[spmem:s2] =	stream.indirect.scatter.add.f32 [tilespmem:s9], [sflag:$0x1], $0x80, s1, s13, $0xb8;
	[tilespmem:$0x1A400] =	vst v63  }
0x34: {  	s1 =	simm.s32 $0x500  }
0x35: {  	[spmem:s2] =	stream.indirect.scatter.add.f32 [tilespmem:s9], [sflag:$0x1], $0x80, s1, s13, $0xb8;
	[tilespmem:$0x1A400] =	vst v63  }
0x36: {  	s1 =	simm.s32 $0x580  }
0x37: {  	[spmem:s2] =	stream.indirect.scatter.add.f32 [tilespmem:s9], [sflag:$0x1], $0x80, s1, s13, $0xb8;
	[tilespmem:$0x1A400] =	vst v63  }
0x38: {  	s1 =	simm.s32 $0x600  }
0x39: {  	[spmem:s2] =	stream.indirect.scatter.add.f32 [tilespmem:s9], [sflag:$0x1], $0x80, s1, s13, $0xb8;
	[tilespmem:$0x1A400] =	vst v63  }
0x3a: {  	s1 =	simm.s32 $0x680  }
0x3b: {  	[spmem:s2] =	stream.indirect.scatter.add.f32 [tilespmem:s9], [sflag:$0x1], $0x80, s1, s13, $0xb8;
	[tilespmem:$0x1A400] =	vst v63  }
0x3c: {  	s1 =	simm.s32 $0x700  }
0x3d: {  	[spmem:s2] =	stream.indirect.scatter.add.f32 [tilespmem:s9], [sflag:$0x1], $0x80, s1, s13, $0xb8;
	[tilespmem:$0x1A400] =	vst v63  }
0x3e: {  	s1 =	simm.s32 $0x780  }
0x3f: {  	[spmem:s2] =	stream.indirect.scatter.add.f32 [tilespmem:s9], [sflag:$0x1], $0x80, s1, s13, $0xb8;
	[tilespmem:$0x1A400] =	vst v63  }
0x40: {  	_ =	swait.ge [sflag:s14], $0x2800  }
0x41: {  	[sflag:s14] =	ssyncset.done $0x0  }
0x42: {  	[sflag:s14] =	ssyncadd.s32 $0xFFFFD800  }
0x43: {  	_ =	swait.ge [sflag:s14], $0x2800  }
0x44: {  	[sflag:s14] =	ssyncset.done $0x0  }
0x45: {  	[sflag:s14] =	ssyncadd.s32 $0xFFFFD800  }
0x46: {  	_ =	swait.ge [sflag:s14], $0x2800  }
0x47: {  	[sflag:s14] =	ssyncset.done $0x0  }
0x48: {  	[sflag:s14] =	ssyncadd.s32 $0xFFFFD800  }
0x49: {  	_ =	swait.ge [sflag:s14], $0x2800  }
0x4a: {  	[sflag:s14] =	ssyncset.done $0x0  }
0x4b: {  	[sflag:s14] =	ssyncadd.s32 $0xFFFFD800  }
0x4c: {  	_ =	swait.ge [sflag:s14], $0x2800  }
0x4d: {  	[sflag:s14] =	ssyncset.done $0x0  }
0x4e: {  	[sflag:s14] =	ssyncadd.s32 $0xFFFFD800  }
0x4f: {  	_ =	swait.ge [sflag:s14], $0x2800  }
0x50: {  	[sflag:s14] =	ssyncset.done $0x0  }
0x51: {  	[sflag:s14] =	ssyncadd.s32 $0xFFFFD800  }
0x52: {  	_ =	swait.ge [sflag:s14], $0x2800  }
0x53: {  	[sflag:s14] =	ssyncset.done $0x0  }
0x54: {  	[sflag:s14] =	ssyncadd.s32 $0xFFFFD800  }
0x55: {  	_ =	swait.ge [sflag:s14], $0x2800  }
0x56: {  	[sflag:s14] =	ssyncset.done $0x0  }
0x57: {  	[sflag:s14] =	ssyncadd.s32 $0xFFFFD800  }
0x58: {  	_ =	swait.ge [sflag:s14], $0x2800  }
0x59: {  	[sflag:s14] =	ssyncset.done $0x0  }
0x5a: {  	[sflag:s14] =	ssyncadd.s32 $0xFFFFD800  }
0x5b: {  	_ =	swait.ge [sflag:s14], $0x2800  }
0x5c: {  	[sflag:s14] =	ssyncset.done $0x0  }
0x5d: {  	[sflag:s14] =	ssyncadd.s32 $0xFFFFD800  }
0x5e: {  	_ =	swait.ge [sflag:s14], $0x2800  }
0x5f: {  	[sflag:s14] =	ssyncset.done $0x0  }
0x60: {  	[sflag:s14] =	ssyncadd.s32 $0xFFFFD800  }
0x61: {  	_ =	swait.ge [sflag:s14], $0x2800  }
0x62: {  	[sflag:s14] =	ssyncset.done $0x0  }
0x63: {  	[sflag:s14] =	ssyncadd.s32 $0xFFFFD800  }
0x64: {  	_ =	swait.ge [sflag:s14], $0x2800  }
0x65: {  	[sflag:s14] =	ssyncset.done $0x0  }
0x66: {  	[sflag:s14] =	ssyncadd.s32 $0xFFFFD800  }
0x67: {  	_ =	swait.ge [sflag:s14], $0x2800  }
0x68: {  	[sflag:s14] =	ssyncset.done $0x0  }
0x69: {  	[sflag:s14] =	ssyncadd.s32 $0xFFFFD800  }
0x6a: {  	_ =	swait.ge [sflag:s14], $0x2800  }
0x6b: {  	[sflag:s14] =	ssyncset.done $0x0  }
0x6c: {  	[sflag:s14] =	ssyncadd.s32 $0xFFFFD800  }
0x6d: {  	_ =	swait.ge [sflag:s14], $0x2800  }
0x6e: {  	s30 =	simm.s32 $0x2000;
	s31 =	simm.s32 $0x4000;
	[sflag:s14] =	ssyncset.done $0x0  }
.LBB2_2:
0x6f: {  	s0 =	sshra.s32 s30, $0x2  }
0x70: {  	[sflag:s14] =	ssyncadd.s32 $0xFFFFD800;
	s30 =	smov.u32 s31;
	s1 =	sadd.s32 $0x2000, s31  }
0x71: {  	[spmem:s2] =	stream.indirect.scatter.add.f32 [tilespmem:s9], [sflag:$0x1], $0x80, s0, s13, $0xb8;
	[tilespmem:$0x1A400] =	vst v63  }
0x72: {  	p0 =	sne.s32 s31, $0xC000;
	s31 =	sadd.s32 $0x80, s0  }
0x73: {  	[spmem:s2] =	stream.indirect.scatter.add.f32 [tilespmem:s9], [sflag:$0x1], $0x80, s31, s13, $0xb8;
	[tilespmem:$0x1A400] =	vst v63  }
0x74: {  	s31 =	sadd.s32 $0x100, s0  }
0x75: {  	[spmem:s2] =	stream.indirect.scatter.add.f32 [tilespmem:s9], [sflag:$0x1], $0x80, s31, s13, $0xb8;
	[tilespmem:$0x1A400] =	vst v63  }
0x76: {  	s31 =	sadd.s32 $0x180, s0  }
0x77: {  	[spmem:s2] =	stream.indirect.scatter.add.f32 [tilespmem:s9], [sflag:$0x1], $0x80, s31, s13, $0xb8;
	[tilespmem:$0x1A400] =	vst v63  }
0x78: {  	s31 =	sadd.s32 $0x200, s0  }
0x79: {  	[spmem:s2] =	stream.indirect.scatter.add.f32 [tilespmem:s9], [sflag:$0x1], $0x80, s31, s13, $0xb8;
	[tilespmem:$0x1A400] =	vst v63  }
0x7a: {  	s31 =	sadd.s32 $0x280, s0  }
0x7b: {  	[spmem:s2] =	stream.indirect.scatter.add.f32 [tilespmem:s9], [sflag:$0x1], $0x80, s31, s13, $0xb8;
	[tilespmem:$0x1A400] =	vst v63  }
0x7c: {  	s31 =	sadd.s32 $0x300, s0  }
0x7d: {  	[spmem:s2] =	stream.indirect.scatter.add.f32 [tilespmem:s9], [sflag:$0x1], $0x80, s31, s13, $0xb8;
	[tilespmem:$0x1A400] =	vst v63  }
0x7e: {  	s31 =	sadd.s32 $0x380, s0  }
0x7f: {  	[spmem:s2] =	stream.indirect.scatter.add.f32 [tilespmem:s9], [sflag:$0x1], $0x80, s31, s13, $0xb8;
	[tilespmem:$0x1A400] =	vst v63  }
0x80: {  	s31 =	sadd.s32 $0x400, s0  }
0x81: {  	[spmem:s2] =	stream.indirect.scatter.add.f32 [tilespmem:s9], [sflag:$0x1], $0x80, s31, s13, $0xb8;
	[tilespmem:$0x1A400] =	vst v63  }
0x82: {  	s31 =	sadd.s32 $0x480, s0  }
0x83: {  	[spmem:s2] =	stream.indirect.scatter.add.f32 [tilespmem:s9], [sflag:$0x1], $0x80, s31, s13, $0xb8;
	[tilespmem:$0x1A400] =	vst v63  }
0x84: {  	s31 =	sadd.s32 $0x500, s0  }
0x85: {  	[spmem:s2] =	stream.indirect.scatter.add.f32 [tilespmem:s9], [sflag:$0x1], $0x80, s31, s13, $0xb8;
	[tilespmem:$0x1A400] =	vst v63  }
0x86: {  	s31 =	sadd.s32 $0x580, s0  }
0x87: {  	[spmem:s2] =	stream.indirect.scatter.add.f32 [tilespmem:s9], [sflag:$0x1], $0x80, s31, s13, $0xb8;
	[tilespmem:$0x1A400] =	vst v63  }
0x88: {  	s31 =	sadd.s32 $0x600, s0  }
0x89: {  	[spmem:s2] =	stream.indirect.scatter.add.f32 [tilespmem:s9], [sflag:$0x1], $0x80, s31, s13, $0xb8;
	[tilespmem:$0x1A400] =	vst v63  }
0x8a: {  	s31 =	sadd.s32 $0x680, s0  }
0x8b: {  	[spmem:s2] =	stream.indirect.scatter.add.f32 [tilespmem:s9], [sflag:$0x1], $0x80, s31, s13, $0xb8;
	[tilespmem:$0x1A400] =	vst v63  }
0x8c: {  	s31 =	sadd.s32 $0x700, s0  }
0x8d: {  	[spmem:s2] =	stream.indirect.scatter.add.f32 [tilespmem:s9], [sflag:$0x1], $0x80, s31, s13, $0xb8;
	[tilespmem:$0x1A400] =	vst v63  }
0x8e: {  	s0 =	sadd.s32 $0x780, s0  }
0x8f: {  	[spmem:s2] =	stream.indirect.scatter.add.f32 [tilespmem:s9], [sflag:$0x1], $0x80, s0, s13, $0xb8;
	[tilespmem:$0x1A400] =	vst v63  }
0x90: {  	_ =	swait.ge [sflag:s14], $0x2800  }
0x91: {  	[sflag:s14] =	ssyncset.done $0x0  }
0x92: {  	[sflag:s14] =	ssyncadd.s32 $0xFFFFD800  }
0x93: {  	_ =	swait.ge [sflag:s14], $0x2800  }
0x94: {  	[sflag:s14] =	ssyncset.done $0x0  }
0x95: {  	[sflag:s14] =	ssyncadd.s32 $0xFFFFD800  }
0x96: {  	_ =	swait.ge [sflag:s14], $0x2800  }
0x97: {  	[sflag:s14] =	ssyncset.done $0x0  }
0x98: {  	[sflag:s14] =	ssyncadd.s32 $0xFFFFD800  }
0x99: {  	_ =	swait.ge [sflag:s14], $0x2800  }
0x9a: {  	[sflag:s14] =	ssyncset.done $0x0  }
0x9b: {  	[sflag:s14] =	ssyncadd.s32 $0xFFFFD800  }
0x9c: {  	_ =	swait.ge [sflag:s14], $0x2800  }
0x9d: {  	[sflag:s14] =	ssyncset.done $0x0  }
0x9e: {  	[sflag:s14] =	ssyncadd.s32 $0xFFFFD800  }
0x9f: {  	_ =	swait.ge [sflag:s14], $0x2800  }
0xa0: {  	[sflag:s14] =	ssyncset.done $0x0  }
0xa1: {  	[sflag:s14] =	ssyncadd.s32 $0xFFFFD800  }
0xa2: {  	_ =	swait.ge [sflag:s14], $0x2800  }
0xa3: {  	[sflag:s14] =	ssyncset.done $0x0  }
0xa4: {  	[sflag:s14] =	ssyncadd.s32 $0xFFFFD800  }
0xa5: {  	_ =	swait.ge [sflag:s14], $0x2800  }
0xa6: {  	[sflag:s14] =	ssyncset.done $0x0  }
0xa7: {  	[sflag:s14] =	ssyncadd.s32 $0xFFFFD800  }
0xa8: {  	_ =	swait.ge [sflag:s14], $0x2800  }
0xa9: {  	[sflag:s14] =	ssyncset.done $0x0  }
0xaa: {  	[sflag:s14] =	ssyncadd.s32 $0xFFFFD800  }
0xab: {  	_ =	swait.ge [sflag:s14], $0x2800  }
0xac: {  	[sflag:s14] =	ssyncset.done $0x0  }
0xad: {  	[sflag:s14] =	ssyncadd.s32 $0xFFFFD800  }
0xae: {  	_ =	swait.ge [sflag:s14], $0x2800  }
0xaf: {  	[sflag:s14] =	ssyncset.done $0x0  }
0xb0: {  	[sflag:s14] =	ssyncadd.s32 $0xFFFFD800  }
0xb1: {  	_ =	swait.ge [sflag:s14], $0x2800  }
0xb2: {  	[sflag:s14] =	ssyncset.done $0x0  }
0xb3: {  	[sflag:s14] =	ssyncadd.s32 $0xFFFFD800  }
0xb4: {  	_ =	swait.ge [sflag:s14], $0x2800  }
0xb5: {  	[sflag:s14] =	ssyncset.done $0x0  }
0xb6: {  	[sflag:s14] =	ssyncadd.s32 $0xFFFFD800  }
0xb7: {  	_ =	swait.ge [sflag:s14], $0x2800  }
0xb8: {  	[sflag:s14] =	ssyncset.done $0x0  }
0xb9: {  	[sflag:s14] =	ssyncadd.s32 $0xFFFFD800  }
.Ltmp0:
0xba: {  	_ =	swait.ge [sflag:s14], $0x2800;
	(pc) =	sbr.rel @p0 .LBB2_2-.Ltmp0, $4  }
0xbb: {  	[sflag:s14] =	ssyncset.done $0x0  }
0xbc: {  	[sflag:s14] =	ssyncadd.s32 $0xFFFFD800  }
0xbd: {  	_ =	swait.ge [sflag:s14], $0x2800  }
0xbe: {  	s31 =	smov.u32 s1;
	[sflag:s14] =	ssyncset.done $0x0  }
0xbf: {  	s0 =	sshra.s32 s30, $0x2;
	[sflag:s14] =	ssyncadd.s32 $0xFFFFD800  }
0xc0: {  	[spmem:s2] =	stream.indirect.scatter.add.f32 [tilespmem:s9], [sflag:$0x1], $0x80, s0, s13, $0xb8;
	[tilespmem:$0x1A400] =	vst v63  }
0xc1: {  	s1 =	sadd.s32 $0x80, s0  }
0xc2: {  	[spmem:s2] =	stream.indirect.scatter.add.f32 [tilespmem:s9], [sflag:$0x1], $0x80, s1, s13, $0xb8;
	[tilespmem:$0x1A400] =	vst v63  }
0xc3: {  	s31 =	sadd.s32 $0x100, s0  }
0xc4: {  	[spmem:s2] =	stream.indirect.scatter.add.f32 [tilespmem:s9], [sflag:$0x1], $0x80, s31, s13, $0xb8;
	[tilespmem:$0x1A400] =	vst v63  }
0xc5: {  	s30 =	sadd.s32 $0x180, s0  }
0xc6: {  	[spmem:s2] =	stream.indirect.scatter.add.f32 [tilespmem:s9], [sflag:$0x1], $0x80, s30, s13, $0xb8;
	[tilespmem:$0x1A400] =	vst v63  }
0xc7: {  	s31 =	sadd.s32 $0x200, s0  }
0xc8: {  	[spmem:s2] =	stream.indirect.scatter.add.f32 [tilespmem:s9], [sflag:$0x1], $0x80, s31, s13, $0xb8;
	[tilespmem:$0x1A400] =	vst v63  }
0xc9: {  	s30 =	sadd.s32 $0x280, s0  }
0xca: {  	[spmem:s2] =	stream.indirect.scatter.add.f32 [tilespmem:s9], [sflag:$0x1], $0x80, s30, s13, $0xb8;
	[tilespmem:$0x1A400] =	vst v63  }
0xcb: {  	s31 =	sadd.s32 $0x300, s0  }
0xcc: {  	[spmem:s2] =	stream.indirect.scatter.add.f32 [tilespmem:s9], [sflag:$0x1], $0x80, s31, s13, $0xb8;
	[tilespmem:$0x1A400] =	vst v63  }
0xcd: {  	s30 =	sadd.s32 $0x380, s0  }
0xce: {  	[spmem:s2] =	stream.indirect.scatter.add.f32 [tilespmem:s9], [sflag:$0x1], $0x80, s30, s13, $0xb8;
	[tilespmem:$0x1A400] =	vst v63  }
0xcf: {  	s31 =	sadd.s32 $0x400, s0  }
0xd0: {  	[spmem:s2] =	stream.indirect.scatter.add.f32 [tilespmem:s9], [sflag:$0x1], $0x80, s31, s13, $0xb8;
	[tilespmem:$0x1A400] =	vst v63  }
0xd1: {  	s30 =	sadd.s32 $0x480, s0  }
0xd2: {  	[spmem:s2] =	stream.indirect.scatter.add.f32 [tilespmem:s9], [sflag:$0x1], $0x80, s30, s13, $0xb8;
	[tilespmem:$0x1A400] =	vst v63  }
0xd3: {  	s31 =	sadd.s32 $0x500, s0  }
0xd4: {  	[spmem:s2] =	stream.indirect.scatter.add.f32 [tilespmem:s9], [sflag:$0x1], $0x80, s31, s13, $0xb8;
	[tilespmem:$0x1A400] =	vst v63  }
0xd5: {  	s30 =	sadd.s32 $0x580, s0  }
0xd6: {  	[spmem:s2] =	stream.indirect.scatter.add.f32 [tilespmem:s9], [sflag:$0x1], $0x80, s30, s13, $0xb8;
	[tilespmem:$0x1A400] =	vst v63  }
0xd7: {  	s31 =	sadd.s32 $0x600, s0  }
0xd8: {  	[spmem:s2] =	stream.indirect.scatter.add.f32 [tilespmem:s9], [sflag:$0x1], $0x80, s31, s13, $0xb8;
	[tilespmem:$0x1A400] =	vst v63  }
0xd9: {  	s30 =	sadd.s32 $0x680, s0  }
0xda: {  	[spmem:s2] =	stream.indirect.scatter.add.f32 [tilespmem:s9], [sflag:$0x1], $0x80, s30, s13, $0xb8;
	[tilespmem:$0x1A400] =	vst v63  }
0xdb: {  	s31 =	sadd.s32 $0x700, s0  }
0xdc: {  	[spmem:s2] =	stream.indirect.scatter.add.f32 [tilespmem:s9], [sflag:$0x1], $0x80, s31, s13, $0xb8;
	[tilespmem:$0x1A400] =	vst v63  }
0xdd: {  	s0 =	sadd.s32 $0x780, s0  }
0xde: {  	[spmem:s2] =	stream.indirect.scatter.add.f32 [tilespmem:s9], [sflag:$0x1], $0x80, s0, s13, $0xb8;
	[tilespmem:$0x1A400] =	vst v63  }
0xdf: {  	_ =	swait.ge [sflag:s14], $0x2800  }
0xe0: {  	[sflag:s14] =	ssyncset.done $0x0  }
0xe1: {  	[sflag:s14] =	ssyncadd.s32 $0xFFFFD800  }
0xe2: {  	_ =	swait.ge [sflag:s14], $0x2800  }
0xe3: {  	[sflag:s14] =	ssyncset.done $0x0  }
0xe4: {  	[sflag:s14] =	ssyncadd.s32 $0xFFFFD800  }
0xe5: {  	_ =	swait.ge [sflag:s14], $0x2800  }
0xe6: {  	[sflag:s14] =	ssyncset.done $0x0  }
0xe7: {  	[sflag:s14] =	ssyncadd.s32 $0xFFFFD800  }
0xe8: {  	_ =	swait.ge [sflag:s14], $0x2800  }
0xe9: {  	[sflag:s14] =	ssyncset.done $0x0  }
0xea: {  	[sflag:s14] =	ssyncadd.s32 $0xFFFFD800  }
0xeb: {  	_ =	swait.ge [sflag:s14], $0x2800  }
0xec: {  	[sflag:s14] =	ssyncset.done $0x0  }
0xed: {  	[sflag:s14] =	ssyncadd.s32 $0xFFFFD800  }
0xee: {  	_ =	swait.ge [sflag:s14], $0x2800  }
0xef: {  	[sflag:s14] =	ssyncset.done $0x0  }
0xf0: {  	[sflag:s14] =	ssyncadd.s32 $0xFFFFD800  }
0xf1: {  	_ =	swait.ge [sflag:s14], $0x2800  }
0xf2: {  	[sflag:s14] =	ssyncset.done $0x0  }
0xf3: {  	[sflag:s14] =	ssyncadd.s32 $0xFFFFD800  }
0xf4: {  	_ =	swait.ge [sflag:s14], $0x2800  }
0xf5: {  	[sflag:s14] =	ssyncset.done $0x0  }
0xf6: {  	[sflag:s14] =	ssyncadd.s32 $0xFFFFD800  }
0xf7: {  	_ =	swait.ge [sflag:s14], $0x2800  }
0xf8: {  	[sflag:s14] =	ssyncset.done $0x0  }
0xf9: {  	[sflag:s14] =	ssyncadd.s32 $0xFFFFD800  }
0xfa: {  	_ =	swait.ge [sflag:s14], $0x2800  }
0xfb: {  	[sflag:s14] =	ssyncset.done $0x0  }
0xfc: {  	[sflag:s14] =	ssyncadd.s32 $0xFFFFD800  }
0xfd: {  	_ =	swait.ge [sflag:s14], $0x2800  }
0xfe: {  	[sflag:s14] =	ssyncset.done $0x0  }
0xff: {  	[sflag:s14] =	ssyncadd.s32 $0xFFFFD800  }
0x100: {  	_ =	swait.ge [sflag:s14], $0x2800  }
0x101: {  	[sflag:s14] =	ssyncset.done $0x0  }
0x102: {  	[sflag:s14] =	ssyncadd.s32 $0xFFFFD800  }
0x103: {  	_ =	swait.ge [sflag:s14], $0x2800  }
0x104: {  	[sflag:s14] =	ssyncset.done $0x0  }
0x105: {  	[sflag:s14] =	ssyncadd.s32 $0xFFFFD800  }
0x106: {  	_ =	swait.ge [sflag:s14], $0x2800  }
0x107: {  	[sflag:s14] =	ssyncset.done $0x0  }
0x108: {  	[sflag:s14] =	ssyncadd.s32 $0xFFFFD800  }
0x109: {  	_ =	swait.ge [sflag:s14], $0x2800  }
0x10a: {  	[sflag:s14] =	ssyncset.done $0x0  }
0x10b: {  	[sflag:s14] =	ssyncadd.s32 $0xFFFFD800  }
0x10c: {  	_ =	swait.ge [sflag:s14], $0x2800  }
0x10d: {  	[sflag:s14] =	ssyncset.done $0x0  }
0x10e: {  	[sflag:s14] =	ssyncadd.s32 $0xFFFFD800  }
0x10f: {  	[spmem:s2] =	stream.indirect.scatter.add.f32 [tilespmem:s9], [sflag:$0x2], $0x80, s15, s13, $0xb8;
	[tilespmem:$0x1A400] =	vst v63  }
0x110: {  	_ =	swait.ge [sflag:s10], $0x2800  }
0x111: {  	[sflag:s10] =	ssyncset.done $0x0  }
0x112: {  	[sflag:s10] =	ssyncadd.s32 $0xFFFFD800  }
0x113: {  	[spmem:s2] =	stream.indirect.scatter.add.f32 [tilespmem:s9], [sflag:$0x2], $0x80, s16, s13, $0xb8;
	[tilespmem:$0x1A400] =	vst v63  }
0x114: {  	_ =	swait.ge [sflag:s10], $0x2800  }
0x115: {  	[sflag:s10] =	ssyncset.done $0x0  }
0x116: {  	[sflag:s10] =	ssyncadd.s32 $0xFFFFD800  }
0x117: {  	[spmem:s2] =	stream.indirect.scatter.add.f32 [tilespmem:s9], [sflag:$0x2], $0x80, s17, s13, $0xb8;
	[tilespmem:$0x1A400] =	vst v63  }
0x118: {  	_ =	swait.ge [sflag:s10], $0x2800  }
0x119: {  	[sflag:s10] =	ssyncset.done $0x0  }
0x11a: {  	[sflag:s10] =	ssyncadd.s32 $0xFFFFD800  }
0x11b: {  	[spmem:s2] =	stream.indirect.scatter.add.f32 [tilespmem:s9], [sflag:$0x2], $0x80, s18, s13, $0xb8;
	[tilespmem:$0x1A400] =	vst v63  }
0x11c: {  	_ =	swait.ge [sflag:s10], $0x2800  }
0x11d: {  	[sflag:s10] =	ssyncset.done $0x0  }
0x11e: {  	[sflag:s10] =	ssyncadd.s32 $0xFFFFD800  }
0x11f: {  	[spmem:s2] =	stream.indirect.scatter.add.f32 [tilespmem:s9], [sflag:$0x2], $0x80, s19, s13, $0xb8;
	[tilespmem:$0x1A400] =	vst v63  }
0x120: {  	_ =	swait.ge [sflag:s10], $0x2800  }
0x121: {  	[sflag:s10] =	ssyncset.done $0x0  }
0x122: {  	[sflag:s10] =	ssyncadd.s32 $0xFFFFD800  }
0x123: {  	[spmem:s2] =	stream.indirect.scatter.add.f32 [tilespmem:s9], [sflag:$0x2], $0x80, s20, s13, $0xb8;
	[tilespmem:$0x1A400] =	vst v63  }
0x124: {  	_ =	swait.ge [sflag:s10], $0x2800  }
0x125: {  	[sflag:s10] =	ssyncset.done $0x0  }
0x126: {  	[sflag:s10] =	ssyncadd.s32 $0xFFFFD800  }
0x127: {  	[spmem:s2] =	stream.indirect.scatter.add.f32 [tilespmem:s9], [sflag:$0x2], $0x80, s21, s13, $0xb8;
	[tilespmem:$0x1A400] =	vst v63  }
0x128: {  	_ =	swait.ge [sflag:s10], $0x2800  }
0x129: {  	[sflag:s10] =	ssyncset.done $0x0  }
0x12a: {  	[sflag:s10] =	ssyncadd.s32 $0xFFFFD800  }
0x12b: {  	[spmem:s2] =	stream.indirect.scatter.add.f32 [tilespmem:s9], [sflag:$0x2], $0x80, s22, s13, $0xb8;
	[tilespmem:$0x1A400] =	vst v63  }
0x12c: {  	_ =	swait.ge [sflag:s10], $0x2800  }
0x12d: {  	[sflag:s10] =	ssyncset.done $0x0  }
0x12e: {  	[sflag:s10] =	ssyncadd.s32 $0xFFFFD800  }
0x12f: {  	[spmem:s2] =	stream.indirect.scatter.add.f32 [tilespmem:s9], [sflag:$0x2], $0x80, s23, s13, $0xb8;
	[tilespmem:$0x1A400] =	vst v63  }
0x130: {  	_ =	swait.ge [sflag:s10], $0x2800  }
0x131: {  	[sflag:s10] =	ssyncset.done $0x0  }
0x132: {  	[sflag:s10] =	ssyncadd.s32 $0xFFFFD800  }
0x133: {  	[spmem:s2] =	stream.indirect.scatter.add.f32 [tilespmem:s9], [sflag:$0x2], $0x80, s24, s13, $0xb8;
	[tilespmem:$0x1A400] =	vst v63  }
0x134: {  	_ =	swait.ge [sflag:s10], $0x2800  }
0x135: {  	[sflag:s10] =	ssyncset.done $0x0  }
0x136: {  	[sflag:s10] =	ssyncadd.s32 $0xFFFFD800  }
0x137: {  	[spmem:s2] =	stream.indirect.scatter.add.f32 [tilespmem:s9], [sflag:$0x2], $0x80, s25, s13, $0xb8;
	[tilespmem:$0x1A400] =	vst v63  }
0x138: {  	_ =	swait.ge [sflag:s10], $0x2800  }
0x139: {  	[sflag:s10] =	ssyncset.done $0x0  }
0x13a: {  	[sflag:s10] =	ssyncadd.s32 $0xFFFFD800  }
0x13b: {  	[spmem:s2] =	stream.indirect.scatter.add.f32 [tilespmem:s9], [sflag:$0x2], $0x80, s26, s13, $0xb8;
	[tilespmem:$0x1A400] =	vst v63  }
0x13c: {  	_ =	swait.ge [sflag:s10], $0x2800  }
0x13d: {  	[sflag:s10] =	ssyncset.done $0x0  }
0x13e: {  	[sflag:s10] =	ssyncadd.s32 $0xFFFFD800  }
0x13f: {  	[spmem:s2] =	stream.indirect.scatter.add.f32 [tilespmem:s9], [sflag:$0x2], $0x80, s28, s13, $0xb8;
	[tilespmem:$0x1A400] =	vst v63  }
0x140: {  	_ =	swait.ge [sflag:s10], $0x2800  }
0x141: {  	s29 =	sadd.s32 $0x1, s29;
	[sflag:s10] =	ssyncset.done $0x0  }
0x142: {  	p0 =	sne.s32 s29, s8;
	[sflag:s10] =	ssyncadd.s32 $0xFFFFD800  }
.Ltmp1:
0x143: {  	[bflag:$0x0] =	sbarrier.arrive $0xFFFF;
	(pc) =	sbr.rel @p0 .LBB2_1-.Ltmp1, $4  }
0x144: {  	[hbm:s7], [sflag:s11] =	dma.local [spmem:s12], $0x2780  }
0x145: {  	_ =	swait.ge [sflag:s10], $0x2780  }
0x146: {  	[sflag:s10] =	ssyncset.done $0x0  }
0x147: {  	[sflag:s10] =	ssyncadd.s32 $0xFFFFD880  }
0x148: {  	_ =	sfence.sel $0x180000  }
0x149: {  	[bflag:$0x0] =	sbarrier.arrive $0xFFFF  }
0x14a: {  	_ =	strace $0x90000047  }
0x14b: {  	s0 =	stileid.u32;
	[bflag:$0x2] =	sbarrier.arrive $0xFFFF  }
0x14c: {  	p0 =	sne.s32 s0, $0x0;
	s0 =	rddreg [dreg:$0x3]  }
0x14d: {  	s0 =	sadd.s32 @!p0 $0x100000, s0  }
0x14e: {  	[sflag:s0] =	ssyncadd.tile.s32 @!p0 $0x1;
	_ =	shalt  }
.Lfunc_end2:
_tile_overlayer_lowered:
.L_overlay_start_2:
0x14f: {  	(tag) =	ssettag $0x2  }
0x150: {  	s0 =	rddreg [dreg:$0x0];
	s2 =	stileid.u32  }
0x151: {  	s1 =	rddreg [dreg:$0x1];
	p0 =	sne.s32 s2, $0x0  }
0x152: {  	s3 =	rddreg [dreg:$0x2];
	[bflag:$0x3] =	sbarrier.arrive $0xFFFF;
	s2 =	simm.s32 @!p0 $0x1C02  }
0x153: {  	[timem:s3], [sflag:s2] =	dma.local @!p0 [hbm:s0], s1  }
0x154: {  	s0 =	simm.s32 @!p0 $0x2  }
0x155: {  	_ =	swait.ge @!p0 [sflag:s0], s1  }
0x156: {  	s1 =	ssub.s32 @!p0 $0x0, s1;
	[sflag:s0] =	ssyncset.done @!p0 $0x0  }
0x157: {  	[sflag:s0] =	ssyncadd.s32 @!p0 s1  }
0x158: {  	[bflag:$0x3] =	sbarrier.arrive $0xFFFF  }
0x159: {  	_ =	shalt  }

</sc_bundles>
